<compile_context>
chip_gen: v7x
topology: tpu7x:2x2x1
jax: 0.10.2.dev20260603
libtpu: 0.0.44.dev20260713+nightly
codegen_flags: <defaults>
</compile_context>

<pallas_src>
import functools
import jax
import jax.numpy as jnp
from jax.experimental import pallas as pl
from jax.experimental.pallas import tpu as pltpu

N = 10000
F_IN = 256
HID = 256
HEADS = 4
CLASSES = 40

ROW_BLK = 1000


def _mm1_body(x_ref, w_ref, a_ref, h_ref, logits_ref):
    h = jnp.dot(x_ref[...], w_ref[...], preferred_element_type=jnp.float32)
    h_ref[...] = h
    logits_ref[...] = jnp.dot(h, a_ref[...], preferred_element_type=jnp.float32)


def _proj_with_logits(x, Wt, A, out_dim, n_logit):
    grid = (N // ROW_BLK,)
    return pl.pallas_call(
        _mm1_body,
        grid=grid,
        in_specs=[
            pl.BlockSpec((ROW_BLK, x.shape[1]), lambda i: (i, 0)),
            pl.BlockSpec((x.shape[1], out_dim), lambda i: (0, 0)),
            pl.BlockSpec((out_dim, n_logit), lambda i: (0, 0)),
        ],
        out_specs=[
            pl.BlockSpec((ROW_BLK, out_dim), lambda i: (i, 0)),
            pl.BlockSpec((ROW_BLK, n_logit), lambda i: (i, 0)),
        ],
        out_shape=[
            jax.ShapeDtypeStruct((N, out_dim), jnp.float32),
            jax.ShapeDtypeStruct((N, n_logit), jnp.float32),
        ],
    )(x, Wt, A)


def _edge_phase(h, a_src, a_dst, src, dst, heads, ch):
    alpha = a_src[src] + a_dst[dst]
    alpha = jax.nn.leaky_relu(alpha, negative_slope=0.2)
    ex = jnp.exp(alpha)
    denom = jax.ops.segment_sum(ex, dst, num_segments=N)
    hh = h.reshape(N, heads, ch)
    msg = hh[src] * ex[:, :, None]
    agg = jax.ops.segment_sum(msg, dst, num_segments=N)
    out = agg / (denom[:, :, None] + 1e-16)
    return out.reshape(N, heads * ch)


def kernel(x, edge_index, W1, att_src1, att_dst1, b1, W2, att_src2, att_dst2, b2):
    loop = jnp.arange(N, dtype=edge_index.dtype)
    src = jnp.concatenate([edge_index[0], loop])
    dst = jnp.concatenate([edge_index[1], loop])

    eye = jnp.eye(HEADS, dtype=jnp.float32)
    A1 = jnp.concatenate(
        [
            (att_src1[:, :, None] * eye[:, None, :]).reshape(HEADS * HID, HEADS),
            (att_dst1[:, :, None] * eye[:, None, :]).reshape(HEADS * HID, HEADS),
        ],
        axis=1,
    )

    h1, logits1 = _proj_with_logits(x, W1.T, A1, HEADS * HID, 2 * HEADS)
    out1 = _edge_phase(h1, logits1[:, :HEADS], logits1[:, HEADS:], src, dst, HEADS, HID)
    out1 = jax.nn.relu(out1 + b1)

    A2 = jnp.concatenate([att_src2.T, att_dst2.T], axis=1)
    h2, logits2 = _proj_with_logits(out1, W2.T, A2, CLASSES, 2)
    out2 = _edge_phase(h2, logits2[:, :1], logits2[:, 1:], src, dst, 1, CLASSES)
    out2 = out2 + b2
    return jax.nn.log_softmax(out2, axis=1)

# --- scband reference (transcript-rebuilt; emitter-appended) ---
"""Pipeline reference for scband-gat-88493506166797 (READ-ONLY COPY).

The authoritative reference and input builder live on the scoring server;
editing this copy changes nothing except your own understanding.
"""

import jax, jax.numpy as jnp
import numpy as np

N = 10000
E = 160000
F_IN = 256
HID = 256
HEADS = 4
CLASSES = 40


def setup_inputs(seed: int = 0) -> dict:
    key = jax.random.key(seed)
    ks = jax.random.split(key, 12)
    x = jax.random.normal(ks[0], (N, F_IN), dtype=jnp.float32)
    edge_index = jax.random.randint(ks[1], (2, E), 0, N)
    W1 = 0.1 * jax.random.normal(ks[2], (HEADS * HID, F_IN), dtype=jnp.float32)
    att_src1 = 0.1 * jax.random.normal(ks[3], (HEADS, HID), dtype=jnp.float32)
    att_dst1 = 0.1 * jax.random.normal(ks[4], (HEADS, HID), dtype=jnp.float32)
    b1 = jnp.zeros((HEADS * HID,), dtype=jnp.float32)
    W2 = 0.1 * jax.random.normal(ks[5], (CLASSES, HEADS * HID), dtype=jnp.float32)
    att_src2 = 0.1 * jax.random.normal(ks[6], (1, CLASSES), dtype=jnp.float32)
    att_dst2 = 0.1 * jax.random.normal(ks[7], (1, CLASSES), dtype=jnp.float32)
    b2 = jnp.zeros((CLASSES,), dtype=jnp.float32)
    return {"x": x, "edge_index": edge_index, "W1": W1, "att_src1": att_src1,
            "att_dst1": att_dst1, "b1": b1, "W2": W2, "att_src2": att_src2,
            "att_dst2": att_dst2, "b2": b2}


def gat_conv(x, edge_index, W, att_src, att_dst, bias, heads, out_ch):
    n = x.shape[0]
    # PyG GATConv default: add self-loops
    loop = jnp.arange(n, dtype=edge_index.dtype)
    src = jnp.concatenate([edge_index[0], loop])
    dst = jnp.concatenate([edge_index[1], loop])
    # linear projection, split into heads
    h = (x @ W.T).reshape(n, heads, out_ch)
    # per-node attention logits
    a_src = (h * att_src[None, :, :]).sum(-1)  # [n, heads]
    a_dst = (h * att_dst[None, :, :]).sum(-1)  # [n, heads]
    # per-edge attention (gather)
    alpha = a_src[src] + a_dst[dst]  # [e, heads]
    alpha = jax.nn.leaky_relu(alpha, negative_slope=0.2)
    # softmax over incoming edges per destination node
    amax = jax.ops.segment_max(alpha, dst, num_segments=n)
    amax = jnp.where(jnp.isfinite(amax), amax, 0.0)
    ex = jnp.exp(alpha - amax[dst])
    denom = jax.ops.segment_sum(ex, dst, num_segments=n)
    alpha = ex / (denom[dst] + 1e-16)
    # weighted message passing (gather + scatter-add)
    msg = h[src] * alpha[:, :, None]  # [e, heads, out_ch]
    out = jax.ops.segment_sum(msg, dst, num_segments=n)  # [n, heads, out_ch]
    out = out.reshape(n, heads * out_ch) + bias
    return out


def reference(x, edge_index, W1, att_src1, att_dst1, b1, W2, att_src2, att_dst2, b2):
    h = gat_conv(x, edge_index, W1, att_src1, att_dst1, b1, HEADS, HID)
    h = jax.nn.relu(h)
    # F.dropout skipped (deterministic eval-mode reference)
    h = gat_conv(h, edge_index, W2, att_src2, att_dst2, b2, 1, CLASSES)
    return jax.nn.log_softmax(h, axis=1)

if __name__ == "__main__":
    import jax
    _d = setup_inputs()
    print(jax.jit(kernel)(*tuple(_d.values())))

</pallas_src>

<mosaic_0001>
module attributes {stable_mosaic.version = 14 : i64} {
  func.func @_mm1_body(%arg0: i32, %arg1: memref<1000x256xf32, #tpu.memory_space<vmem>>, %arg2: memref<256x1024xf32, #tpu.memory_space<vmem>>, %arg3: memref<1024x8xf32, #tpu.memory_space<vmem>>, %arg4: memref<1000x1024xf32, #tpu.memory_space<vmem>>, %arg5: memref<1000x8xf32, #tpu.memory_space<vmem>>) attributes {dimension_semantics = [#tpu.dimension_semantics<arbitrary>], iteration_bounds = array<i64: 10>, scalar_prefetch = 0 : i64, scratch_operands = 0 : i64, tpu.core_type = #tpu.core_type<tc>, window_params = [{transform_indices = @transform_0, window_bounds = array<i64: 1000, 256>}, {pipeline_mode = #tpu.pipeline_mode<synchronous>, transform_indices = @transform_1, window_bounds = array<i64: 256, 1024>}, {pipeline_mode = #tpu.pipeline_mode<synchronous>, transform_indices = @transform_2, window_bounds = array<i64: 1024, 8>}, {transform_indices = @transform_3, window_bounds = array<i64: 1000, 1024>}, {transform_indices = @transform_4, window_bounds = array<i64: 1000, 8>}]} {
    %get3A = arith.constant 0 : index
    %get3A_0 = arith.constant 0 : index
    %get3A_1 = vector.load %arg1[%get3A, %get3A_0] : memref<1000x256xf32, #tpu.memory_space<vmem>>, vector<1000x256xf32>
    %get3A_2 = arith.constant 0 : index
    %get3A_3 = arith.constant 0 : index
    %get3A_4 = vector.load %arg2[%get3A_2, %get3A_3] : memref<256x1024xf32, #tpu.memory_space<vmem>>, vector<256x1024xf32>
    %dot_general3A = arith.constant dense<0.000000e+00> : vector<1000x1024xf32>
    %dot_general3A_5 = tpu.matmul %get3A_1, %get3A_4, %dot_general3A {dimension_numbers = #tpu.dot_dimension_numbers<[1], [0], [0], [1], [0, 0, 1, 1], [], []>, transpose_lhs_hint = false} : vector<1000x256xf32>, vector<256x1024xf32>, vector<1000x1024xf32> -> vector<1000x1024xf32>
    %swap3A = arith.constant 0 : index
    %swap3A_6 = arith.constant 0 : index
    %swap3A_7 = vector.load %arg4[%swap3A, %swap3A_6] : memref<1000x1024xf32, #tpu.memory_space<vmem>>, vector<1000x1024xf32>
    tpu.vector_store %arg4[%swap3A, %swap3A_6], %dot_general3A_5 {strides = array<i32>} : memref<1000x1024xf32, #tpu.memory_space<vmem>>, vector<1000x1024xf32>,
    %get3A_8 = arith.constant 0 : index
    %get3A_9 = arith.constant 0 : index
    %get3A_10 = vector.load %arg3[%get3A_8, %get3A_9] : memref<1024x8xf32, #tpu.memory_space<vmem>>, vector<1024x8xf32>
    %dot_general3A_11 = arith.constant dense<0.000000e+00> : vector<1000x8xf32>
    %dot_general3A_12 = tpu.matmul %dot_general3A_5, %get3A_10, %dot_general3A_11 {dimension_numbers = #tpu.dot_dimension_numbers<[1], [0], [0], [1], [0, 0, 1, 1], [], []>, transpose_lhs_hint = false} : vector<1000x1024xf32>, vector<1024x8xf32>, vector<1000x8xf32> -> vector<1000x8xf32>
    %swap3A_13 = arith.constant 0 : index
    %swap3A_14 = arith.constant 0 : index
    %swap3A_15 = vector.load %arg5[%swap3A_13, %swap3A_14] : memref<1000x8xf32, #tpu.memory_space<vmem>>, vector<1000x8xf32>
    tpu.vector_store %arg5[%swap3A_13, %swap3A_14], %dot_general3A_12 {strides = array<i32>} : memref<1000x8xf32, #tpu.memory_space<vmem>>, vector<1000x8xf32>,
    return
  }
  func.func @transform_0(%arg0: i32) -> (i32, i32) {
    %c0_i32 = arith.constant 0 : i32
    %c0_i32_0 = arith.constant 0 : i32
    return %arg0, %c0_i32 : i32, i32
  }
  func.func @transform_1(%arg0: i32) -> (i32, i32) {
    %c0_i32 = arith.constant 0 : i32
    %c0_i32_0 = arith.constant 0 : i32
    %c0_i32_1 = arith.constant 0 : i32
    return %c0_i32, %c0_i32_0 : i32, i32
  }
  func.func @transform_2(%arg0: i32) -> (i32, i32) {
    %c0_i32 = arith.constant 0 : i32
    %c0_i32_0 = arith.constant 0 : i32
    %c0_i32_1 = arith.constant 0 : i32
    return %c0_i32, %c0_i32_0 : i32, i32
  }
  func.func @transform_3(%arg0: i32) -> (i32, i32) {
    %c0_i32 = arith.constant 0 : i32
    %c0_i32_0 = arith.constant 0 : i32
    return %arg0, %c0_i32 : i32, i32
  }
  func.func @transform_4(%arg0: i32) -> (i32, i32) {
    %c0_i32 = arith.constant 0 : i32
    %c0_i32_0 = arith.constant 0 : i32
    return %arg0, %c0_i32 : i32, i32
  }
}

module attributes {stable_mosaic.version = 14 : i64} {
  func.func @_mm1_body(%arg0: i32, %arg1: memref<1000x1024xf32, #tpu.memory_space<vmem>>, %arg2: memref<1024x40xf32, #tpu.memory_space<vmem>>, %arg3: memref<40x2xf32, #tpu.memory_space<vmem>>, %arg4: memref<1000x40xf32, #tpu.memory_space<vmem>>, %arg5: memref<1000x2xf32, #tpu.memory_space<vmem>>) attributes {dimension_semantics = [#tpu.dimension_semantics<arbitrary>], iteration_bounds = array<i64: 10>, scalar_prefetch = 0 : i64, scratch_operands = 0 : i64, tpu.core_type = #tpu.core_type<tc>, window_params = [{transform_indices = @transform_0, window_bounds = array<i64: 1000, 1024>}, {pipeline_mode = #tpu.pipeline_mode<synchronous>, transform_indices = @transform_1, window_bounds = array<i64: 1024, 40>}, {pipeline_mode = #tpu.pipeline_mode<synchronous>, transform_indices = @transform_2, window_bounds = array<i64: 40, 2>}, {transform_indices = @transform_3, window_bounds = array<i64: 1000, 40>}, {transform_indices = @transform_4, window_bounds = array<i64: 1000, 2>}]} {
    %get3A = arith.constant 0 : index
    %get3A_0 = arith.constant 0 : index
    %get3A_1 = vector.load %arg1[%get3A, %get3A_0] : memref<1000x1024xf32, #tpu.memory_space<vmem>>, vector<1000x1024xf32>
    %get3A_2 = arith.constant 0 : index
    %get3A_3 = arith.constant 0 : index
    %get3A_4 = vector.load %arg2[%get3A_2, %get3A_3] : memref<1024x40xf32, #tpu.memory_space<vmem>>, vector<1024x40xf32>
    %dot_general3A = arith.constant dense<0.000000e+00> : vector<1000x40xf32>
    %dot_general3A_5 = tpu.matmul %get3A_1, %get3A_4, %dot_general3A {dimension_numbers = #tpu.dot_dimension_numbers<[1], [0], [0], [1], [0, 0, 1, 1], [], []>, transpose_lhs_hint = false} : vector<1000x1024xf32>, vector<1024x40xf32>, vector<1000x40xf32> -> vector<1000x40xf32>
    %swap3A = arith.constant 0 : index
    %swap3A_6 = arith.constant 0 : index
    %swap3A_7 = vector.load %arg4[%swap3A, %swap3A_6] : memref<1000x40xf32, #tpu.memory_space<vmem>>, vector<1000x40xf32>
    tpu.vector_store %arg4[%swap3A, %swap3A_6], %dot_general3A_5 {strides = array<i32>} : memref<1000x40xf32, #tpu.memory_space<vmem>>, vector<1000x40xf32>,
    %get3A_8 = arith.constant 0 : index
    %get3A_9 = arith.constant 0 : index
    %get3A_10 = vector.load %arg3[%get3A_8, %get3A_9] : memref<40x2xf32, #tpu.memory_space<vmem>>, vector<40x2xf32>
    %dot_general3A_11 = arith.constant dense<0.000000e+00> : vector<1000x2xf32>
    %dot_general3A_12 = tpu.matmul %dot_general3A_5, %get3A_10, %dot_general3A_11 {dimension_numbers = #tpu.dot_dimension_numbers<[1], [0], [0], [1], [0, 0, 1, 1], [], []>, transpose_lhs_hint = false} : vector<1000x40xf32>, vector<40x2xf32>, vector<1000x2xf32> -> vector<1000x2xf32>
    %swap3A_13 = arith.constant 0 : index
    %swap3A_14 = arith.constant 0 : index
    %swap3A_15 = vector.load %arg5[%swap3A_13, %swap3A_14] : memref<1000x2xf32, #tpu.memory_space<vmem>>, vector<1000x2xf32>
    tpu.vector_store %arg5[%swap3A_13, %swap3A_14], %dot_general3A_12 {strides = array<i32>} : memref<1000x2xf32, #tpu.memory_space<vmem>>, vector<1000x2xf32>,
    return
  }
  func.func @transform_0(%arg0: i32) -> (i32, i32) {
    %c0_i32 = arith.constant 0 : i32
    %c0_i32_0 = arith.constant 0 : i32
    return %arg0, %c0_i32 : i32, i32
  }
  func.func @transform_1(%arg0: i32) -> (i32, i32) {
    %c0_i32 = arith.constant 0 : i32
    %c0_i32_0 = arith.constant 0 : i32
    %c0_i32_1 = arith.constant 0 : i32
    return %c0_i32, %c0_i32_0 : i32, i32
  }
  func.func @transform_2(%arg0: i32) -> (i32, i32) {
    %c0_i32 = arith.constant 0 : i32
    %c0_i32_0 = arith.constant 0 : i32
    %c0_i32_1 = arith.constant 0 : i32
    return %c0_i32, %c0_i32_0 : i32, i32
  }
  func.func @transform_3(%arg0: i32) -> (i32, i32) {
    %c0_i32 = arith.constant 0 : i32
    %c0_i32_0 = arith.constant 0 : i32
    return %arg0, %c0_i32 : i32, i32
  }
  func.func @transform_4(%arg0: i32) -> (i32, i32) {
    %c0_i32 = arith.constant 0 : i32
    %c0_i32_0 = arith.constant 0 : i32
    return %arg0, %c0_i32 : i32, i32
  }
}

</mosaic_0001>

<sc_bundles>
// kernel: gather_offload_async_start
scs
__scs_entry_jumppad:
0x0: {  	(pc) =	sbr.rel $0x88, $3  }
0x1: {  	(tag) =	ssettag $0x0;
	lr =	simm.s32 $0x1  }
0x2: {  	[smem:$0x3F97] =	sst lr;
	_ =	strace $0xD0000000  }
0x3: {  	_ = 	snop  }
0x4: {  	_ = 	snop  }
0x5: {  	_ = 	snop  }
0x6: {  	_ = 	snop  }
0x7: {  	_ = 	snop  }
__scs_overlays_trampoline_lowered:
0x8: {  	[smem:$0x3FA6] =	sst s0  }
0x9: {  	[smem:$0x3FA7] =	sst s1  }
0xa: {  	[smem:$0x3FA8] =	sst s2  }
0xb: {  	[smem:$0x3FA9] =	sst s3  }
0xc: {  	[smem:$0x3FAA] =	sst s4  }
0xd: {  	[smem:$0x3FAB] =	sst s5  }
0xe: {  	[smem:$0x3FAC] =	sst s6  }
0xf: {  	[smem:$0x3FAD] =	sst s7  }
0x10: {  	[smem:$0x3FAE] =	sst s8  }
0x11: {  	[smem:$0x3FAF] =	sst s9;
	s0 =	simm.s32 @!p0 $0x0  }
0x12: {  	s1 =	sld [smem:$0x3F95];
	s0 =	simm.s32 @p0 $0x1  }
0x13: {  	[smem:$0x3FB0] =	sst s0;
	s0 =	simm.s32 @!p1 $0x0  }
0x14: {  	s2 =	sld [smem:$0x3F94];
	s0 =	simm.s32 @p1 $0x1  }
0x15: {  	[smem:$0x3FB1] =	sst s0;
	s0 =	simm.s32 @!p2 $0x0  }
0x16: {  	s3 =	sld [smem:$0x3FDB];
	s0 =	simm.s32 @p2 $0x1  }
0x17: {  	s4 =	simm.s32 $0x1BF5;
	[smem:$0x3FB3] =	sst s0  }
0x18: {  	s0 =	sld [smem:$0x3F96];
	_ =	swait.ge [sflag:s4], $0x0  }
0x19: {  	s7 =	sld [smem:$0x3F97]  }
0x1a: {  	s8 =	sadd.s32 $0xFFFFE003, lr  }
0x1b: {  	s9 =	sadd.s32 $0xFFFFFEF7, lr;
	s5 =	simm.s32 $0xFFFFFFFF;
	p2 =	slt.u32 s8, $0xFFFFF086  }
0x1c: {  	p1 =	slt.u32 s9, $0xF7A;
	s5 =	simm.s32 @!p2 $0x0  }
0x1d: {  	s5 =	simm.s32 @p1 $0x1;
	p0 =	seq.s32 s7, s2  }
0x1e: {  	s7 =	smul.u32 @!p0 $0xF7A, s2;
	p2 =	seq.s32 @!p0 s5, $0x0  }
0x1f: {  	s9 =	smul.u32 $0xF7A, s1;
	s8 =	simm.s32 @!p0 $0x1BF5;
	p2 =	por !p2, p0  }
0x20: {  	[sflag:s8] =	ssyncset.s32 @!p0 $0xFFFFF086;
	s6 =	sadd.s32 @!p0 s3, s7;
	s7 =	simm.s32 @!p0 $0x108  }
0x21: {  	s3 =	sadd.s32 s3, s9;
	s6 =	sadd.s32 @!p0 $0x88, s6;
	s7 =	simm.s32 @p2 $0x1082  }
0x22: {  	[simem:s7], [sflag:s8] =	dma.local @!p0 [hbm:s6], $0xF7A  }
0x23: {  	s9 =	sor.u32 $0xD0000000, s2;
	s6 =	simm.s32 $0x108;
	_ =	swait.ge @!p0 [sflag:s8], $0x0  }
0x24: {  	s3 =	sadd.s32 $0x88, s3;
	s6 =	simm.s32 @!p1 $0x1082;
	[sflag:s4] =	ssyncset.s32 $0xFFFFF086  }
0x25: {  	[simem:s6], [sflag:s4] =	dma.local [hbm:s3], $0xF7A  }
0x26: {  	[smem:$0x3F97] =	sst s1;
	(tag) =	ssettag s2;
	_ =	strace s9  }
0x27: {  	s1 =	sld [smem:$0x3FA7]  }
0x28: {  	s2 =	sld [smem:$0x3FA8]  }
0x29: {  	s4 =	sld [smem:$0x3FAA]  }
0x2a: {  	p0 =	seq.s32 s5, $0x0;
	s5 =	sld [smem:$0x3FAB]  }
0x2b: {  	s6 =	sld [smem:$0x3FAC]  }
0x2c: {  	s7 =	sld [smem:$0x3FAD]  }
0x2d: {  	s3 =	simm.s32 $0x108;
	s8 =	sld [smem:$0x3FAE]  }
0x2e: {  	s3 =	simm.s32 @!p0 $0x1082;
	s9 =	sld [smem:$0x3FAF]  }
0x2f: {  	lr =	sadd.s32 s0, s3;
	s0 =	sld [smem:$0x3FA6]  }
0x30: {  	s3 =	sld [smem:$0x3FA9]  }
0x31: {  	[smem:$0x3FB2] =	sst s10  }
0x32: {  	s10 =	sld [smem:$0x3FB0];
	_ =	sdelay $0x3  }
0x33: {  	p0 =	seq.s32 s10, $0x1;
	s10 =	sld [smem:$0x3FB2];
	_ =	sdelay $0x3  }
0x34: {  	[smem:$0x3FB2] =	sst s10  }
0x35: {  	s10 =	sld [smem:$0x3FB1];
	_ =	sdelay $0x3  }
0x36: {  	p1 =	seq.s32 s10, $0x1;
	s10 =	sld [smem:$0x3FB2];
	_ =	sdelay $0x3  }
0x37: {  	[smem:$0x3FB2] =	sst s10  }
0x38: {  	s10 =	sld [smem:$0x3FB3]  }
0x39: {  	_ = 	snop;
	(pc) =	sbr.ind lr, $3  }
0x3a: {  	_ = 	snop  }
0x3b: {  	_ = 	snop  }
0x3c: {  	p2 =	seq.s32 s10, $0x1;
	s10 =	sld [smem:$0x3FB2]  }
0x3d: {  	_ =	shalt  }
0x3e: {  	_ =	shalt  }
0x3f: {  	_ =	shalt  }
0x40: {  	_ =	shalt  }
0x41: {  	_ =	shalt  }
0x42: {  	_ =	shalt  }
0x43: {  	_ =	shalt  }
0x44: {  	_ =	shalt  }
0x45: {  	_ =	shalt  }
0x46: {  	_ =	shalt  }
0x47: {  	_ =	shalt  }
0x48: {  	_ =	shalt  }
0x49: {  	_ =	shalt  }
0x4a: {  	_ =	shalt  }
0x4b: {  	_ =	shalt  }
0x4c: {  	_ =	shalt  }
0x4d: {  	_ =	shalt  }
0x4e: {  	_ =	shalt  }
0x4f: {  	_ =	shalt  }
0x50: {  	_ =	shalt  }
0x51: {  	_ =	shalt  }
0x52: {  	_ =	shalt  }
0x53: {  	_ =	shalt  }
0x54: {  	_ =	shalt  }
0x55: {  	_ =	shalt  }
0x56: {  	_ =	shalt  }
0x57: {  	_ =	shalt  }
0x58: {  	_ =	shalt  }
0x59: {  	_ =	shalt  }
0x5a: {  	_ =	shalt  }
0x5b: {  	_ =	shalt  }
0x5c: {  	_ =	shalt  }
0x5d: {  	_ =	shalt  }
0x5e: {  	_ =	shalt  }
0x5f: {  	_ =	shalt  }
0x60: {  	_ =	shalt  }
0x61: {  	_ =	shalt  }
0x62: {  	_ =	shalt  }
0x63: {  	_ =	shalt  }
0x64: {  	_ =	shalt  }
0x65: {  	_ =	shalt  }
0x66: {  	_ =	shalt  }
0x67: {  	_ =	shalt  }
0x68: {  	_ =	shalt  }
0x69: {  	_ =	shalt  }
0x6a: {  	_ =	shalt  }
0x6b: {  	_ =	shalt  }
0x6c: {  	_ =	shalt  }
0x6d: {  	_ =	shalt  }
0x6e: {  	_ =	shalt  }
0x6f: {  	_ =	shalt  }
0x70: {  	_ =	shalt  }
0x71: {  	_ =	shalt  }
0x72: {  	_ =	shalt  }
0x73: {  	_ =	shalt  }
0x74: {  	_ =	shalt  }
0x75: {  	_ =	shalt  }
0x76: {  	_ =	shalt  }
0x77: {  	_ =	shalt  }
0x78: {  	_ =	shalt  }
0x79: {  	_ =	shalt  }
0x7a: {  	_ =	shalt  }
0x7b: {  	_ =	shalt  }
0x7c: {  	_ =	shalt  }
0x7d: {  	_ =	shalt  }
0x7e: {  	_ =	shalt  }
0x7f: {  	_ =	shalt  }
0x80: {  	_ =	shalt  }
0x81: {  	_ =	shalt  }
0x82: {  	_ =	shalt  }
0x83: {  	_ =	shalt  }
0x84: {  	_ =	shalt  }
0x85: {  	_ =	shalt  }
0x86: {  	_ =	shalt  }
0x87: {  	_ =	shalt  }
.Lfunc_end0:
.L_simem_size_0:
called_computation.4_lowered:
.L_overlay_start_0:
0x88: {  	s0 =	sld [smem:$0x3FD9]  }
0x89: {  	s1 =	sld [smem:$0x3FFE];
	_ =	sdelay $0x3  }
0x8a: {  	s0 =	sadd.s32 s1, s0  }
0x8b: {  	[smem:$0x3FBE] =	sst s0  }
0x8c: {  	_ = 	snop  }
0x8d: {  	(tm) =	ssettm $0x1  }
0x8e: {  	s15 =	sld [smem:$0x3FFB];
	_ =	sdelay $0x3  }
0x8f: {  	_ =	strace s15  }
0x90: {  	s0 =	sld [smem:$0x3FFC];
	_ =	sdelay $0x3  }
0x91: {  	_ =	strace s0  }
0x92: {  	s0 =	sld [smem:$0x3FFD];
	_ =	sdelay $0x3  }
0x93: {  	_ =	strace s0  }
0x94: {  	_ =	strace $0x8FFFFFFF  }
0x95: {  	s16 =	sld [smem:$0x3FDB];
	_ =	sdelay $0x1  }
0x96: {  	s17 =	simm.s32 $_scs_section_size  }
0x97: {  	s2 =	simm.s32 $_size__tile_overlayer_lowered;
	s3 =	simm.s32 $_tile_overlayer_lowered  }
0x98: {  	s20 =	simm.s32 $0x1BFF;
	s19 =	sshll.u32 s3, $0x1;
	s0 =	sadd.s32 s17, s16  }
0x99: {  	s4 =	simm.s32 $0x0;
	s18 =	sshll.u32 s2, $0x1;
	s2 =	sadd.s32 s19, s0  }
0x9a: {  	[timem:s4], [sflag:s20] =	dma.local [hbm:s2], s18  }
0x9b: {  	_ =	swait.ge [sflag:s20], s18  }
0x9c: {  	s1 =	ssub.s32 $0x0, s18;
	[sflag:s20] =	ssyncset.done $0x0  }
0x9d: {  	[sflag:s20] =	ssyncadd.s32 s1;
	_ =	sdelay $0x1  }
0x9e: {  	s21 =	simm.s32 $0x1B8B  }
0x9f: {  	_ =	swait.ge [sflag:s21], $0x1  }
0xa0: {  	[sflag:s21] =	ssyncset.done $0x0  }
0xa1: {  	s23 =	simm.s32 $0x1B8E;
	s22 =	sld [smem:$0x3FFE];
	[sflag:s21] =	ssyncadd.s32 $0xFFFFFFFF  }
0xa2: {  	s24 =	simm.s32 $execute0_lowered;
	[smem:$0x3FD2] =	sst s23  }
0xa3: {  	s2 =	sshll.u32 s24, $0x1;
	_ =	strace $0x80000046;
	[dreg:$0x1] =	wrdreg $0xFFFFFFFF  }
0xa4: {  	s25 =	simm.s32 $_size_execute0_lowered;
	s0 =	sadd.s32 s0, s2;
	[dreg:$0x0] =	wrdreg $0x0  }
0xa5: {  	s2 =	sshll.u32 s25, $0x1;
	[dreg:$0x2] =	wrdreg s0  }
0xa6: {  	[dreg:$0x3] =	wrdreg s2  }
0xa7: {  	[dreg:$0x4] =	wrdreg $0xC0  }
0xa8: {  	_ =	task [dreg:s4], $0x5FFFF  }
0xa9: {  	[dreg:$0x1] =	wrdreg $0xFFFFFFFF  }
0xaa: {  	[dreg:$0x0] =	wrdreg $0x60  }
0xab: {  	[dreg:$0x2] =	wrdreg s22  }
0xac: {  	[dreg:$0x3] =	wrdreg $0xA  }
0xad: {  	_ =	task.clear_ibuf [dreg:s4], $0x4FFFF;
	_ =	strace $0x90000046  }
0xae: {  	s26 =	simm.s32 $0xA;
	_ =	strace $0x80000048  }
0xaf: {  	_ =	swait.ge [sflag:s26], $0x1  }
0xb0: {  	[sflag:s26] =	ssyncadd.s32 $0xFFFFFFFF  }
0xb1: {  	_ =	strace $0x90000048  }
0xb2: {  	_ =	sfence  }
0xb3: {  	s28 =	sld [smem:$0x0];
	_ =	sdelay $0x1  }
0xb4: {  	s29 =	srdreg.scid  }
0xb5: {  	s30 =	sshll.u32 s29, $0xD;
	s31 =	sshrl.u32 s29, $0x2  }
0xb6: {  	s1 =	sand.u32 $0x1, s29;
	s2 =	sand.u32 $0x4000, s30;
	s0 =	sadd.s32 s31, s28  }
0xb7: {  	s1 =	sor.u32 s2, s1;
	s0 =	sshll.u32 s0, $0x11  }
0xb8: {  	s0 =	sor.u32 s0, s1  }
0xb9: {  	s0 =	sadd.s32 $0x8F2B, s0  }
0xba: {  	[sflag:s0] =	ssyncadd.remote.s32 $0x1  }
0xbb: {  	_ =	sfence.sel $0xFFFF  }
0xbc: {  	[dreg:$0x0] =	wrdreg $0xFFFFFFFF;
	(pc) =	sbr.abs _section_cstart, $3  }
0xbd: {  	[dreg:$0x1] =	wrdreg $0xFFFFFFFF  }
0xbe: {  	_ =	task.clear_ibuf [dreg:s4], $0x2FFFF;
	_ =	strace $0x9FFFFFFF  }
0xbf: {  	(tm) =	ssettm $0x7FFFFFFF  }
tec
execute0_lowered:
.L_overlay_start_1:
0x0: {  	(tag) =	ssettag $0x1  }
0x1: {  	s0 =	stileid.u32  }
0x2: {  	s1 =	smul.u32 $0x84, s0  }
0x3: {  	s2 =	smin.u32 s0, $0xD  }
0x4: {  	s1 =	sadd.s32 s2, s1  }
0x5: {  	p0 =	slt.u32 s0, $0xD;
	s2 =	smul.u32 $0x50, s1;
	s1 =	simm.s32 $0x2990  }
0x6: {  	s1 =	simm.s32 @!p0 $0x2940  }
0x7: {  	s1 =	sadd.s32 s1, s2  }
0x8: {  	s3 =	smin.u32 s1, $0x29810  }
0x9: {  	s8 =	ssub.s32 s3, s2  }
0xa: {  	s9 =	rddreg [dreg:$0x0];
	p0 =	sgt.s32 s8, $0x0  }
0xb: {  	s7 =	simm.s32 $0x2;
	s12 =	simm.s32 $0x3;
	s8 =	simm.s32 @!p0 $0x0  }
0xc: {  	s16 =	simm.s32 $0x0;
	s17 =	simm.s32 $0x0;
	s4 =	smulhi.u32 $0x66666667, s8  }
0xd: {  	s15 =	simm.s32 $0x0;
	s14 =	simm.s32 $0x0;
	s5 =	sadd.s32 $0x15FA00, s9  }
0xe: {  	s6 =	sadd.s32 $0x5400, s9;
	s1 =	rddreg [dreg:$0x1];
	s10 =	sshrl.u32 s4, $0x5  }
0xf: {  	_ =	strace $0x80000047;
	s4 =	simm.s32 $0x1;
	s11 =	smul.u32 $0x50, s10  }
.Ltmp0:
0x10: {  	s13 =	smov.u32 s2;
	[sflag:s4] =	ssyncpa.u1 $0x0;
	(pc) =	sbr.rel .LBB2_1-.Ltmp0, $4  }
0x11: {  	[sflag:s7] =	ssyncpa.u1 $0x0;
	p0 =	sne.s32 s8, s11;
	s11 =	simm.s32 $0x1  }
0x12: {  	s8 =	sadd.s32 $0x530400, s9;
	[sflag:s12] =	ssyncpa.u1 $0x0;
	s11 =	simm.s32 @!p0 $0x0  }
0x13: {  	s12 =	simm.s32 $0x0;
	p0 =	por $0x0, $0x0;
	s10 =	sadd.s32 s11, s10  }
0x14: {  	vm0 =	vmmov $0xffff;
	s11 =	simm.s32 $0x0;
	s9 =	sshll.u32 s10, $0x1;
	s10 =	sshllo.u32 s10, $0x1  }
.LBB2_6:
0x15: {  	[hbm:s19] =	stream.linear.scatter [tilespmem:s16], [sflag:$0x3], $0x200, $0x38;
	[tilespmem:$0x140A0] =	vst v63  }
.LBB2_7:
0x16: {  	s18 =	sadd.s32 $0x80, s11;
	s15 =	sadd.s32 $0x4, s12  }
0x17: {  	s19 =	smov.u32 s12;
	p1 =	slt.u32 s14, $0x2;
	s16 =	smov.u32 s13  }
0x18: {  	s21 =	smov.u32 s2;
	s17 =	smov.u32 s12;
	p2 =	sgt.s32 s18, $0xFF  }
0x19: {  	p0 =	por !p0, !p0;
	s20 =	simm.s32 @!p1 $0x3;
	s19 =	smov.u32 @p2 s15  }
0x1a: {  	s15 =	sadd.s32 $0x50, s13;
	s18 =	simm.s32 @p2 $0x0;
	p2 =	sne.s32 s14, s10  }
.Ltmp1:
0x1b: {  	_ =	swait.ge @!p1 [sflag:s20], $0xA000;
	p3 =	sgt.s32 s19, $0x3;
	(pc) =	sbr.rel @!p2 .LBB2_8-.Ltmp1, $4  }
0x1c: {  	s14 =	sadd.s32 $0x1, s14;
	[sflag:s20] =	ssyncset.done @!p1 $0x0;
	s16 =	smov.u32 @p3 s15  }
0x1d: {  	s19 =	simm.s32 @p3 $0x0;
	s15 =	smov.u32 s13;
	p4 =	slt.s32 s16, s3  }
0x1e: {  	[sflag:s20] =	ssyncadd.s32 @!p1 $0xFFFF6000;
	s12 =	smov.u32 s19;
	s21 =	smov.u32 @p4 s16  }
0x1f: {  	s16 =	smov.u32 s11;
	s11 =	smov.u32 s18;
	s13 =	smov.u32 s21  }
.LBB2_1:
0x20: {  	p1 =	sge.u32 s14, s9  }
0x21: {  	s18 =	sxor.u32 @!p1 $0xFFFFFFFF, s14  }
0x22: {  	s18 =	sand.u32 @!p1 $0x1, s18  }
0x23: {  	s18 =	smul.u32 @!p1 $0x140, s18  }
0x24: {  	s31 =	sadd.s32 $0xFFFFFFFF, s14;
	s19 =	sshrl.u32 @!p1 s13, $0x3  }
0x25: {  	s20 =	sand.u32 @!p1 $0x7, s13;
	s19 =	sadd.s32 @!p1 s6, s19;
	s18 =	sshrl.u32 @!p1 s18, $0x2  }
0x26: {  	[tilespmem:s18], [sflag:$0x2] =	stream.linear.gather @!p1 [hbm4b:s19+s20], $0x50, $0x38;
	[tilespmem:$0x140A0] =	vst v63  }
0x27: {  	p1 =	sge.u32 s31, s9  }
.Ltmp2:
0x28: {  	_ = 	snop;
	(pc) =	sbr.rel @p1 .LBB2_7-.Ltmp2, $1  }
0x29: {  	_ =	sdelay $0x3  }
0x2a: {  	s20 =	simm.s32 $0x1  }
0x2b: {  	s20 =	simm.s32 @!p0 $0x0  }
0x2c: {  	s18 =	smul.u32 $0x140, s20  }
0x2d: {  	_ =	swait.ge [sflag:s7], $0x50  }
0x2e: {  	[sflag:s7] =	ssyncset.done $0x0;
	s19 =	sshrl.u32 s18, $0x2  }
0x2f: {  	[sflag:s7] =	ssyncadd.s32 $0xFFFFFFB0;
	s18 =	sadd.s32 $0x0, s19  }
0x30: {  	v0 =	vld.msk [tilespmem:s18+$0x0 ss:$0x1], $0xffff;
	_ =	sdelay $0x4  }
0x31: {  	s17 =	sshll.u32 s17, $0x5;
	s16 =	sshrl.u32 s16, $0x1;
	vm1 =	vgt.s32 v0, $0x0  }
0x32: {  	s18 =	sand.u32 $0xFFFFFF80, s17;
	s17 =	sand.u32 $0x7FFFFFC0, s16;
	v0 =	vnsel vm1, $0x0, v0  }
0x33: {  	s16 =	sadd.s32 s18, s17;
	v1 =	vmin.u32 v0, $0x270F  }
0x34: {  	v0 =	vmov s16;
	v1 =	vshll.u32 v1, $0x7  }
0x35: {  	v1 =	vadd.s32 v0, v1  }
0x36: {  	s30 =	smul.u32 $0x28000, s20;
	_ =	sdelay $0x1  }
0x37: {  	s16 =	sshrl.u32 s30, $0x2  }
0x38: {  	s31 =	sadd.s32 $0x10, s19;
	s16 =	sor.u32 $0xA0, s16  }
0x39: {  	[tilespmem:s16], [sflag:$0x1] =	stream.indirect_vreg.gather [hbm:s5], $0x200, v1, vm0, $0x38;
	[tilespmem:$0x140A0] =	vst v63  }
0x3a: {  	s21 =	simm.s32 $0x80;
	s20 =	smov.u32 s16;
	v1 =	vld.msk [tilespmem:s31+$0x0 ss:$0x1], $0xffff  }
.LBB2_3:
0x3b: {  	p1 =	sne.s32 s21, $0x100;
	_ =	sdelay $0x4  }
0x3c: {  	vm1 =	vgt.s32 v1, $0x0  }
0x3d: {  	v1 =	vnsel vm1, $0x0, v1  }
0x3e: {  	v1 =	vmin.u32 v1, $0x270F  }
0x3f: {  	v1 =	vshll.u32 v1, $0x7  }
0x40: {  	v1 =	vadd.s32 v0, v1;
	_ =	sdelay $0x1  }
.Ltmp3:
0x41: {  	(pc) =	sbr.rel @p1 .LBB2_3-.Ltmp3, $4  }
0x42: {  	s22 =	sshra.s32 s21, $0x2  }
0x43: {  	s20 =	sadd.s32 $0x2000, s20;
	s22 =	sadd.s32 s22, s19  }
0x44: {  	[tilespmem:s20], [sflag:$0x1] =	stream.indirect_vreg.gather [hbm:s5], $0x200, v1, vm0, $0x38;
	[tilespmem:$0x140A0] =	vst v63  }
0x45: {  	s21 =	sadd.s32 $0x40, s21;
	v1 =	vld.msk [tilespmem:s22+$0x0 ss:$0x1], $0xffff  }
0x46: {  	_ =	sdelay $0x3  }
0x47: {  	vm1 =	vgt.s32 v1, $0x0  }
0x48: {  	v1 =	vnsel vm1, $0x0, v1  }
0x49: {  	v1 =	vmin.u32 v1, $0x270F  }
0x4a: {  	v1 =	vshll.u32 v1, $0x7  }
0x4b: {  	v0 =	vadd.s32 v0, v1;
	_ =	sdelay $0x2  }
0x4c: {  	s15 =	sshll.u32 s15, $0x7  }
0x4d: {  	s19 =	sadd.s32 $0x2000, s20;
	s15 =	sadd.s32 s15, s8  }
0x4e: {  	[tilespmem:s19], [sflag:$0x1] =	stream.indirect_vreg.gather [hbm:s5], $0x200, v0, vm0, $0x38;
	[tilespmem:$0x140A0] =	vst v63  }
0x4f: {  	s15 =	sadd.s32 s18, s15;
	_ =	swait.ge [sflag:s4], $0xA000  }
0x50: {  	s18 =	sadd.s32 $0x200, s16;
	s15 =	sadd.s32 s17, s15;
	[sflag:s4] =	ssyncset.done $0x0  }
0x51: {  	s17 =	simm.s32 $0x80;
	s19 =	sadd.s32 $0x0, s15;
	[sflag:s4] =	ssyncadd.s32 $0xFFFF6000  }
.LBB2_5:
0x52: {  	[hbm:s19] =	stream.linear.scatter [tilespmem:s16], [sflag:$0x3], $0x200, $0x38;
	[tilespmem:$0x140A0] =	vst v63  }
0x53: {  	s19 =	smov.u32 s17;
	s16 =	smov.u32 s18;
	p1 =	sne.s32 s17, $0x2780  }
.Ltmp4:
0x54: {  	s17 =	sadd.s32 $0x80, s17;
	(pc) =	sbr.rel @p1 .LBB2_5-.Ltmp4, $2  }
0x55: {  	_ =	sdelay $0x2  }
0x56: {  	s18 =	sadd.s32 $0x200, s18;
	s19 =	sadd.s32 s19, s15  }
.Ltmp5:
0x57: {  	_ = 	snop;
	(pc) =	sbr.rel .LBB2_6-.Ltmp5, $1  }
0x58: {  	_ =	sdelay $0x3  }
.LBB2_8:
0x59: {  	_ =	sfence.sel $0x180000  }
0x5a: {  	s2 =	simm.s32 $0x2;
	[bflag:$0x0] =	sbarrier.arrive $0xFFFF  }
0x5b: {  	s30 =	simm.s32 $0x3;
	[sflag:s2] =	ssyncpa.u1 $0x1  }
0x5c: {  	s31 =	simm.s32 $0x1;
	[sflag:s30] =	ssyncpa.u1 $0x1  }
0x5d: {  	[sflag:s31] =	ssyncpa.u1 $0x1  }
0x5e: {  	p0 =	sne.s32 s0, $0x0;
	_ =	strace $0x90000047  }
0x5f: {  	s0 =	sadd.s32 @!p0 $0x100000, s1;
	[bflag:$0x2] =	sbarrier.arrive $0xFFFF  }
0x60: {  	[sflag:s0] =	ssyncadd.tile.s32 @!p0 $0x1;
	_ =	shalt  }
.Lfunc_end2:
_tile_overlayer_lowered:
.L_overlay_start_2:
0x61: {  	(tag) =	ssettag $0x2  }
0x62: {  	s0 =	rddreg [dreg:$0x0];
	s2 =	stileid.u32  }
0x63: {  	s1 =	rddreg [dreg:$0x1];
	p0 =	sne.s32 s2, $0x0  }
0x64: {  	s3 =	rddreg [dreg:$0x2];
	[bflag:$0x3] =	sbarrier.arrive $0xFFFF;
	s2 =	simm.s32 @!p0 $0x1C01  }
0x65: {  	[timem:s3], [sflag:s2] =	dma.local @!p0 [hbm:s0], s1  }
0x66: {  	s0 =	simm.s32 @!p0 $0x1  }
0x67: {  	_ =	swait.ge @!p0 [sflag:s0], s1  }
0x68: {  	s1 =	ssub.s32 @!p0 $0x0, s1;
	[sflag:s0] =	ssyncset.done @!p0 $0x0  }
0x69: {  	[sflag:s0] =	ssyncadd.s32 @!p0 s1  }
0x6a: {  	[bflag:$0x3] =	sbarrier.arrive $0xFFFF  }
0x6b: {  	_ =	shalt  }

// kernel: scatter_offload_async_start.1
scs
__scs_entry_jumppad:
0x0: {  	(pc) =	sbr.rel $0x88, $3  }
0x1: {  	(tag) =	ssettag $0x0;
	lr =	simm.s32 $0x1  }
0x2: {  	[smem:$0x3F97] =	sst lr;
	_ =	strace $0xD0000000  }
0x3: {  	_ = 	snop  }
0x4: {  	_ = 	snop  }
0x5: {  	_ = 	snop  }
0x6: {  	_ = 	snop  }
0x7: {  	_ = 	snop  }
__scs_overlays_trampoline_lowered:
0x8: {  	[smem:$0x3FA6] =	sst s0  }
0x9: {  	[smem:$0x3FA7] =	sst s1  }
0xa: {  	[smem:$0x3FA8] =	sst s2  }
0xb: {  	[smem:$0x3FA9] =	sst s3  }
0xc: {  	[smem:$0x3FAA] =	sst s4  }
0xd: {  	[smem:$0x3FAB] =	sst s5  }
0xe: {  	[smem:$0x3FAC] =	sst s6  }
0xf: {  	[smem:$0x3FAD] =	sst s7  }
0x10: {  	[smem:$0x3FAE] =	sst s8  }
0x11: {  	[smem:$0x3FAF] =	sst s9;
	s0 =	simm.s32 @!p0 $0x0  }
0x12: {  	s1 =	sld [smem:$0x3F95];
	s0 =	simm.s32 @p0 $0x1  }
0x13: {  	[smem:$0x3FB0] =	sst s0;
	s0 =	simm.s32 @!p1 $0x0  }
0x14: {  	s2 =	sld [smem:$0x3F94];
	s0 =	simm.s32 @p1 $0x1  }
0x15: {  	[smem:$0x3FB1] =	sst s0;
	s0 =	simm.s32 @!p2 $0x0  }
0x16: {  	s3 =	sld [smem:$0x3FDB];
	s0 =	simm.s32 @p2 $0x1  }
0x17: {  	s4 =	simm.s32 $0x1BF5;
	[smem:$0x3FB3] =	sst s0  }
0x18: {  	s0 =	sld [smem:$0x3F96];
	_ =	swait.ge [sflag:s4], $0x0  }
0x19: {  	s7 =	sld [smem:$0x3F97]  }
0x1a: {  	s8 =	sadd.s32 $0xFFFFE003, lr  }
0x1b: {  	s9 =	sadd.s32 $0xFFFFFEF7, lr;
	s5 =	simm.s32 $0xFFFFFFFF;
	p2 =	slt.u32 s8, $0xFFFFF086  }
0x1c: {  	p1 =	slt.u32 s9, $0xF7A;
	s5 =	simm.s32 @!p2 $0x0  }
0x1d: {  	s5 =	simm.s32 @p1 $0x1;
	p0 =	seq.s32 s7, s2  }
0x1e: {  	s7 =	smul.u32 @!p0 $0xF7A, s2;
	p2 =	seq.s32 @!p0 s5, $0x0  }
0x1f: {  	s9 =	smul.u32 $0xF7A, s1;
	s8 =	simm.s32 @!p0 $0x1BF5;
	p2 =	por !p2, p0  }
0x20: {  	[sflag:s8] =	ssyncset.s32 @!p0 $0xFFFFF086;
	s6 =	sadd.s32 @!p0 s3, s7;
	s7 =	simm.s32 @!p0 $0x108  }
0x21: {  	s3 =	sadd.s32 s3, s9;
	s6 =	sadd.s32 @!p0 $0x88, s6;
	s7 =	simm.s32 @p2 $0x1082  }
0x22: {  	[simem:s7], [sflag:s8] =	dma.local @!p0 [hbm:s6], $0xF7A  }
0x23: {  	s9 =	sor.u32 $0xD0000000, s2;
	s6 =	simm.s32 $0x108;
	_ =	swait.ge @!p0 [sflag:s8], $0x0  }
0x24: {  	s3 =	sadd.s32 $0x88, s3;
	s6 =	simm.s32 @!p1 $0x1082;
	[sflag:s4] =	ssyncset.s32 $0xFFFFF086  }
0x25: {  	[simem:s6], [sflag:s4] =	dma.local [hbm:s3], $0xF7A  }
0x26: {  	[smem:$0x3F97] =	sst s1;
	(tag) =	ssettag s2;
	_ =	strace s9  }
0x27: {  	s1 =	sld [smem:$0x3FA7]  }
0x28: {  	s2 =	sld [smem:$0x3FA8]  }
0x29: {  	s4 =	sld [smem:$0x3FAA]  }
0x2a: {  	p0 =	seq.s32 s5, $0x0;
	s5 =	sld [smem:$0x3FAB]  }
0x2b: {  	s6 =	sld [smem:$0x3FAC]  }
0x2c: {  	s7 =	sld [smem:$0x3FAD]  }
0x2d: {  	s3 =	simm.s32 $0x108;
	s8 =	sld [smem:$0x3FAE]  }
0x2e: {  	s3 =	simm.s32 @!p0 $0x1082;
	s9 =	sld [smem:$0x3FAF]  }
0x2f: {  	lr =	sadd.s32 s0, s3;
	s0 =	sld [smem:$0x3FA6]  }
0x30: {  	s3 =	sld [smem:$0x3FA9]  }
0x31: {  	[smem:$0x3FB2] =	sst s10  }
0x32: {  	s10 =	sld [smem:$0x3FB0];
	_ =	sdelay $0x3  }
0x33: {  	p0 =	seq.s32 s10, $0x1;
	s10 =	sld [smem:$0x3FB2];
	_ =	sdelay $0x3  }
0x34: {  	[smem:$0x3FB2] =	sst s10  }
0x35: {  	s10 =	sld [smem:$0x3FB1];
	_ =	sdelay $0x3  }
0x36: {  	p1 =	seq.s32 s10, $0x1;
	s10 =	sld [smem:$0x3FB2];
	_ =	sdelay $0x3  }
0x37: {  	[smem:$0x3FB2] =	sst s10  }
0x38: {  	s10 =	sld [smem:$0x3FB3]  }
0x39: {  	_ = 	snop;
	(pc) =	sbr.ind lr, $3  }
0x3a: {  	_ = 	snop  }
0x3b: {  	_ = 	snop  }
0x3c: {  	p2 =	seq.s32 s10, $0x1;
	s10 =	sld [smem:$0x3FB2]  }
0x3d: {  	_ =	shalt  }
0x3e: {  	_ =	shalt  }
0x3f: {  	_ =	shalt  }
0x40: {  	_ =	shalt  }
0x41: {  	_ =	shalt  }
0x42: {  	_ =	shalt  }
0x43: {  	_ =	shalt  }
0x44: {  	_ =	shalt  }
0x45: {  	_ =	shalt  }
0x46: {  	_ =	shalt  }
0x47: {  	_ =	shalt  }
0x48: {  	_ =	shalt  }
0x49: {  	_ =	shalt  }
0x4a: {  	_ =	shalt  }
0x4b: {  	_ =	shalt  }
0x4c: {  	_ =	shalt  }
0x4d: {  	_ =	shalt  }
0x4e: {  	_ =	shalt  }
0x4f: {  	_ =	shalt  }
0x50: {  	_ =	shalt  }
0x51: {  	_ =	shalt  }
0x52: {  	_ =	shalt  }
0x53: {  	_ =	shalt  }
0x54: {  	_ =	shalt  }
0x55: {  	_ =	shalt  }
0x56: {  	_ =	shalt  }
0x57: {  	_ =	shalt  }
0x58: {  	_ =	shalt  }
0x59: {  	_ =	shalt  }
0x5a: {  	_ =	shalt  }
0x5b: {  	_ =	shalt  }
0x5c: {  	_ =	shalt  }
0x5d: {  	_ =	shalt  }
0x5e: {  	_ =	shalt  }
0x5f: {  	_ =	shalt  }
0x60: {  	_ =	shalt  }
0x61: {  	_ =	shalt  }
0x62: {  	_ =	shalt  }
0x63: {  	_ =	shalt  }
0x64: {  	_ =	shalt  }
0x65: {  	_ =	shalt  }
0x66: {  	_ =	shalt  }
0x67: {  	_ =	shalt  }
0x68: {  	_ =	shalt  }
0x69: {  	_ =	shalt  }
0x6a: {  	_ =	shalt  }
0x6b: {  	_ =	shalt  }
0x6c: {  	_ =	shalt  }
0x6d: {  	_ =	shalt  }
0x6e: {  	_ =	shalt  }
0x6f: {  	_ =	shalt  }
0x70: {  	_ =	shalt  }
0x71: {  	_ =	shalt  }
0x72: {  	_ =	shalt  }
0x73: {  	_ =	shalt  }
0x74: {  	_ =	shalt  }
0x75: {  	_ =	shalt  }
0x76: {  	_ =	shalt  }
0x77: {  	_ =	shalt  }
0x78: {  	_ =	shalt  }
0x79: {  	_ =	shalt  }
0x7a: {  	_ =	shalt  }
0x7b: {  	_ =	shalt  }
0x7c: {  	_ =	shalt  }
0x7d: {  	_ =	shalt  }
0x7e: {  	_ =	shalt  }
0x7f: {  	_ =	shalt  }
0x80: {  	_ =	shalt  }
0x81: {  	_ =	shalt  }
0x82: {  	_ =	shalt  }
0x83: {  	_ =	shalt  }
0x84: {  	_ =	shalt  }
0x85: {  	_ =	shalt  }
0x86: {  	_ =	shalt  }
0x87: {  	_ =	shalt  }
.Lfunc_end0:
.L_simem_size_0:
called_computation.1_lowered:
.L_overlay_start_0:
0x88: {  	s0 =	sld [smem:$0x3FD9]  }
0x89: {  	s1 =	sld [smem:$0x3FFE];
	_ =	sdelay $0x3  }
0x8a: {  	s0 =	sadd.s32 s1, s0  }
0x8b: {  	[smem:$0x3FBE] =	sst s0  }
0x8c: {  	_ = 	snop  }
0x8d: {  	s0 =	sld [smem:$0x3FD0];
	(tm) =	ssettm $0x1  }
0x8e: {  	s16 =	sld [smem:$0x3FFB];
	_ =	sdelay $0x3  }
0x8f: {  	_ =	strace s16  }
0x90: {  	s1 =	sld [smem:$0x3FFC];
	_ =	sdelay $0x3  }
0x91: {  	_ =	strace s1  }
0x92: {  	s1 =	sld [smem:$0x3FFD];
	_ =	sdelay $0x3  }
0x93: {  	_ =	strace s1  }
0x94: {  	_ =	strace $0x8FFFFFFF  }
0x95: {  	s17 =	sld [smem:$0x3FDB];
	_ =	sdelay $0x1  }
0x96: {  	s2 =	simm.s32 $_scs_section_size  }
0x97: {  	s3 =	simm.s32 $_size__tile_overlayer_lowered;
	s4 =	simm.s32 $_tile_overlayer_lowered  }
0x98: {  	s20 =	simm.s32 $0x1BFF;
	s19 =	sshll.u32 s4, $0x1;
	s1 =	sadd.s32 s2, s17  }
0x99: {  	s5 =	simm.s32 $0x0;
	s18 =	sshll.u32 s3, $0x1;
	s3 =	sadd.s32 s19, s1  }
0x9a: {  	[timem:s5], [sflag:s20] =	dma.local [hbm:s3], s18  }
0x9b: {  	_ =	swait.ge [sflag:s20], s18  }
0x9c: {  	s2 =	ssub.s32 $0x0, s18;
	[sflag:s20] =	ssyncset.done $0x0  }
0x9d: {  	[sflag:s20] =	ssyncadd.s32 s2;
	_ =	sdelay $0x1  }
0x9e: {  	s21 =	simm.s32 $0x1B8B  }
0x9f: {  	_ =	swait.ge [sflag:s21], $0x1  }
0xa0: {  	[sflag:s21] =	ssyncset.done $0x0  }
0xa1: {  	s23 =	simm.s32 $0x1B8E;
	s22 =	sld [smem:$0x3FFE];
	[sflag:s21] =	ssyncadd.s32 $0xFFFFFFFF  }
0xa2: {  	s24 =	simm.s32 $execute0_lowered;
	[smem:$0x3FD2] =	sst s23  }
0xa3: {  	s3 =	sshll.u32 s24, $0x1;
	_ =	strace $0x8000004F;
	[dreg:$0x1] =	wrdreg $0xFFFFFFFF  }
0xa4: {  	s25 =	simm.s32 $_size_execute0_lowered;
	s1 =	sadd.s32 s1, s3;
	[dreg:$0x0] =	wrdreg $0x0  }
0xa5: {  	s3 =	sshll.u32 s25, $0x1;
	[dreg:$0x2] =	wrdreg s1  }
0xa6: {  	[dreg:$0x3] =	wrdreg s3  }
0xa7: {  	[dreg:$0x4] =	wrdreg $0xC0  }
0xa8: {  	_ =	task [dreg:s5], $0x5FFFF  }
0xa9: {  	[dreg:$0x1] =	wrdreg $0xFFFFFFFF  }
0xaa: {  	[dreg:$0x0] =	wrdreg $0x60  }
0xab: {  	[dreg:$0x2] =	wrdreg s22  }
0xac: {  	[dreg:$0x3] =	wrdreg s0  }
0xad: {  	[dreg:$0x4] =	wrdreg $0x9  }
0xae: {  	_ =	task.clear_ibuf [dreg:s5], $0x5FFFF;
	_ =	strace $0x9000004F  }
0xaf: {  	s26 =	simm.s32 $0x9;
	_ =	strace $0x80000051  }
0xb0: {  	_ =	swait.ge [sflag:s26], $0x1  }
0xb1: {  	[sflag:s26] =	ssyncadd.s32 $0xFFFFFFFF  }
0xb2: {  	_ =	strace $0x90000051  }
0xb3: {  	_ =	sfence  }
0xb4: {  	s28 =	sld [smem:$0x0];
	_ =	sdelay $0x1  }
0xb5: {  	s29 =	srdreg.scid  }
0xb6: {  	s30 =	sshll.u32 s29, $0xD;
	s31 =	sshrl.u32 s29, $0x2  }
0xb7: {  	s2 =	sand.u32 $0x4000, s30;
	s1 =	sand.u32 $0x1, s29;
	s0 =	sadd.s32 s31, s28  }
0xb8: {  	s1 =	sor.u32 s2, s1;
	s0 =	sshll.u32 s0, $0x11  }
0xb9: {  	s0 =	sor.u32 s0, s1  }
0xba: {  	s0 =	sadd.s32 $0x8F2B, s0  }
0xbb: {  	[sflag:s0] =	ssyncadd.remote.s32 $0x1  }
0xbc: {  	_ =	sfence.sel $0xFFFF  }
0xbd: {  	[dreg:$0x0] =	wrdreg $0xFFFFFFFF;
	(pc) =	sbr.abs _section_cstart, $3  }
0xbe: {  	[dreg:$0x1] =	wrdreg $0xFFFFFFFF  }
0xbf: {  	_ =	task.clear_ibuf [dreg:s5], $0x2FFFF;
	_ =	strace $0x9FFFFFFF  }
0xc0: {  	(tm) =	ssettm $0x7FFFFFFF  }
0xc1: {  	_ =	shalt  }
tec
execute0_lowered:
.L_overlay_start_1:
0x0: {  	(tag) =	ssettag $0x1  }
0x1: {  	s8 =	rddreg [dreg:$0x0]  }
0x2: {  	s4 =	rddreg [dreg:$0x1];
	s14 =	stileid.u32  }
0x3: {  	_ =	strace $0x80000050;
	s0 =	simm.s32 $0x1;
	s1 =	smin.u32 s14, $0x9  }
0x4: {  	v1 =	vimm.s32 $0xFFFFFFFF;
	[sflag:s0] =	ssyncpa.u1 $0x0;
	s1 =	sadd.s32 s14, s1  }
0x5: {  	p0 =	slt.u32 s14, $0x9;
	[tilespmem:$0x10] =	vst v1;
	s5 =	smul.u32 $0x1A90, s1;
	s1 =	simm.s32 $0x3520  }
0x6: {  	v0 =	vimm.f32 $0.0e+00;
	[tilespmem:$0x20] =	vst v1;
	s1 =	simm.s32 @!p0 $0x1A90  }
0x7: {  	[tilespmem:$0x30] =	vst v0;
	s1 =	sadd.s32 s1, s5  }
0x8: {  	[tilespmem:$0x40] =	vst v0;
	s6 =	smin.u32 s1, $0x29810  }
0x9: {  	s7 =	simm.s32 $0x2;
	[tilespmem:$0x50] =	vst v0;
	s2 =	ssub.s32 s6, s5  }
0xa: {  	s31 =	simm.s32 $0x9;
	s16 =	simm.s32 $0x0;
	[tilespmem:$0x60] =	vst v1;
	p0 =	sgt.s32 s2, $0x0  }
0xb: {  	s17 =	simm.s32 $0xF0;
	s18 =	simm.s32 $0xFFFFFFFF;
	[tilespmem:$0x70] =	vst v1;
	s2 =	simm.s32 @!p0 $0x0  }
0xc: {  	s19 =	simm.s32 $0xFFFFCBE0;
	s20 =	simm.s32 $0xFFFFFFFE;
	[tilespmem:$0x80] =	vst v1;
	s30 =	smulhi.u32 $0x134679AD, s2  }
0xd: {  	s21 =	simm.s32 $0xF;
	s25 =	simm.s32 $0x0;
	s10 =	sshll.u32 s14, $0x1;
	v1 =	vimm.s32 $0x0;
	[tilespmem:$0xB0] =	vst v0  }
0xe: {  	s24 =	simm.s32 $0x0;
	s13 =	sor.u32 $0x81, s10;
	[tilespmem:$0x90] =	vst v1;
	s3 =	sshrl.u32 s30, $0x9  }
0xf: {  	[tilespmem:$0xA0] =	vst v1;
	[sflag:s7] =	ssyncpa.u1 $0x0;
	s7 =	simm.s32 $0x7;
	s9 =	smul.u32 $0x1A90, s3  }
.Ltmp0:
0x10: {  	s14 =	sshllo.u32 s14, $0x1;
	[sflag:s7] =	ssyncpa.u1 $0x0;
	(pc) =	sbr.rel .LBB2_1-.Ltmp0, $4  }
0x11: {  	s1 =	sadd.s32 $0x5400, s8;
	s8 =	simm.s32 $0x8;
	p0 =	sne.s32 s2, s9  }
0x12: {  	s15 =	sor.u32 $0x80, s10;
	[sflag:s8] =	ssyncpa.u1 $0x0;
	s0 =	simm.s32 @!p0 $0x0  }
0x13: {  	vm0 =	vmmov $0xffff;
	v2 =	vlaneseq.u32;
	s23 =	smov.u32 s5;
	[sflag:s31] =	ssyncpa.u1 $0x0;
	s9 =	sadd.s32 s0, s3  }
0x14: {  	vm1 =	vmxor vm1, vm1;
	vm2 =	vmmov $0x1;
	vm3 =	vcmask $0x3F3C;
	p0 =	por $0x0, $0x0;
	s11 =	sadd.s32 $0x1, s9;
	s12 =	sadd.s32 $0x2, s9  }
.LBB2_9:
0x15: {  	p1 =	slt.u32 s24, $0x3  }
0x16: {  	s0 =	simm.s32 @!p1 $0x2  }
0x17: {  	_ =	swait.ge @!p1 [sflag:s0], $0x1A90  }
0x18: {  	[sflag:s0] =	ssyncset.done @!p1 $0x0  }
0x19: {  	[sflag:s0] =	ssyncadd.s32 @!p1 $0xFFFFE570;
	s0 =	simm.s32 @!p1 $0x9  }
0x1a: {  	_ =	swait.ge @!p1 [sflag:s0], $0x10  }
0x1b: {  	[sflag:s0] =	ssyncset.done @!p1 $0x0  }
0x1c: {  	[sflag:s0] =	ssyncadd.s32 @!p1 $0xFFFFFFF0;
	p1 =	sne.s32 s24, s12  }
.Ltmp1:
0x1d: {  	s2 =	sadd.s32 $0x1A90, s23;
	(pc) =	sbr.rel @!p1 .LBB2_10-.Ltmp1, $4  }
0x1e: {  	s3 =	smov.u32 s5;
	s31 =	sadd.s32 $0x1, s24;
	s17 =	sadd.s32 $0x1A90, s17  }
0x1f: {  	s18 =	sadd.s32 $0x1, s18;
	s25 =	smov.u32 s23;
	p2 =	slt.s32 s2, s6  }
0x20: {  	p0 =	por !p0, !p0;
	s19 =	sadd.s32 $0x1A90, s19;
	s3 =	smov.u32 @p2 s2  }
0x21: {  	s20 =	sadd.s32 $0x1, s20;
	s23 =	smov.u32 s3;
	s24 =	smov.u32 s31  }
.LBB2_1:
0x22: {  	p1 =	sge.u32 s24, s9  }
0x23: {  	s0 =	smulhi.u32 @!p1 $0xAAAAAAAB, s24;
	_ =	sdelay $0x1  }
0x24: {  	s0 =	sshrl.u32 @!p1 s0, $0x1  }
0x25: {  	s0 =	smul.u32 @!p1 $0x3, s0;
	_ =	sdelay $0x1  }
0x26: {  	s0 =	ssub.s32 @!p1 s24, s0  }
0x27: {  	s0 =	smul.u32 @!p1 $0x6A40, s0;
	_ =	sdelay $0x1  }
0x28: {  	s2 =	sshrl.u32 @!p1 s23, $0x3;
	s0 =	sshrl.u32 @!p1 s0, $0x2  }
0x29: {  	s3 =	sand.u32 @!p1 $0x7, s23;
	s2 =	sadd.s32 @!p1 s4, s2;
	s0 =	sadd.s32 @!p1 $0x100, s0  }
0x2a: {  	[tilespmem:s0], [sflag:$0x7] =	stream.linear.gather @!p1 [hbm4b:s2+s3], $0x1A90, $0x38;
	[tilespmem:$0xF030] =	vst v63  }
0x2b: {  	s0 =	sadd.s32 $0xFFFFFFFF, s24  }
0x2c: {  	p1 =	sge.u32 s0, s9  }
.Ltmp2:
0x2d: {  	_ = 	snop;
	(pc) =	sbr.rel @p1 .LBB2_5-.Ltmp2, $1  }
0x2e: {  	_ =	sdelay $0x3  }
0x2f: {  	s2 =	smulhi.u32 $0xAAAAAAAB, s0;
	_ =	sdelay $0x1  }
0x30: {  	s2 =	sshrl.u32 s2, $0x1  }
0x31: {  	s2 =	smul.u32 $0x3, s2;
	_ =	sdelay $0x1  }
0x32: {  	s2 =	ssub.s32 s0, s2  }
0x33: {  	s2 =	smul.u32 $0x6A40, s2  }
0x34: {  	_ =	swait.ge [sflag:s7], $0x1A90  }
0x35: {  	[sflag:s7] =	ssyncset.done $0x0;
	s2 =	sshrl.u32 s2, $0x2  }
0x36: {  	[sflag:s7] =	ssyncadd.s32 $0xFFFFE570;
	(ifvalue) =	ssetifvalue $0xFFFFFFFF;
	v3 =	vld.msk [tilespmem:s2+$0x100 ss:$0x1], $0xffff;
	_ =	sdelay $0x2  }
0x37: {  	s30 =	smulhi.u32 $0xAAAAAAAB, s18;
	p1 =	sne.s32 s24, $0x1  }
0x38: {  	v4 =	vimm.s32 @!p1 $0x0  }
0x39: {  	s2 =	sshrl.u32 s30, $0x1;
	v4 =	vperm.xlane @!p1 v3, v4  }
0x3a: {  	s3 =	sshll.u32 s24, $0x4;
	s2 =	smul.u32 $0xFFFEC140, s2;
	vm4 =	vlt.u32 v3, $0x2800  }
0x3b: {  	s3 =	sand.u32 $0x10, s3;
	v3 =	vnsel vm4, $0xFFFFFFFE, v3;
	vm4 =	vlt.u32 @!p1 v4, $0x2800  }
0x3c: {  	s2 =	sshra.s32 s2, $0x2;
	[tilespmem:s3+$0x60] =	vst v3;
	v3 =	vnsel @!p1 vm4, $0xFFFFFFFE, v4  }
0x3d: {  	s28 =	sadd.s32 s2, s17;
	[tilespmem:$0x80] =	vst @!p1 v3  }
0x3e: {  	v3 =	vld.msk [tilespmem:s28+$0x0 ss:$0x1], $0xffff;
	_ =	sdelay $0x4  }
0x3f: {  	(xrf1) =	vunique.msk.u32 $0xffff, v3;
	_ =	sdelay $0xd  }
0x40: {  	v4 =	vimm.s32 $0xFFFFFFFF;
	v5, _, _ =	vpop (xrf1)  }
0x41: {  	vm5 =	vne.s32 v3, v4;
	vm4 =	veq.s32 v5, v2  }
0x42: {  	vm6 =	vlt.u32 v3, $0x2800;
	vm4 =	vmand vm5, vm4  }
0x43: {  	vm4 =	vmand vm6, vm4  }
0x44: {  	v4 =	vnsel vm4, $0xFFFFFFFF, v3  }
0x45: {  	s31 =	sand.u32 $0x1, s0  }
0x46: {  	s0 =	simm.s32 $0x1A90;
	p1 =	seq.s32 s31, $0x1  }
0x47: {  	s0 =	simm.s32 @!p1 $0x0  }
0x48: {  	s26 =	sadd.s32 $0x6B30, s0;
	(ifvalue) =	ssetifvalue $0xFFFFFFFF  }
0x49: {  	v3 =	vperm.xlane v3, v1;
	[tilespmem:s26], [sflag:$0x8] =	stream.indirect_vreg.gather [hbm4b:s1+s16], $0x1, v4, vm0, $0x4038;
	v4 =	vnsel vm6, $0xFFFFFFFE, v4;
	[tilespmem:$0xF030] =	vst v63  }
0x4a: {  	s2 =	simm.s32 $0x0;
	s3 =	sadd.s32 $0xFFFFFFF0, s28;
	[tilespmem:s28+$0x0] =	vst v4  }
.LBB2_3:
0x4b: {  	v4 =	vld.msk [tilespmem:s3+$0x0 ss:$0x1], $0xffff;
	s2 =	sadd.s32 $0x10, s2;
	v5 =	vmov v3;
	s28 =	smov.u32 s3  }
0x4c: {  	p1 =	slt.u32 s2, $0x1A80;
	_ =	sdelay $0x4  }
0x4d: {  	v3 =	vperm.xlane v4, v1;
	(xrf1) =	vunique.msk.u32 $0xffff, v4;
	_ =	sdelay $0xd  }
0x4e: {  	v6, _, _ =	vpop (xrf1)  }
0x4f: {  	vm5 =	vne.s32 v4, v5;
	vm4 =	veq.s32 v6, v2  }
0x50: {  	vm6 =	vlt.u32 v4, $0x2800;
	vm4 =	vmand vm5, vm4  }
0x51: {  	vm4 =	vmand vm6, vm4  }
0x52: {  	v4 =	vnsel vm4, $0xFFFFFFFF, v4  }
.Ltmp3:
0x53: {  	v5 =	vnsel vm6, $0xFFFFFFFE, v4;
	(pc) =	sbr.rel @p1 .LBB2_3-.Ltmp3, $3  }
0x54: {  	_ =	sdelay $0x1  }
0x55: {  	s3 =	sadd.s32 $0xFFFFFFF0, s3;
	s26 =	sadd.s32 $0xFFFFFFF0, s26;
	(ifvalue) =	ssetifvalue $0xFFFFFFFF  }
0x56: {  	[tilespmem:s26], [sflag:$0x8] =	stream.indirect_vreg.gather [hbm4b:s1+s16], $0x1, v4, vm0, $0x4038;
	[tilespmem:s28+$0x0] =	vst v5  }
0x57: {  	s2 =	sshrl.u32 s25, $0x3;
	s3 =	rddreg [dreg:$0x0]  }
0x58: {  	s0 =	sadd.s32 $0x85D0, s0;
	s2 =	sadd.s32 s3, s2  }
0x59: {  	[tilespmem:s0], [sflag:$0x8] =	stream.linear.gather [hbm:s2], $0x1A90, $0x38;
	[tilespmem:$0xF030] =	vst v63  }
.LBB2_5:
0x5a: {  	p1 =	slt.u32 s24, $0x2  }
0x5b: {  	p2 =	sge.u32 @!p1 s24, s12  }
0x5c: {  	p1 =	por p1, p2  }
.Ltmp4:
0x5d: {  	_ = 	snop;
	(pc) =	sbr.rel @p1 .LBB2_9-.Ltmp4, $1  }
0x5e: {  	_ =	sdelay $0x3  }
0x5f: {  	s0 =	sadd.s32 $0xFFFFFFFE, s24  }
0x60: {  	s2 =	smulhi.u32 $0xAAAAAAAB, s0;
	_ =	sdelay $0x1  }
0x61: {  	s2 =	sshrl.u32 s2, $0x1  }
0x62: {  	s2 =	smul.u32 $0x3, s2;
	_ =	sdelay $0x1  }
0x63: {  	s0 =	ssub.s32 s0, s2  }
0x64: {  	_ =	swait.ge [sflag:s8], $0x3520;
	s0 =	smul.u32 $0x1A90, s0  }
0x65: {  	p1 =	sne.s32 s24, s11;
	[sflag:s8] =	ssyncset.done $0x0  }
0x66: {  	[sflag:s8] =	ssyncadd.s32 $0xFFFFCAE0;
	s2 =	sadd.s32 @!p1 $0x1B8F, s0  }
0x67: {  	[spmem:s13] =	stream.linear.scatter @!p1 [tilespmem:s2], [sflag:$0x1], $0x1, $0x38;
	[tilespmem:$0xF030] =	vst v63  }
0x68: {  	s2 =	simm.s32 @!p1 $0x1  }
0x69: {  	_ =	swait.ge @!p1 [sflag:s2], $0x1  }
0x6a: {  	s3 =	sshll.u32 s24, $0x4;
	[sflag:s2] =	ssyncset.done @!p1 $0x0  }
0x6b: {  	s25 =	sand.u32 $0x10, s3;
	[sflag:s2] =	ssyncadd.s32 @!p1 $0xFFFFFFFF  }
0x6c: {  	s2 =	sxor.u32 $0x10, s25;
	v4 =	vld [tilespmem:s25+$0x10]  }
0x6d: {  	v5 =	vld [tilespmem:s2+$0x60]  }
0x6e: {  	v3 =	vld [tilespmem:$0x80];
	_ =	sdelay $0x2  }
0x6f: {  	(v2sf) =	vpush v4, $0x0  }
0x70: {  	(v2sf) =	vpush v5, $0x0  }
0x71: {  	(v2sf) =	vpush v3, $0x0;
	_ =	sdelay $0xc  }
0x72: {  	s22 =	spop (v2sf)  }
0x73: {  	s28 =	spop (v2sf)  }
0x74: {  	s26 =	spop (v2sf)  }
0x75: {  	p2 =	seq.s32 s22, s28;
	p3 =	seq.s32 s26, s22  }
0x76: {  	p3 =	por p2, p3  }
0x77: {  	s22 =	sand.u32 $0x1, s24;
	v4 =	vpsel p3, $0xFFFFFFFF, v4  }
0x78: {  	s28 =	smul.u32 $0x1A90, s22;
	[tilespmem:s25+$0x10] =	vst.msk $0x1, v4  }
0x79: {  	v4 =	vld [tilespmem:$0x30]  }
0x7a: {  	v5 =	vld [tilespmem:s28+$0x85D0]  }
0x7b: {  	v6 =	vld [tilespmem:s25+$0x40];
	_ =	sdelay $0x3  }
0x7c: {  	vm4 =	vmmov vm1;
	v5 =	vadd.f32 v5, v4  }
0x7d: {  	vm5 =	vmmov vm2;
	vm4 =	vmmov @p2 vm2;
	v4 =	vadd.f32 v6, v4  }
0x7e: {  	s3 =	sshll.u32 s22, $0x4;
	vm5 =	vmmov @p3 vm1;
	[tilespmem:s28+$0x85D0] =	vst.msk vm4, v5  }
0x7f: {  	[tilespmem:s3+$0xF010] =	vst.msk vm5, v4  }
0x80: {  	v4 =	vld [tilespmem:s28+$0x6B30];
	_ =	sdelay $0x3  }
0x81: {  	v5 =	vimm.f32 $0.0e+00  }
0x82: {  	v4 =	vshift.insert v4, v5, s21  }
0x83: {  	s29 =	sor.u32 $0x40, s2  }
0x84: {  	[tilespmem:s29+$0x0] =	vst.msk $0x1, v4  }
0x85: {  	[tilespmem:s28+$0x6B3F] =	vst.msk $0x1, v5  }
0x86: {  	v4 =	vld [tilespmem:s0+$0x1B80];
	_ =	sdelay $0x1  }
0x87: {  	s29 =	smulhi.u32 $0xAAAAAAAB, s20;
	s0 =	simm.s32 $0x1  }
0x88: {  	s0 =	simm.s32 @!p0 $0x0  }
0x89: {  	s29 =	sshrl.u32 s29, $0x1;
	s0 =	smul.u32 $0x6A40, s0  }
0x8a: {  	s29 =	smul.u32 $0xFFFEC140, s29;
	v4 =	vshift.insert v4, v1, s21  }
0x8b: {  	s0 =	sshrl.u32 s0, $0x2  }
0x8c: {  	s29 =	sshra.s32 s29, $0x2;
	s30 =	sadd.s32 $0x85D0, s0;
	[tilespmem:s2+$0x10] =	vst.msk $0x1, v4  }
0x8d: {  	s22 =	sadd.s32 s29, s19;
	v6 =	vld [tilespmem:s30+$0x0]  }
0x8e: {  	v7 =	vld [tilespmem:s22+$0x0];
	_ =	sdelay $0x3  }
0x8f: {  	v5 =	vadd.f32 v6, v5  }
0x90: {  	vm4 =	vne.s32 v7, $0xFFFFFFFF  }
0x91: {  	(xrf2) =	vadd.seg.scan.f32 vm4, v5;
	_ =	sdelay $0x3  }
0x92: {  	s31 =	sadd.s32 $0x50B0, s0;
	v5 =	vperm.xlane v4, v1  }
0x93: {  	v6 =	vld [tilespmem:s31+$0x0]  }
0x94: {  	vm5 =	veq.s32 v7, v3;
	vm6 =	veq.s32 v7, v5  }
0x95: {  	vm7 =	vgt.u32 v7, $0xFFFFFFFD;
	vm6 =	vmor vm6, vm5  }
0x96: {  	vm6 =	vmor vm6, vm7  }
0x97: {  	v9 =	vld [tilespmem:$0xA0];
	v7 =	vsel vm6, $0xFFFFFFFF, v7  }
0x98: {  	v10 =	vld [tilespmem:$0x90];
	v6 =	vsel vm5, $0x0, v6;
	v8, _, _ =	vpop (xrf2)  }
0x99: {  	v6 =	vadd.f32 v8, v6  }
0x9a: {  	s0 =	sadd.s32 $0xBAF0, s0  }
0x9b: {  	vm4 =	vmand vm4, vm3;
	[tilespmem:s0+$0x0] =	vst v6;
	(ifvalue) =	ssetifvalue $0xFFFFFFFF  }
0x9c: {  	vm6 =	veq.s32 v9, $0x1;
	[hbm4b:s1+s16] =	stream.indirect_vreg.scatter [tilespmem:s0], [sflag:$0x2], $0x1, v7, vm0, $0x4038;
	v7 =	vsel vm4, $0x0, v8;
	[tilespmem:$0xF030] =	vst v63  }
0x9d: {  	s29 =	sadd.s32 $0xF010, s3;
	s3 =	sadd.s32 $0x10, s22;
	s2 =	simm.s32 $0x0;
	vm4 =	vmor vm6, vm5;
	v6 =	vsel vm5, v8, v10;
	v7 =	vshift.insert v7, v0, s21  }
.LBB2_7:
0x9e: {  	v8 =	vld [tilespmem:s3+$0x0];
	s30 =	sadd.s32 $0x10, s30  }
0x9f: {  	s31 =	sadd.s32 $0x10, s31;
	v9 =	vld [tilespmem:s30+$0x0]  }
0xa0: {  	s2 =	sadd.s32 $0x10, s2;
	v10 =	vld [tilespmem:s31+$0x0]  }
0xa1: {  	p2 =	slt.u32 s2, $0x1A80;
	_ =	sdelay $0x2  }
0xa2: {  	v7 =	vadd.f32 v9, v7  }
0xa3: {  	vm5 =	vne.s32 v8, $0xFFFFFFFF  }
0xa4: {  	vm6 =	vmand vm5, vm3;
	(xrf2) =	vadd.seg.scan.f32 vm5, v7;
	_ =	sdelay $0x5  }
0xa5: {  	vm7 =	veq.s32 v8, v5;
	vm5 =	veq.s32 v8, v3  }
0xa6: {  	vm8 =	vgt.u32 v8, $0xFFFFFFFD;
	vm4 =	vmor vm4, vm5;
	vm7 =	vmor vm7, vm5  }
0xa7: {  	vm7 =	vmor vm7, vm8  }
0xa8: {  	v8 =	vsel vm7, $0xFFFFFFFF, v8  }
.Ltmp5:
0xa9: {  	v7 =	vsel vm5, $0x0, v10;
	v9, _, _ =	vpop (xrf2);
	(pc) =	sbr.rel @p2 .LBB2_7-.Ltmp5, $4  }
0xaa: {  	v6 =	vsel vm5, v9, v6;
	v10 =	vadd.f32 v9, v7;
	v7 =	vsel vm6, $0x0, v9  }
0xab: {  	s0 =	sadd.s32 $0x10, s0;
	v7 =	vshift.insert v7, v0, s21  }
0xac: {  	s3 =	sadd.s32 $0x10, s3;
	[tilespmem:s0+$0x0] =	vst v10;
	(ifvalue) =	ssetifvalue $0xFFFFFFFF  }
0xad: {  	[hbm4b:s1+s16] =	stream.indirect_vreg.scatter [tilespmem:s0], [sflag:$0x2], $0x1, v8, vm0, $0x4038;
	[tilespmem:$0xF030] =	vst v63  }
0xae: {  	v3 =	vld [tilespmem:s28+$0xD570];
	_ =	sdelay $0x4  }
0xaf: {  	v3 =	vshift.insert v3, v0, s21  }
0xb0: {  	s0 =	simm.s32 $0x30  }
0xb1: {  	[tilespmem:s0+$0x0] =	vst.msk $0x1, v3  }
0xb2: {  	v3 =	vsel vm4, $0x1, v1;
	[tilespmem:$0x90] =	vst v6  }
0xb3: {  	s0 =	sadd.s32 @!p1 $0xD57F, s28;
	[tilespmem:$0xA0] =	vst v3  }
0xb4: {  	[spmem:s14] =	stream.linear.scatter @!p1 [tilespmem:s0], [sflag:$0x1], $0x1, $0x38;
	[tilespmem:$0xF030] =	vst v63  }
0xb5: {  	s0 =	simm.s32 @!p1 $0x1  }
0xb6: {  	v3 =	vmctz.xlane @!p1 vm4;
	_ =	swait.ge @!p1 [sflag:s0], $0x1  }
0xb7: {  	(v2sf) =	vpush @!p1 v4, $0x0  }
0xb8: {  	(v2sf) =	vpush @!p1 v3, $0x0;
	_ =	sdelay $0xd  }
0xb9: {  	s2 =	spop @!p1 (v2sf)  }
0xba: {  	s3 =	spop @!p1 (v2sf)  }
0xbb: {  	p2 =	sne.s32 @!p1 s26, s2;
	p3 =	slt.s32 @!p1 s3, $0xF  }
0xbc: {  	[sflag:s0] =	ssyncset.done @!p1 $0x0;
	p2 =	por p2, p1;
	p3 =	por !p3, p1  }
0xbd: {  	[sflag:s0] =	ssyncadd.s32 @!p1 $0xFFFFFFFF;
	v3 =	vimm.s32 @!p2 $0xFFFFFFFF;
	s3 =	simm.s32 @p3 $0xF  }
0xbe: {  	[tilespmem:$0x80] =	vst @!p2 v3;
	s2 =	sadd.s32 @!p1 $0x90, s3  }
0xbf: {  	[spmem:s10] =	stream.linear.scatter @!p1 [tilespmem:s2], [sflag:$0x1], $0x1, $0x38;
	[tilespmem:$0xF030] =	vst v63  }
0xc0: {  	_ =	swait.ge @!p1 [sflag:s0], $0x1  }
0xc1: {  	[sflag:s0] =	ssyncset.done @!p1 $0x0  }
0xc2: {  	s2 =	simm.s32 @!p1 $0x80;
	[sflag:s0] =	ssyncadd.s32 @!p1 $0xFFFFFFFF  }
0xc3: {  	[spmem:s15] =	stream.linear.scatter @!p1 [tilespmem:s2], [sflag:$0x1], $0x1, $0x38;
	[tilespmem:$0xF030] =	vst v63  }
0xc4: {  	_ =	swait.ge @!p1 [sflag:s0], $0x1  }
0xc5: {  	[sflag:s0] =	ssyncset.done @!p1 $0x0  }
0xc6: {  	[sflag:s0] =	ssyncadd.s32 @!p1 $0xFFFFFFFF;
	(ifvalue) =	ssetifvalue $0xFFFFFFFF;
	v3 =	vld [tilespmem:s25+$0x10];
	_ =	sdelay $0x3  }
.Ltmp6:
0xc7: {  	_ = 	snop;
	(pc) =	sbr.rel .LBB2_9-.Ltmp6, $3  }
0xc8: {  	_ =	sdelay $0x1  }
0xc9: {  	(ifvalue) =	ssetifvalue $0xFFFFFFFF  }
0xca: {  	[hbm4b:s1+s16] =	stream.indirect_vreg.scatter [tilespmem:s29], [sflag:$0x9], $0x1, v3, vm0, $0x4038;
	[tilespmem:$0xF030] =	vst v63  }
.LBB2_10:
0xcb: {  	_ =	sfence.sel $0x180000  }
0xcc: {  	s0 =	simm.s32 $0x7;
	[bflag:$0x0] =	sbarrier.arrive $0xFFFF  }
0xcd: {  	s26 =	simm.s32 $0x8;
	[sflag:s0] =	ssyncpa.u1 $0x1  }
0xce: {  	s28 =	simm.s32 $0x9;
	[sflag:s26] =	ssyncpa.u1 $0x1  }
0xcf: {  	[sflag:s28] =	ssyncpa.u1 $0x1  }
0xd0: {  	_ =	sfence.stream.spmem  }
0xd1: {  	s29 =	simm.s32 $0x3;
	[bflag:$0x0] =	sbarrier.arrive $0xFFFF  }
0xd2: {  	s30 =	simm.s32 $0x4;
	[sflag:s29] =	ssyncpa.u1 $0x1  }
0xd3: {  	s31 =	simm.s32 $0x3C;
	s2 =	stileid.u32;
	[sflag:s30] =	ssyncpa.u1 $0x1  }
0xd4: {  	p0 =	sne.s32 s2, $0x0;
	[sflag:s31] =	ssyncpa.u1 $0x1  }
0xd5: {  	s0 =	simm.s32 @p0 $0x1;
	_ =	sfence @p0  }
0xd6: {  	[sflag:s0] =	ssyncpa.u1 @p0 $0x1;
	s0 =	simm.s32 @p0 $0x2  }
0xd7: {  	[sflag:s0] =	ssyncpa.u1 @p0 $0x1  }
0xd8: {  	_ =	strace @p0 $0x90000050  }
0xd9: {  	[bflag:$0x2] =	sbarrier.arrive @p0 $0xFFFF  }
0xda: {  	_ =	shalt @p0  }
.LBB2_11:
0xdb: {  	_ =	sfence.stream.spmem;
	s0 =	simm.s32 $0x5  }
0xdc: {  	s2 =	simm.s32 $0x80;
	s3 =	simm.s32 $0xC0;
	[sflag:s0] =	ssyncpa.u1 $0x0  }
0xdd: {  	[tilespmem:s3], [sflag:$0x5] =	stream.linear.gather [spmem:s2], $0x20, $0x38;
	[tilespmem:$0xF030] =	vst v63  }
0xde: {  	s2 =	simm.s32 $0x0;
	s3 =	simm.s32 $0xE0  }
0xdf: {  	[tilespmem:s3], [sflag:$0x5] =	stream.linear.gather [spmem:s2], $0x20, $0x38;
	[tilespmem:$0xF030] =	vst v63  }
.Ltmp7:
0xe0: {  	_ = 	snop;
	(pc) =	sbr.rel .LBB2_12-.Ltmp7, $4  }
0xe1: {  	_ =	swait.ge [sflag:s0], $0x40  }
0xe2: {  	[sflag:s0] =	ssyncset.done $0x0  }
0xe3: {  	s31 =	simm.s32 $0x6;
	[sflag:s0] =	ssyncadd.s32 $0xFFFFFFC0  }
0xe4: {  	s4 =	simm.s32 $0x0;
	[sflag:s31] =	ssyncpa.u1 $0x0  }
.LBB2_17:
0xe5: {  	p0 =	sgt.u32 s5, $0x27FF  }
0xe6: {  	s0 =	sshrl.u32 @!p0 s5, $0x3  }
0xe7: {  	s5 =	sand.u32 @!p0 $0x7, s5;
	s6 =	simm.s32 @!p0 $0xB0;
	s0 =	sadd.s32 @!p0 s1, s0  }
0xe8: {  	[tilespmem:s6], [sflag:$0x6] =	stream.linear.gather @!p0 [hbm4b:s0+s5], $0x1, $0x38;
	[tilespmem:$0xF030] =	vst v63  }
0xe9: {  	s0 =	simm.s32 @!p0 $0x6  }
0xea: {  	_ =	swait.ge @!p0 [sflag:s0], $0x1  }
0xeb: {  	[sflag:s0] =	ssyncset.done @!p0 $0x0  }
0xec: {  	[sflag:s0] =	ssyncadd.s32 @!p0 $0xFFFFFFFF  }
0xed: {  	v2 =	vmov @!p0 s4;
	v1 =	vld.msk @!p0 [tilespmem:$0xB0], $0x1;
	_ =	sdelay $0x3  }
0xee: {  	s0 =	simm.s32 @!p0 $0xE0  }
0xef: {  	[tilespmem:v2+s0+$0x0], v1 =	vst.idx.ret.add.f32.msk @!p0 $0x1, v1  }
0xf0: {  	[tilespmem:s2+$0xC0] =	vst.msk $0x1, v0  }
0xf1: {  	v0 =	vld.msk [tilespmem:s4+$0xE0], $0x1;
	_ =	sdelay $0x4  }
0xf2: {  	[tilespmem:s2+$0xE0] =	vst.msk $0x1, v0;
	s2 =	sadd.s32 $0x1, s2  }
.LBB2_19:
0xf3: {  	s4 =	sadd.s32 $0x1, s4  }
0xf4: {  	p0 =	sne.s32 s4, $0x20  }
.Ltmp8:
0xf5: {  	_ = 	snop;
	(pc) =	sbr.rel @!p0 .LBB2_20-.Ltmp8, $1  }
0xf6: {  	_ =	sdelay $0x3  }
.LBB2_12:
0xf7: {  	v0 =	vld.msk [tilespmem:s4+$0xC0], $0x1;
	_ =	sdelay $0x4  }
0xf8: {  	(v2sf) =	vpush v0, $0x0;
	_ =	sdelay $0xe  }
0xf9: {  	s5 =	spop (v2sf)  }
0xfa: {  	p0 =	seq.s32 s5, $0xFFFFFFFF  }
.Ltmp9:
0xfb: {  	_ = 	snop;
	(pc) =	sbr.rel @p0 .LBB2_19-.Ltmp9, $1  }
0xfc: {  	_ =	sdelay $0x3  }
0xfd: {  	p0 =	slt.s32 s2, $0x1  }
.Ltmp10:
0xfe: {  	_ = 	snop;
	(pc) =	sbr.rel @p0 .LBB2_17-.Ltmp10, $1  }
0xff: {  	_ =	sdelay $0x3  }
0x100: {  	s0 =	simm.s32 $0xC0;
	p0 =	por $0x0, $0x0  }
0x101: {  	v1 =	vld.msk @!p0 [tilespmem:s0+$0x0], $0x1;
	_ =	sdelay $0x4  }
0x102: {  	(v2sf) =	vpush @!p0 v1, $0x0;
	_ =	sdelay $0xd  }
0x103: {  	p2 =	sne.s32 s2, $0x1  }
.Ltmp11:
0x104: {  	s6 =	spop @!p0 (v2sf);
	(pc) =	sbr.rel @!p2 .LBB2_16-.Ltmp11, $4  }
0x105: {  	p1 =	seq.s32 @!p0 s5, s6  }
0x106: {  	s6 =	simm.s32 $0x0;
	p1 =	por !p1, p0  }
0x107: {  	s8 =	simm.s32 $0xFFFFFFFF;
	s6 =	simm.s32 @p1 $0xFFFFFFFF  }
0x108: {  	s7 =	simm.s32 $0x1;
	s6 =	smov.u32 @p0 s8  }
.LBB2_15:
0x109: {  	s8 =	smov.u32 s6;
	p0 =	sne.s32 s6, $0xFFFFFFFF  }
0x10a: {  	s0 =	sadd.s32 $0x1, s0;
	s6 =	smov.u32 s7;
	s7 =	sadd.s32 $0x1, s7  }
0x10b: {  	p1 =	sne.s32 s2, s7;
	v1 =	vld.msk @!p0 [tilespmem:s0+$0x0], $0x1;
	_ =	sdelay $0x4  }
0x10c: {  	(v2sf) =	vpush @!p0 v1, $0x0;
	_ =	sdelay $0xe  }
.Ltmp12:
0x10d: {  	s9 =	spop @!p0 (v2sf);
	(pc) =	sbr.rel @p1 .LBB2_15-.Ltmp12, $4  }
0x10e: {  	p2 =	seq.s32 @!p0 s5, s9  }
0x10f: {  	p2 =	por !p2, p0  }
0x110: {  	s6 =	simm.s32 @p2 $0xFFFFFFFF  }
0x111: {  	s6 =	smov.u32 @p0 s8  }
.LBB2_16:
0x112: {  	p0 =	sne.s32 s6, $0xFFFFFFFF  }
.Ltmp13:
0x113: {  	_ = 	snop;
	(pc) =	sbr.rel @!p0 .LBB2_17-.Ltmp13, $1  }
0x114: {  	_ =	sdelay $0x3  }
0x115: {  	v0 =	vld.msk [tilespmem:s4+$0xE0], $0x1;
	v1 =	vmov s6  }
.Ltmp14:
0x116: {  	_ = 	snop;
	(pc) =	sbr.rel .LBB2_19-.Ltmp14, $2  }
0x117: {  	_ =	sdelay $0x2  }
0x118: {  	[tilespmem:v1+s3+$0x0], v0 =	vst.idx.ret.add.f32.msk $0x1, v0  }
.LBB2_20:
0x119: {  	p0 =	slt.s32 s2, $0x1  }
.Ltmp15:
0x11a: {  	_ = 	snop;
	(pc) =	sbr.rel @p0 .LBB2_24-.Ltmp15, $3  }
0x11b: {  	_ =	sdelay $0x1  }
0x11c: {  	s0 =	simm.s32 $0x6  }
0x11d: {  	s3 =	simm.s32 $0x0;
	[sflag:s0] =	ssyncpa.u1 $0x1  }
0x11e: {  	s0 =	simm.s32 $0xC0  }
0x11f: {  	v0 =	vld.msk [tilespmem:s0+$0x0], $0x1;
	_ =	sdelay $0x4  }
0x120: {  	(v2sf) =	vpush v0, $0x0;
	_ =	sdelay $0xe  }
0x121: {  	s2 =	sadd.s32 $0xFFFFFFFF, s2;
	s4 =	spop (v2sf)  }
0x122: {  	p1 =	sne.s32 s2, $0x0;
	p0 =	sgt.u32 s4, $0x27FF  }
.Ltmp16:
0x123: {  	s5 =	sshrl.u32 @!p0 s4, $0x3;
	(pc) =	sbr.rel @!p1 .LBB2_23-.Ltmp16, $4  }
0x124: {  	s0 =	simm.s32 $0xE0;
	s4 =	sand.u32 @!p0 $0x7, s4;
	s5 =	sadd.s32 @!p0 s1, s5  }
0x125: {  	[hbm4b:s5+s4] =	stream.linear.scatter @!p0 [tilespmem:s0], [sflag:$0x5], $0x1, $0x38;
	[tilespmem:$0xF030] =	vst v63  }
0x126: {  	s5 =	simm.s32 $0x0  }
0x127: {  	s4 =	simm.s32 $0xC1;
	s5 =	simm.s32 @!p0 $0x4  }
.LBB2_22:
0x128: {  	v0 =	vld.msk [tilespmem:s4+$0x0], $0x1;
	s2 =	sadd.s32 $0xFFFFFFFF, s2;
	s3 =	sadd.s32 s3, s5  }
0x129: {  	p0 =	sne.s32 s2, $0x0;
	_ =	sdelay $0x3  }
0x12a: {  	(v2sf) =	vpush v0, $0x0;
	_ =	sdelay $0xe  }
.Ltmp17:
0x12b: {  	s6 =	spop (v2sf);
	(pc) =	sbr.rel @p0 .LBB2_22-.Ltmp17, $4  }
0x12c: {  	s5 =	simm.s32 $0x0;
	p1 =	sgt.u32 s6, $0x27FF  }
0x12d: {  	s0 =	sadd.s32 $0x1, s0;
	s5 =	simm.s32 @!p1 $0x4;
	s7 =	sshrl.u32 @!p1 s6, $0x3  }
0x12e: {  	s4 =	sadd.s32 $0x1, s4;
	s6 =	sand.u32 @!p1 $0x7, s6;
	s7 =	sadd.s32 @!p1 s1, s7  }
0x12f: {  	[hbm4b:s7+s6] =	stream.linear.scatter @!p1 [tilespmem:s0], [sflag:$0x5], $0x1, $0x38;
	[tilespmem:$0xF030] =	vst v63  }
.LBB2_23:
0x130: {  	s0 =	sadd.s32 s3, s5  }
0x131: {  	s3 =	sshrl.u32 s0, $0x2  }
.LBB2_24:
0x132: {  	s0 =	simm.s32 $0x5  }
0x133: {  	_ =	swait.ge [sflag:s0], s3  }
0x134: {  	s1 =	ssub.s32 $0x0, s3;
	[sflag:s0] =	ssyncset.done $0x0  }
0x135: {  	[sflag:s0] =	ssyncadd.s32 s1  }
0x136: {  	[sflag:s0] =	ssyncpa.u1 $0x1  }
0x137: {  	s29 =	simm.s32 $0x1;
	_ =	sfence  }
0x138: {  	s30 =	simm.s32 $0x2;
	[sflag:s29] =	ssyncpa.u1 $0x1  }
0x139: {  	[sflag:s30] =	ssyncpa.u1 $0x1  }
0x13a: {  	_ =	strace $0x90000050  }
0x13b: {  	[bflag:$0x2] =	sbarrier.arrive $0xFFFF  }
0x13c: {  	s31 =	rddreg [dreg:$0x2]  }
0x13d: {  	s0 =	sadd.s32 $0x100000, s31  }
0x13e: {  	[sflag:s0] =	ssyncadd.tile.s32 $0x1;
	_ =	shalt  }
.Lfunc_end2:
_tile_overlayer_lowered:
.L_overlay_start_2:
0x13f: {  	(tag) =	ssettag $0x2  }
0x140: {  	s0 =	rddreg [dreg:$0x0];
	s2 =	stileid.u32  }
0x141: {  	s1 =	rddreg [dreg:$0x1];
	p0 =	sne.s32 s2, $0x0  }
0x142: {  	s3 =	rddreg [dreg:$0x2];
	[bflag:$0x3] =	sbarrier.arrive $0xFFFF;
	s2 =	simm.s32 @!p0 $0x1C01  }
0x143: {  	[timem:s3], [sflag:s2] =	dma.local @!p0 [hbm:s0], s1  }
0x144: {  	s0 =	simm.s32 @!p0 $0x1  }
0x145: {  	_ =	swait.ge @!p0 [sflag:s0], s1  }
0x146: {  	s1 =	ssub.s32 @!p0 $0x0, s1;
	[sflag:s0] =	ssyncset.done @!p0 $0x0  }
0x147: {  	[sflag:s0] =	ssyncadd.s32 @!p0 s1  }
0x148: {  	[bflag:$0x3] =	sbarrier.arrive $0xFFFF  }
0x149: {  	_ =	shalt  }

// kernel: scatter_offload_async_start.2
scs
__scs_entry_jumppad:
0x0: {  	(pc) =	sbr.rel $0x88, $3  }
0x1: {  	(tag) =	ssettag $0x0;
	lr =	simm.s32 $0x1  }
0x2: {  	[smem:$0x3F97] =	sst lr;
	_ =	strace $0xD0000000  }
0x3: {  	_ = 	snop  }
0x4: {  	_ = 	snop  }
0x5: {  	_ = 	snop  }
0x6: {  	_ = 	snop  }
0x7: {  	_ = 	snop  }
__scs_overlays_trampoline_lowered:
0x8: {  	[smem:$0x3FA6] =	sst s0  }
0x9: {  	[smem:$0x3FA7] =	sst s1  }
0xa: {  	[smem:$0x3FA8] =	sst s2  }
0xb: {  	[smem:$0x3FA9] =	sst s3  }
0xc: {  	[smem:$0x3FAA] =	sst s4  }
0xd: {  	[smem:$0x3FAB] =	sst s5  }
0xe: {  	[smem:$0x3FAC] =	sst s6  }
0xf: {  	[smem:$0x3FAD] =	sst s7  }
0x10: {  	[smem:$0x3FAE] =	sst s8  }
0x11: {  	[smem:$0x3FAF] =	sst s9;
	s0 =	simm.s32 @!p0 $0x0  }
0x12: {  	s1 =	sld [smem:$0x3F95];
	s0 =	simm.s32 @p0 $0x1  }
0x13: {  	[smem:$0x3FB0] =	sst s0;
	s0 =	simm.s32 @!p1 $0x0  }
0x14: {  	s2 =	sld [smem:$0x3F94];
	s0 =	simm.s32 @p1 $0x1  }
0x15: {  	[smem:$0x3FB1] =	sst s0;
	s0 =	simm.s32 @!p2 $0x0  }
0x16: {  	s3 =	sld [smem:$0x3FDB];
	s0 =	simm.s32 @p2 $0x1  }
0x17: {  	s4 =	simm.s32 $0x1BF5;
	[smem:$0x3FB3] =	sst s0  }
0x18: {  	s0 =	sld [smem:$0x3F96];
	_ =	swait.ge [sflag:s4], $0x0  }
0x19: {  	s7 =	sld [smem:$0x3F97]  }
0x1a: {  	s8 =	sadd.s32 $0xFFFFE003, lr  }
0x1b: {  	s9 =	sadd.s32 $0xFFFFFEF7, lr;
	s5 =	simm.s32 $0xFFFFFFFF;
	p2 =	slt.u32 s8, $0xFFFFF086  }
0x1c: {  	p1 =	slt.u32 s9, $0xF7A;
	s5 =	simm.s32 @!p2 $0x0  }
0x1d: {  	s5 =	simm.s32 @p1 $0x1;
	p0 =	seq.s32 s7, s2  }
0x1e: {  	s7 =	smul.u32 @!p0 $0xF7A, s2;
	p2 =	seq.s32 @!p0 s5, $0x0  }
0x1f: {  	s9 =	smul.u32 $0xF7A, s1;
	s8 =	simm.s32 @!p0 $0x1BF5;
	p2 =	por !p2, p0  }
0x20: {  	[sflag:s8] =	ssyncset.s32 @!p0 $0xFFFFF086;
	s6 =	sadd.s32 @!p0 s3, s7;
	s7 =	simm.s32 @!p0 $0x108  }
0x21: {  	s3 =	sadd.s32 s3, s9;
	s6 =	sadd.s32 @!p0 $0x88, s6;
	s7 =	simm.s32 @p2 $0x1082  }
0x22: {  	[simem:s7], [sflag:s8] =	dma.local @!p0 [hbm:s6], $0xF7A  }
0x23: {  	s9 =	sor.u32 $0xD0000000, s2;
	s6 =	simm.s32 $0x108;
	_ =	swait.ge @!p0 [sflag:s8], $0x0  }
0x24: {  	s3 =	sadd.s32 $0x88, s3;
	s6 =	simm.s32 @!p1 $0x1082;
	[sflag:s4] =	ssyncset.s32 $0xFFFFF086  }
0x25: {  	[simem:s6], [sflag:s4] =	dma.local [hbm:s3], $0xF7A  }
0x26: {  	[smem:$0x3F97] =	sst s1;
	(tag) =	ssettag s2;
	_ =	strace s9  }
0x27: {  	s1 =	sld [smem:$0x3FA7]  }
0x28: {  	s2 =	sld [smem:$0x3FA8]  }
0x29: {  	s4 =	sld [smem:$0x3FAA]  }
0x2a: {  	p0 =	seq.s32 s5, $0x0;
	s5 =	sld [smem:$0x3FAB]  }
0x2b: {  	s6 =	sld [smem:$0x3FAC]  }
0x2c: {  	s7 =	sld [smem:$0x3FAD]  }
0x2d: {  	s3 =	simm.s32 $0x108;
	s8 =	sld [smem:$0x3FAE]  }
0x2e: {  	s3 =	simm.s32 @!p0 $0x1082;
	s9 =	sld [smem:$0x3FAF]  }
0x2f: {  	lr =	sadd.s32 s0, s3;
	s0 =	sld [smem:$0x3FA6]  }
0x30: {  	s3 =	sld [smem:$0x3FA9]  }
0x31: {  	[smem:$0x3FB2] =	sst s10  }
0x32: {  	s10 =	sld [smem:$0x3FB0];
	_ =	sdelay $0x3  }
0x33: {  	p0 =	seq.s32 s10, $0x1;
	s10 =	sld [smem:$0x3FB2];
	_ =	sdelay $0x3  }
0x34: {  	[smem:$0x3FB2] =	sst s10  }
0x35: {  	s10 =	sld [smem:$0x3FB1];
	_ =	sdelay $0x3  }
0x36: {  	p1 =	seq.s32 s10, $0x1;
	s10 =	sld [smem:$0x3FB2];
	_ =	sdelay $0x3  }
0x37: {  	[smem:$0x3FB2] =	sst s10  }
0x38: {  	s10 =	sld [smem:$0x3FB3]  }
0x39: {  	_ = 	snop;
	(pc) =	sbr.ind lr, $3  }
0x3a: {  	_ = 	snop  }
0x3b: {  	_ = 	snop  }
0x3c: {  	p2 =	seq.s32 s10, $0x1;
	s10 =	sld [smem:$0x3FB2]  }
0x3d: {  	_ =	shalt  }
0x3e: {  	_ =	shalt  }
0x3f: {  	_ =	shalt  }
0x40: {  	_ =	shalt  }
0x41: {  	_ =	shalt  }
0x42: {  	_ =	shalt  }
0x43: {  	_ =	shalt  }
0x44: {  	_ =	shalt  }
0x45: {  	_ =	shalt  }
0x46: {  	_ =	shalt  }
0x47: {  	_ =	shalt  }
0x48: {  	_ =	shalt  }
0x49: {  	_ =	shalt  }
0x4a: {  	_ =	shalt  }
0x4b: {  	_ =	shalt  }
0x4c: {  	_ =	shalt  }
0x4d: {  	_ =	shalt  }
0x4e: {  	_ =	shalt  }
0x4f: {  	_ =	shalt  }
0x50: {  	_ =	shalt  }
0x51: {  	_ =	shalt  }
0x52: {  	_ =	shalt  }
0x53: {  	_ =	shalt  }
0x54: {  	_ =	shalt  }
0x55: {  	_ =	shalt  }
0x56: {  	_ =	shalt  }
0x57: {  	_ =	shalt  }
0x58: {  	_ =	shalt  }
0x59: {  	_ =	shalt  }
0x5a: {  	_ =	shalt  }
0x5b: {  	_ =	shalt  }
0x5c: {  	_ =	shalt  }
0x5d: {  	_ =	shalt  }
0x5e: {  	_ =	shalt  }
0x5f: {  	_ =	shalt  }
0x60: {  	_ =	shalt  }
0x61: {  	_ =	shalt  }
0x62: {  	_ =	shalt  }
0x63: {  	_ =	shalt  }
0x64: {  	_ =	shalt  }
0x65: {  	_ =	shalt  }
0x66: {  	_ =	shalt  }
0x67: {  	_ =	shalt  }
0x68: {  	_ =	shalt  }
0x69: {  	_ =	shalt  }
0x6a: {  	_ =	shalt  }
0x6b: {  	_ =	shalt  }
0x6c: {  	_ =	shalt  }
0x6d: {  	_ =	shalt  }
0x6e: {  	_ =	shalt  }
0x6f: {  	_ =	shalt  }
0x70: {  	_ =	shalt  }
0x71: {  	_ =	shalt  }
0x72: {  	_ =	shalt  }
0x73: {  	_ =	shalt  }
0x74: {  	_ =	shalt  }
0x75: {  	_ =	shalt  }
0x76: {  	_ =	shalt  }
0x77: {  	_ =	shalt  }
0x78: {  	_ =	shalt  }
0x79: {  	_ =	shalt  }
0x7a: {  	_ =	shalt  }
0x7b: {  	_ =	shalt  }
0x7c: {  	_ =	shalt  }
0x7d: {  	_ =	shalt  }
0x7e: {  	_ =	shalt  }
0x7f: {  	_ =	shalt  }
0x80: {  	_ =	shalt  }
0x81: {  	_ =	shalt  }
0x82: {  	_ =	shalt  }
0x83: {  	_ =	shalt  }
0x84: {  	_ =	shalt  }
0x85: {  	_ =	shalt  }
0x86: {  	_ =	shalt  }
0x87: {  	_ =	shalt  }
.Lfunc_end0:
.L_simem_size_0:
called_computation.2_lowered:
.L_overlay_start_0:
0x88: {  	s0 =	sld [smem:$0x3FD9]  }
0x89: {  	s1 =	sld [smem:$0x3FFE];
	_ =	sdelay $0x3  }
0x8a: {  	s0 =	sadd.s32 s1, s0  }
0x8b: {  	[smem:$0x3FBE] =	sst s0  }
0x8c: {  	_ = 	snop  }
0x8d: {  	(tm) =	ssettm $0x1  }
0x8e: {  	s15 =	sld [smem:$0x3FFB];
	_ =	sdelay $0x3  }
0x8f: {  	_ =	strace s15  }
0x90: {  	s0 =	sld [smem:$0x3FFC];
	_ =	sdelay $0x3  }
0x91: {  	_ =	strace s0  }
0x92: {  	s0 =	sld [smem:$0x3FFD];
	_ =	sdelay $0x3  }
0x93: {  	_ =	strace s0  }
0x94: {  	_ =	strace $0x8FFFFFFF  }
0x95: {  	s16 =	sld [smem:$0x3FDB];
	_ =	sdelay $0x1  }
0x96: {  	s17 =	simm.s32 $_scs_section_size  }
0x97: {  	s2 =	simm.s32 $_size__tile_overlayer_lowered;
	s3 =	simm.s32 $_tile_overlayer_lowered  }
0x98: {  	s20 =	simm.s32 $0x1BFF;
	s19 =	sshll.u32 s3, $0x1;
	s0 =	sadd.s32 s17, s16  }
0x99: {  	s4 =	simm.s32 $0x0;
	s18 =	sshll.u32 s2, $0x1;
	s2 =	sadd.s32 s19, s0  }
0x9a: {  	[timem:s4], [sflag:s20] =	dma.local [hbm:s2], s18  }
0x9b: {  	_ =	swait.ge [sflag:s20], s18  }
0x9c: {  	s1 =	ssub.s32 $0x0, s18;
	[sflag:s20] =	ssyncset.done $0x0  }
0x9d: {  	[sflag:s20] =	ssyncadd.s32 s1;
	_ =	sdelay $0x1  }
0x9e: {  	s21 =	simm.s32 $0x1B8B  }
0x9f: {  	_ =	swait.ge [sflag:s21], $0x1  }
0xa0: {  	[sflag:s21] =	ssyncset.done $0x0  }
0xa1: {  	s23 =	simm.s32 $0x1B8E;
	s22 =	sld [smem:$0x3FFE];
	[sflag:s21] =	ssyncadd.s32 $0xFFFFFFFF  }
0xa2: {  	s24 =	simm.s32 $execute0_lowered;
	[smem:$0x3FD2] =	sst s23  }
0xa3: {  	s2 =	sshll.u32 s24, $0x1;
	_ =	strace $0x80000052;
	[dreg:$0x1] =	wrdreg $0xFFFFFFFF  }
0xa4: {  	s25 =	simm.s32 $_size_execute0_lowered;
	s0 =	sadd.s32 s0, s2;
	[dreg:$0x0] =	wrdreg $0x0  }
0xa5: {  	s2 =	sshll.u32 s25, $0x1;
	[dreg:$0x2] =	wrdreg s0  }
0xa6: {  	[dreg:$0x3] =	wrdreg s2  }
0xa7: {  	[dreg:$0x4] =	wrdreg $0xC0  }
0xa8: {  	_ =	task [dreg:s4], $0x5FFFF  }
0xa9: {  	[dreg:$0x1] =	wrdreg $0xFFFFFFFF  }
0xaa: {  	[dreg:$0x0] =	wrdreg $0x60  }
0xab: {  	[dreg:$0x2] =	wrdreg s22  }
0xac: {  	[dreg:$0x3] =	wrdreg $0xA  }
0xad: {  	_ =	task.clear_ibuf [dreg:s4], $0x4FFFF;
	_ =	strace $0x90000052  }
0xae: {  	s26 =	simm.s32 $0xA;
	_ =	strace $0x80000054  }
0xaf: {  	_ =	swait.ge [sflag:s26], $0x1  }
0xb0: {  	[sflag:s26] =	ssyncadd.s32 $0xFFFFFFFF  }
0xb1: {  	_ =	strace $0x90000054  }
0xb2: {  	_ =	sfence  }
0xb3: {  	s28 =	sld [smem:$0x0];
	_ =	sdelay $0x1  }
0xb4: {  	s29 =	srdreg.scid  }
0xb5: {  	s30 =	sshll.u32 s29, $0xD;
	s31 =	sshrl.u32 s29, $0x2  }
0xb6: {  	s1 =	sand.u32 $0x1, s29;
	s2 =	sand.u32 $0x4000, s30;
	s0 =	sadd.s32 s31, s28  }
0xb7: {  	s1 =	sor.u32 s2, s1;
	s0 =	sshll.u32 s0, $0x11  }
0xb8: {  	s0 =	sor.u32 s0, s1  }
0xb9: {  	s0 =	sadd.s32 $0x8F2B, s0  }
0xba: {  	[sflag:s0] =	ssyncadd.remote.s32 $0x1  }
0xbb: {  	_ =	sfence.sel $0xFFFF  }
0xbc: {  	[dreg:$0x0] =	wrdreg $0xFFFFFFFF;
	(pc) =	sbr.abs _section_cstart, $3  }
0xbd: {  	[dreg:$0x1] =	wrdreg $0xFFFFFFFF  }
0xbe: {  	_ =	task.clear_ibuf [dreg:s4], $0x2FFFF;
	_ =	strace $0x9FFFFFFF  }
0xbf: {  	(tm) =	ssettm $0x7FFFFFFF  }
tec
execute0_lowered:
.L_overlay_start_1:
0x0: {  	(tag) =	ssettag $0x1  }
0x1: {  	s2 =	rddreg [dreg:$0x0];
	_ =	strace $0x80000053;
	s1 =	simm.s32 $0x1  }
0x2: {  	v0 =	vimm.s32 $0x0;
	[sflag:s1] =	ssyncpa.u1 $0x0  }
0x3: {  	[tilespmem:$0x68] =	vst v0  }
0x4: {  	[tilespmem:$0x78] =	vst v0  }
0x5: {  	[tilespmem:$0x88] =	vst v0  }
0x6: {  	[tilespmem:$0x98] =	vst v0  }
0x7: {  	[tilespmem:$0xA8] =	vst v0  }
0x8: {  	[tilespmem:$0xB8] =	vst v0  }
0x9: {  	[tilespmem:$0xC8] =	vst v0  }
0xa: {  	[tilespmem:$0xD8] =	vst v0  }
0xb: {  	[tilespmem:$0xE8] =	vst v0  }
0xc: {  	[tilespmem:$0xF8] =	vst v0  }
0xd: {  	[tilespmem:$0x108] =	vst v0  }
0xe: {  	[tilespmem:$0x118] =	vst v0  }
0xf: {  	[tilespmem:$0x128] =	vst v0  }
0x10: {  	[tilespmem:$0x138] =	vst v0  }
0x11: {  	[tilespmem:$0x148] =	vst v0  }
0x12: {  	[tilespmem:$0x158] =	vst v0  }
0x13: {  	[tilespmem:$0x168] =	vst v0  }
0x14: {  	[tilespmem:$0x178] =	vst v0  }
0x15: {  	[tilespmem:$0x188] =	vst v0  }
0x16: {  	[tilespmem:$0x198] =	vst v0  }
0x17: {  	[tilespmem:$0x1A8] =	vst v0  }
0x18: {  	[tilespmem:$0x1B8] =	vst v0  }
0x19: {  	[tilespmem:$0x1C8] =	vst v0  }
0x1a: {  	[tilespmem:$0x1D8] =	vst v0  }
0x1b: {  	[tilespmem:$0x1E8] =	vst v0  }
0x1c: {  	[tilespmem:$0x1F8] =	vst v0  }
0x1d: {  	[tilespmem:$0x208] =	vst v0  }
0x1e: {  	[tilespmem:$0x218] =	vst v0  }
0x1f: {  	[tilespmem:$0x228] =	vst v0  }
0x20: {  	[tilespmem:$0x238] =	vst v0  }
0x21: {  	[tilespmem:$0x248] =	vst v0  }
0x22: {  	[tilespmem:$0x258] =	vst v0  }
0x23: {  	[tilespmem:$0x268] =	vst v0  }
0x24: {  	[tilespmem:$0x278] =	vst v0  }
0x25: {  	[tilespmem:$0x288] =	vst v0  }
0x26: {  	[tilespmem:$0x298] =	vst v0  }
0x27: {  	[tilespmem:$0x2A8] =	vst v0  }
0x28: {  	[tilespmem:$0x2B8] =	vst v0  }
0x29: {  	[tilespmem:$0x2C8] =	vst v0  }
0x2a: {  	[tilespmem:$0x2D8] =	vst v0  }
0x2b: {  	[tilespmem:$0x2E8] =	vst v0  }
0x2c: {  	[tilespmem:$0x2F8] =	vst v0  }
0x2d: {  	[tilespmem:$0x308] =	vst v0  }
0x2e: {  	[tilespmem:$0x318] =	vst v0  }
0x2f: {  	[tilespmem:$0x328] =	vst v0  }
0x30: {  	[tilespmem:$0x338] =	vst v0  }
0x31: {  	[tilespmem:$0x348] =	vst v0  }
0x32: {  	[tilespmem:$0x358] =	vst v0  }
0x33: {  	[tilespmem:$0x368] =	vst v0  }
0x34: {  	[tilespmem:$0x378] =	vst v0  }
0x35: {  	[tilespmem:$0x388] =	vst v0  }
0x36: {  	[tilespmem:$0x398] =	vst v0  }
0x37: {  	[tilespmem:$0x3A8] =	vst v0  }
0x38: {  	[tilespmem:$0x3B8] =	vst v0  }
0x39: {  	[tilespmem:$0x3C8] =	vst v0  }
0x3a: {  	[tilespmem:$0x3D8] =	vst v0  }
0x3b: {  	[tilespmem:$0x3E8] =	vst v0  }
0x3c: {  	[tilespmem:$0x3F8] =	vst v0  }
0x3d: {  	[tilespmem:$0x408] =	vst v0  }
0x3e: {  	[tilespmem:$0x418] =	vst v0  }
0x3f: {  	[tilespmem:$0x428] =	vst v0  }
0x40: {  	[tilespmem:$0x438] =	vst v0  }
0x41: {  	[tilespmem:$0x448] =	vst v0  }
0x42: {  	[tilespmem:$0x458] =	vst v0  }
0x43: {  	[tilespmem:$0x468] =	vst v0  }
0x44: {  	[tilespmem:$0x478] =	vst v0  }
0x45: {  	[tilespmem:$0x488] =	vst v0  }
0x46: {  	[tilespmem:$0x498] =	vst v0  }
0x47: {  	[tilespmem:$0x4A8] =	vst v0  }
0x48: {  	[tilespmem:$0x4B8] =	vst v0  }
0x49: {  	[tilespmem:$0x4C8] =	vst v0  }
0x4a: {  	[tilespmem:$0x4D8] =	vst v0  }
0x4b: {  	[tilespmem:$0x4E8] =	vst v0  }
0x4c: {  	[tilespmem:$0x4F8] =	vst v0  }
0x4d: {  	[tilespmem:$0x508] =	vst v0  }
0x4e: {  	[tilespmem:$0x518] =	vst v0  }
0x4f: {  	[tilespmem:$0x528] =	vst v0  }
0x50: {  	[tilespmem:$0x538] =	vst v0  }
0x51: {  	[tilespmem:$0x548] =	vst v0  }
0x52: {  	[tilespmem:$0x558] =	vst v0  }
0x53: {  	[tilespmem:$0x568] =	vst v0  }
0x54: {  	[tilespmem:$0x578] =	vst v0  }
0x55: {  	[tilespmem:$0x588] =	vst v0  }
0x56: {  	[tilespmem:$0x598] =	vst v0  }
0x57: {  	[tilespmem:$0x5A8] =	vst v0  }
0x58: {  	[tilespmem:$0x5B8] =	vst v0  }
0x59: {  	[tilespmem:$0x5C8] =	vst v0  }
0x5a: {  	[tilespmem:$0x5D8] =	vst v0  }
0x5b: {  	[tilespmem:$0x5E8] =	vst v0  }
0x5c: {  	[tilespmem:$0x5F8] =	vst v0  }
0x5d: {  	[tilespmem:$0x608] =	vst v0  }
0x5e: {  	[tilespmem:$0x618] =	vst v0  }
0x5f: {  	[tilespmem:$0x628] =	vst v0  }
0x60: {  	[tilespmem:$0x638] =	vst v0  }
0x61: {  	[tilespmem:$0x648] =	vst v0  }
0x62: {  	[tilespmem:$0x658] =	vst v0  }
0x63: {  	[tilespmem:$0x668] =	vst v0  }
0x64: {  	[tilespmem:$0x678] =	vst v0  }
0x65: {  	[tilespmem:$0x688] =	vst v0  }
0x66: {  	[tilespmem:$0x698] =	vst v0  }
0x67: {  	[tilespmem:$0x6A8] =	vst v0  }
0x68: {  	[tilespmem:$0x6B8] =	vst v0  }
0x69: {  	[tilespmem:$0x6C8] =	vst v0  }
0x6a: {  	[tilespmem:$0x6D8] =	vst v0  }
0x6b: {  	[tilespmem:$0x6E8] =	vst v0  }
0x6c: {  	[tilespmem:$0x6F8] =	vst v0  }
0x6d: {  	[tilespmem:$0x708] =	vst v0  }
0x6e: {  	[tilespmem:$0x718] =	vst v0  }
0x6f: {  	[tilespmem:$0x728] =	vst v0  }
0x70: {  	[tilespmem:$0x738] =	vst v0  }
0x71: {  	[tilespmem:$0x748] =	vst v0  }
0x72: {  	[tilespmem:$0x758] =	vst v0  }
0x73: {  	[tilespmem:$0x768] =	vst v0  }
0x74: {  	[tilespmem:$0x778] =	vst v0  }
0x75: {  	[tilespmem:$0x788] =	vst v0  }
0x76: {  	[tilespmem:$0x798] =	vst v0  }
0x77: {  	[tilespmem:$0x7A8] =	vst v0  }
0x78: {  	[tilespmem:$0x7B8] =	vst v0  }
0x79: {  	[tilespmem:$0x7C8] =	vst v0  }
0x7a: {  	[tilespmem:$0x7D8] =	vst v0  }
0x7b: {  	[tilespmem:$0x7E8] =	vst v0  }
0x7c: {  	[tilespmem:$0x7F8] =	vst v0  }
0x7d: {  	[tilespmem:$0x808] =	vst v0  }
0x7e: {  	[tilespmem:$0x818] =	vst v0  }
0x7f: {  	[tilespmem:$0x828] =	vst v0  }
0x80: {  	[tilespmem:$0x838] =	vst v0  }
0x81: {  	[tilespmem:$0x848] =	vst v0  }
0x82: {  	[tilespmem:$0x858] =	vst v0  }
0x83: {  	[tilespmem:$0x868] =	vst v0  }
0x84: {  	[tilespmem:$0x878] =	vst v0  }
0x85: {  	[tilespmem:$0x888] =	vst v0  }
0x86: {  	[tilespmem:$0x898] =	vst v0  }
0x87: {  	[tilespmem:$0x8A8] =	vst v0  }
0x88: {  	[tilespmem:$0x8B8] =	vst v0  }
0x89: {  	[tilespmem:$0x8C8] =	vst v0  }
0x8a: {  	[tilespmem:$0x8D8] =	vst v0  }
0x8b: {  	[tilespmem:$0x8E8] =	vst v0  }
0x8c: {  	[tilespmem:$0x8F8] =	vst v0  }
0x8d: {  	[tilespmem:$0x908] =	vst v0  }
0x8e: {  	[tilespmem:$0x918] =	vst v0  }
0x8f: {  	[tilespmem:$0x928] =	vst v0  }
0x90: {  	[tilespmem:$0x938] =	vst v0  }
0x91: {  	[tilespmem:$0x948] =	vst v0  }
0x92: {  	[tilespmem:$0x958] =	vst v0  }
0x93: {  	[tilespmem:$0x968] =	vst v0  }
0x94: {  	[tilespmem:$0x978] =	vst v0  }
0x95: {  	[tilespmem:$0x988] =	vst v0  }
0x96: {  	[tilespmem:$0x998] =	vst v0  }
0x97: {  	[tilespmem:$0x9A8] =	vst v0  }
0x98: {  	[tilespmem:$0x9B8] =	vst v0  }
0x99: {  	[tilespmem:$0x9C8] =	vst v0  }
0x9a: {  	[tilespmem:$0x9D8] =	vst v0  }
0x9b: {  	[tilespmem:$0x9E8] =	vst v0  }
0x9c: {  	[tilespmem:$0x9F8] =	vst v0  }
0x9d: {  	[tilespmem:$0xA08] =	vst v0  }
0x9e: {  	[tilespmem:$0xA18] =	vst v0  }
0x9f: {  	[tilespmem:$0xA28] =	vst v0  }
0xa0: {  	[tilespmem:$0xA38] =	vst v0  }
0xa1: {  	[tilespmem:$0xA48] =	vst v0  }
0xa2: {  	[tilespmem:$0xA58] =	vst v0  }
0xa3: {  	[tilespmem:$0xA68] =	vst v0  }
0xa4: {  	[tilespmem:$0xA78] =	vst v0  }
0xa5: {  	[tilespmem:$0xA88] =	vst v0  }
0xa6: {  	[tilespmem:$0xA98] =	vst v0  }
0xa7: {  	[tilespmem:$0xAA8] =	vst v0  }
0xa8: {  	[tilespmem:$0xAB8] =	vst v0  }
0xa9: {  	[tilespmem:$0xAC8] =	vst v0  }
0xaa: {  	[tilespmem:$0xAD8] =	vst v0  }
0xab: {  	[tilespmem:$0xAE8] =	vst v0  }
0xac: {  	[tilespmem:$0xAF8] =	vst v0  }
0xad: {  	[tilespmem:$0xB08] =	vst v0  }
0xae: {  	[tilespmem:$0xB18] =	vst v0  }
0xaf: {  	[tilespmem:$0xB28] =	vst v0  }
0xb0: {  	[tilespmem:$0xB38] =	vst v0  }
0xb1: {  	[tilespmem:$0xB48] =	vst v0  }
0xb2: {  	[tilespmem:$0xB58] =	vst v0  }
0xb3: {  	[tilespmem:$0xB68] =	vst v0  }
0xb4: {  	[tilespmem:$0xB78] =	vst v0  }
0xb5: {  	[tilespmem:$0xB88] =	vst v0  }
0xb6: {  	[tilespmem:$0xB98] =	vst v0  }
0xb7: {  	[tilespmem:$0xBA8] =	vst v0  }
0xb8: {  	[tilespmem:$0xBB8] =	vst v0  }
0xb9: {  	[tilespmem:$0xBC8] =	vst v0  }
0xba: {  	[tilespmem:$0xBD8] =	vst v0  }
0xbb: {  	[tilespmem:$0xBE8] =	vst v0  }
0xbc: {  	[tilespmem:$0xBF8] =	vst v0  }
0xbd: {  	[tilespmem:$0xC08] =	vst v0  }
0xbe: {  	[tilespmem:$0xC18] =	vst v0  }
0xbf: {  	[tilespmem:$0xC28] =	vst v0  }
0xc0: {  	[tilespmem:$0xC38] =	vst v0  }
0xc1: {  	[tilespmem:$0xC48] =	vst v0  }
0xc2: {  	[tilespmem:$0xC58] =	vst v0  }
0xc3: {  	[tilespmem:$0xC68] =	vst v0  }
0xc4: {  	[tilespmem:$0xC78] =	vst v0  }
0xc5: {  	[tilespmem:$0xC88] =	vst v0  }
0xc6: {  	[tilespmem:$0xC98] =	vst v0  }
0xc7: {  	[tilespmem:$0xCA8] =	vst v0  }
0xc8: {  	[tilespmem:$0xCB8] =	vst v0  }
0xc9: {  	[tilespmem:$0xCC8] =	vst v0  }
0xca: {  	[tilespmem:$0xCD8] =	vst v0  }
0xcb: {  	[tilespmem:$0xCE8] =	vst v0  }
0xcc: {  	[tilespmem:$0xCF8] =	vst v0  }
0xcd: {  	[tilespmem:$0xD08] =	vst v0  }
0xce: {  	[tilespmem:$0xD18] =	vst v0  }
0xcf: {  	[tilespmem:$0xD28] =	vst v0  }
0xd0: {  	[tilespmem:$0xD38] =	vst v0  }
0xd1: {  	[tilespmem:$0xD48] =	vst v0  }
0xd2: {  	[tilespmem:$0xD58] =	vst v0  }
0xd3: {  	[tilespmem:$0xD68] =	vst v0  }
0xd4: {  	[tilespmem:$0xD78] =	vst v0  }
0xd5: {  	[tilespmem:$0xD88] =	vst v0  }
0xd6: {  	[tilespmem:$0xD98] =	vst v0  }
0xd7: {  	[tilespmem:$0xDA8] =	vst v0  }
0xd8: {  	[tilespmem:$0xDB8] =	vst v0  }
0xd9: {  	[tilespmem:$0xDC8] =	vst v0  }
0xda: {  	[tilespmem:$0xDD8] =	vst v0  }
0xdb: {  	[tilespmem:$0xDE8] =	vst v0  }
0xdc: {  	[tilespmem:$0xDF8] =	vst v0  }
0xdd: {  	[tilespmem:$0xE08] =	vst v0  }
0xde: {  	[tilespmem:$0xE18] =	vst v0  }
0xdf: {  	[tilespmem:$0xE28] =	vst v0  }
0xe0: {  	[tilespmem:$0xE38] =	vst v0  }
0xe1: {  	[tilespmem:$0xE48] =	vst v0  }
0xe2: {  	[tilespmem:$0xE58] =	vst v0  }
0xe3: {  	[tilespmem:$0xE68] =	vst v0  }
0xe4: {  	[tilespmem:$0xE78] =	vst v0  }
0xe5: {  	[tilespmem:$0xE88] =	vst v0  }
0xe6: {  	[tilespmem:$0xE98] =	vst v0  }
0xe7: {  	[tilespmem:$0xEA8] =	vst v0  }
0xe8: {  	[tilespmem:$0xEB8] =	vst v0  }
0xe9: {  	[tilespmem:$0xEC8] =	vst v0  }
0xea: {  	[tilespmem:$0xED8] =	vst v0  }
0xeb: {  	[tilespmem:$0xEE8] =	vst v0  }
0xec: {  	[tilespmem:$0xEF8] =	vst v0  }
0xed: {  	[tilespmem:$0xF08] =	vst v0  }
0xee: {  	[tilespmem:$0xF18] =	vst v0  }
0xef: {  	[tilespmem:$0xF28] =	vst v0  }
0xf0: {  	[tilespmem:$0xF38] =	vst v0  }
0xf1: {  	[tilespmem:$0xF48] =	vst v0  }
0xf2: {  	[tilespmem:$0xF58] =	vst v0  }
0xf3: {  	[tilespmem:$0xF68] =	vst v0  }
0xf4: {  	[tilespmem:$0xF78] =	vst v0  }
0xf5: {  	[tilespmem:$0xF88] =	vst v0  }
0xf6: {  	[tilespmem:$0xF98] =	vst v0  }
0xf7: {  	[tilespmem:$0xFA8] =	vst v0  }
0xf8: {  	[tilespmem:$0xFB8] =	vst v0  }
0xf9: {  	[tilespmem:$0xFC8] =	vst v0  }
0xfa: {  	[tilespmem:$0xFD8] =	vst v0  }
0xfb: {  	[tilespmem:$0xFE8] =	vst v0  }
0xfc: {  	[tilespmem:$0xFF8] =	vst v0  }
0xfd: {  	[tilespmem:$0x1008] =	vst v0  }
0xfe: {  	[tilespmem:$0x1018] =	vst v0  }
0xff: {  	[tilespmem:$0x1028] =	vst v0  }
0x100: {  	[tilespmem:$0x1038] =	vst v0  }
0x101: {  	[tilespmem:$0x1048] =	vst v0  }
0x102: {  	[tilespmem:$0x1058] =	vst v0  }
0x103: {  	[tilespmem:$0x1068] =	vst v0  }
0x104: {  	[tilespmem:$0x1078] =	vst v0  }
0x105: {  	[tilespmem:$0x1088] =	vst v0  }
0x106: {  	[tilespmem:$0x1098] =	vst v0  }
0x107: {  	[tilespmem:$0x10A8] =	vst v0  }
0x108: {  	[tilespmem:$0x10B8] =	vst v0  }
0x109: {  	[tilespmem:$0x10C8] =	vst v0  }
0x10a: {  	[tilespmem:$0x10D8] =	vst v0  }
0x10b: {  	[tilespmem:$0x10E8] =	vst v0  }
0x10c: {  	[tilespmem:$0x10F8] =	vst v0  }
0x10d: {  	[tilespmem:$0x1108] =	vst v0  }
0x10e: {  	[tilespmem:$0x1118] =	vst v0  }
0x10f: {  	[tilespmem:$0x1128] =	vst v0  }
0x110: {  	[tilespmem:$0x1138] =	vst v0  }
0x111: {  	[tilespmem:$0x1148] =	vst v0  }
0x112: {  	[tilespmem:$0x1158] =	vst v0  }
0x113: {  	[tilespmem:$0x1168] =	vst v0  }
0x114: {  	[tilespmem:$0x1178] =	vst v0  }
0x115: {  	[tilespmem:$0x1188] =	vst v0  }
0x116: {  	[tilespmem:$0x1198] =	vst v0  }
0x117: {  	[tilespmem:$0x11A8] =	vst v0  }
0x118: {  	[tilespmem:$0x11B8] =	vst v0  }
0x119: {  	[tilespmem:$0x11C8] =	vst v0  }
0x11a: {  	[tilespmem:$0x11D8] =	vst v0  }
0x11b: {  	[tilespmem:$0x11E8] =	vst v0  }
0x11c: {  	[tilespmem:$0x11F8] =	vst v0  }
0x11d: {  	[tilespmem:$0x1208] =	vst v0  }
0x11e: {  	[tilespmem:$0x1218] =	vst v0  }
0x11f: {  	[tilespmem:$0x1228] =	vst v0  }
0x120: {  	[tilespmem:$0x1238] =	vst v0  }
0x121: {  	[tilespmem:$0x1248] =	vst v0  }
0x122: {  	[tilespmem:$0x1258] =	vst v0  }
0x123: {  	[tilespmem:$0x1268] =	vst v0  }
0x124: {  	[tilespmem:$0x1278] =	vst v0  }
0x125: {  	[tilespmem:$0x1288] =	vst v0  }
0x126: {  	[tilespmem:$0x1298] =	vst v0  }
0x127: {  	[tilespmem:$0x12A8] =	vst v0  }
0x128: {  	[tilespmem:$0x12B8] =	vst v0  }
0x129: {  	[tilespmem:$0x12C8] =	vst v0  }
0x12a: {  	[tilespmem:$0x12D8] =	vst v0  }
0x12b: {  	[tilespmem:$0x12E8] =	vst v0  }
0x12c: {  	[tilespmem:$0x12F8] =	vst v0  }
0x12d: {  	[tilespmem:$0x1308] =	vst v0  }
0x12e: {  	[tilespmem:$0x1318] =	vst v0  }
0x12f: {  	[tilespmem:$0x1328] =	vst v0  }
0x130: {  	[tilespmem:$0x1338] =	vst v0  }
0x131: {  	[tilespmem:$0x1348] =	vst v0  }
0x132: {  	[tilespmem:$0x1358] =	vst v0  }
0x133: {  	[tilespmem:$0x1368] =	vst v0  }
0x134: {  	[tilespmem:$0x1378] =	vst v0  }
0x135: {  	[tilespmem:$0x1388] =	vst v0  }
0x136: {  	[tilespmem:$0x1398] =	vst v0  }
0x137: {  	[tilespmem:$0x13A8] =	vst v0  }
0x138: {  	[tilespmem:$0x13B8] =	vst v0  }
0x139: {  	[tilespmem:$0x13C8] =	vst v0  }
0x13a: {  	[tilespmem:$0x13D8] =	vst v0  }
0x13b: {  	[tilespmem:$0x13E8] =	vst v0  }
0x13c: {  	[tilespmem:$0x13F8] =	vst v0  }
0x13d: {  	[tilespmem:$0x1408] =	vst v0  }
0x13e: {  	[tilespmem:$0x1418] =	vst v0  }
0x13f: {  	[tilespmem:$0x1428] =	vst v0  }
0x140: {  	[tilespmem:$0x1438] =	vst v0  }
0x141: {  	[tilespmem:$0x1448] =	vst v0  }
0x142: {  	[tilespmem:$0x1458] =	vst v0  }
0x143: {  	[tilespmem:$0x1468] =	vst v0  }
0x144: {  	[tilespmem:$0x1478] =	vst v0  }
0x145: {  	[tilespmem:$0x1488] =	vst v0  }
0x146: {  	[tilespmem:$0x1498] =	vst v0  }
0x147: {  	[tilespmem:$0x14A8] =	vst v0  }
0x148: {  	[tilespmem:$0x14B8] =	vst v0  }
0x149: {  	[tilespmem:$0x14C8] =	vst v0  }
0x14a: {  	[tilespmem:$0x14D8] =	vst v0  }
0x14b: {  	[tilespmem:$0x14E8] =	vst v0  }
0x14c: {  	[tilespmem:$0x14F8] =	vst v0  }
0x14d: {  	[tilespmem:$0x1508] =	vst v0  }
0x14e: {  	[tilespmem:$0x1518] =	vst v0  }
0x14f: {  	[tilespmem:$0x1528] =	vst v0  }
0x150: {  	[tilespmem:$0x1538] =	vst v0  }
0x151: {  	[tilespmem:$0x1548] =	vst v0  }
0x152: {  	[tilespmem:$0x1558] =	vst v0  }
0x153: {  	[tilespmem:$0x1568] =	vst v0  }
0x154: {  	[tilespmem:$0x1578] =	vst v0  }
0x155: {  	[tilespmem:$0x1588] =	vst v0  }
0x156: {  	[tilespmem:$0x1598] =	vst v0  }
0x157: {  	[tilespmem:$0x15A8] =	vst v0  }
0x158: {  	[tilespmem:$0x15B8] =	vst v0  }
0x159: {  	[tilespmem:$0x15C8] =	vst v0  }
0x15a: {  	[tilespmem:$0x15D8] =	vst v0  }
0x15b: {  	[tilespmem:$0x15E8] =	vst v0  }
0x15c: {  	[tilespmem:$0x15F8] =	vst v0  }
0x15d: {  	[tilespmem:$0x1608] =	vst v0  }
0x15e: {  	[tilespmem:$0x1618] =	vst v0  }
0x15f: {  	[tilespmem:$0x1628] =	vst v0  }
0x160: {  	[tilespmem:$0x1638] =	vst v0  }
0x161: {  	[tilespmem:$0x1648] =	vst v0  }
0x162: {  	[tilespmem:$0x1658] =	vst v0  }
0x163: {  	[tilespmem:$0x1668] =	vst v0  }
0x164: {  	[tilespmem:$0x1678] =	vst v0  }
0x165: {  	[tilespmem:$0x1688] =	vst v0  }
0x166: {  	[tilespmem:$0x1698] =	vst v0  }
0x167: {  	[tilespmem:$0x16A8] =	vst v0  }
0x168: {  	[tilespmem:$0x16B8] =	vst v0  }
0x169: {  	[tilespmem:$0x16C8] =	vst v0  }
0x16a: {  	[tilespmem:$0x16D8] =	vst v0  }
0x16b: {  	[tilespmem:$0x16E8] =	vst v0  }
0x16c: {  	[tilespmem:$0x16F8] =	vst v0  }
0x16d: {  	[tilespmem:$0x1708] =	vst v0  }
0x16e: {  	[tilespmem:$0x1718] =	vst v0  }
0x16f: {  	[tilespmem:$0x1728] =	vst v0  }
0x170: {  	[tilespmem:$0x1738] =	vst v0  }
0x171: {  	[tilespmem:$0x1748] =	vst v0  }
0x172: {  	[tilespmem:$0x1758] =	vst v0  }
0x173: {  	[tilespmem:$0x1768] =	vst v0  }
0x174: {  	[tilespmem:$0x1778] =	vst v0  }
0x175: {  	[tilespmem:$0x1788] =	vst v0  }
0x176: {  	[tilespmem:$0x1798] =	vst v0  }
0x177: {  	[tilespmem:$0x17A8] =	vst v0  }
0x178: {  	[tilespmem:$0x17B8] =	vst v0  }
0x179: {  	[tilespmem:$0x17C8] =	vst v0  }
0x17a: {  	[tilespmem:$0x17D8] =	vst v0  }
0x17b: {  	[tilespmem:$0x17E8] =	vst v0  }
0x17c: {  	[tilespmem:$0x17F8] =	vst v0  }
0x17d: {  	[tilespmem:$0x1808] =	vst v0  }
0x17e: {  	[tilespmem:$0x1818] =	vst v0  }
0x17f: {  	[tilespmem:$0x1828] =	vst v0  }
0x180: {  	[tilespmem:$0x1838] =	vst v0  }
0x181: {  	[tilespmem:$0x1848] =	vst v0  }
0x182: {  	[tilespmem:$0x1858] =	vst v0  }
0x183: {  	[tilespmem:$0x1868] =	vst v0  }
0x184: {  	[tilespmem:$0x1878] =	vst v0  }
0x185: {  	[tilespmem:$0x1888] =	vst v0  }
0x186: {  	[tilespmem:$0x1898] =	vst v0  }
0x187: {  	[tilespmem:$0x18A8] =	vst v0  }
0x188: {  	[tilespmem:$0x18B8] =	vst v0  }
0x189: {  	[tilespmem:$0x18C8] =	vst v0  }
0x18a: {  	[tilespmem:$0x18D8] =	vst v0  }
0x18b: {  	[tilespmem:$0x18E8] =	vst v0  }
0x18c: {  	[tilespmem:$0x18F8] =	vst v0  }
0x18d: {  	[tilespmem:$0x1908] =	vst v0  }
0x18e: {  	[tilespmem:$0x1918] =	vst v0  }
0x18f: {  	[tilespmem:$0x1928] =	vst v0  }
0x190: {  	[tilespmem:$0x1938] =	vst v0  }
0x191: {  	[tilespmem:$0x1948] =	vst v0  }
0x192: {  	[tilespmem:$0x1958] =	vst v0  }
0x193: {  	[tilespmem:$0x1968] =	vst v0  }
0x194: {  	[tilespmem:$0x1978] =	vst v0  }
0x195: {  	[tilespmem:$0x1988] =	vst v0  }
0x196: {  	[tilespmem:$0x1998] =	vst v0  }
0x197: {  	[tilespmem:$0x19A8] =	vst v0  }
0x198: {  	[tilespmem:$0x19B8] =	vst v0  }
0x199: {  	[tilespmem:$0x19C8] =	vst v0  }
0x19a: {  	[tilespmem:$0x19D8] =	vst v0  }
0x19b: {  	[tilespmem:$0x19E8] =	vst v0  }
0x19c: {  	[tilespmem:$0x19F8] =	vst v0  }
0x19d: {  	[tilespmem:$0x1A08] =	vst v0  }
0x19e: {  	[tilespmem:$0x1A18] =	vst v0  }
0x19f: {  	[tilespmem:$0x1A28] =	vst v0  }
0x1a0: {  	[tilespmem:$0x1A38] =	vst v0  }
0x1a1: {  	[tilespmem:$0x1A48] =	vst v0  }
0x1a2: {  	[tilespmem:$0x1A58] =	vst v0  }
0x1a3: {  	[tilespmem:$0x1A68] =	vst v0  }
0x1a4: {  	[tilespmem:$0x1A78] =	vst v0  }
0x1a5: {  	[tilespmem:$0x1A88] =	vst v0  }
0x1a6: {  	[tilespmem:$0x1A98] =	vst v0  }
0x1a7: {  	[tilespmem:$0x1AA8] =	vst v0  }
0x1a8: {  	[tilespmem:$0x1AB8] =	vst v0  }
0x1a9: {  	[tilespmem:$0x1AC8] =	vst v0  }
0x1aa: {  	[tilespmem:$0x1AD8] =	vst v0  }
0x1ab: {  	[tilespmem:$0x1AE8] =	vst v0  }
0x1ac: {  	[tilespmem:$0x1AF8] =	vst v0  }
0x1ad: {  	[tilespmem:$0x1B08] =	vst v0  }
0x1ae: {  	[tilespmem:$0x1B18] =	vst v0  }
0x1af: {  	[tilespmem:$0x1B28] =	vst v0  }
0x1b0: {  	[tilespmem:$0x1B38] =	vst v0  }
0x1b1: {  	[tilespmem:$0x1B48] =	vst v0  }
0x1b2: {  	[tilespmem:$0x1B58] =	vst v0  }
0x1b3: {  	[tilespmem:$0x1B68] =	vst v0  }
0x1b4: {  	[tilespmem:$0x1B78] =	vst v0  }
0x1b5: {  	[tilespmem:$0x1B88] =	vst v0  }
0x1b6: {  	[tilespmem:$0x1B98] =	vst v0  }
0x1b7: {  	[tilespmem:$0x1BA8] =	vst v0  }
0x1b8: {  	[tilespmem:$0x1BB8] =	vst v0  }
0x1b9: {  	[tilespmem:$0x1BC8] =	vst v0  }
0x1ba: {  	[tilespmem:$0x1BD8] =	vst v0  }
0x1bb: {  	[tilespmem:$0x1BE8] =	vst v0  }
0x1bc: {  	[tilespmem:$0x1BF8] =	vst v0  }
0x1bd: {  	[tilespmem:$0x1C08] =	vst v0  }
0x1be: {  	[tilespmem:$0x1C18] =	vst v0  }
0x1bf: {  	[tilespmem:$0x1C28] =	vst v0  }
0x1c0: {  	[tilespmem:$0x1C38] =	vst v0  }
0x1c1: {  	[tilespmem:$0x1C48] =	vst v0  }
0x1c2: {  	[tilespmem:$0x1C58] =	vst v0  }
0x1c3: {  	[tilespmem:$0x1C68] =	vst v0  }
0x1c4: {  	[tilespmem:$0x1C78] =	vst v0  }
0x1c5: {  	[tilespmem:$0x1C88] =	vst v0  }
0x1c6: {  	[tilespmem:$0x1C98] =	vst v0  }
0x1c7: {  	[tilespmem:$0x1CA8] =	vst v0  }
0x1c8: {  	[tilespmem:$0x1CB8] =	vst v0  }
0x1c9: {  	[tilespmem:$0x1CC8] =	vst v0  }
0x1ca: {  	[tilespmem:$0x1CD8] =	vst v0  }
0x1cb: {  	[tilespmem:$0x1CE8] =	vst v0  }
0x1cc: {  	[tilespmem:$0x1CF8] =	vst v0  }
0x1cd: {  	[tilespmem:$0x1D08] =	vst v0  }
0x1ce: {  	[tilespmem:$0x1D18] =	vst v0  }
0x1cf: {  	[tilespmem:$0x1D28] =	vst v0  }
0x1d0: {  	[tilespmem:$0x1D38] =	vst v0  }
0x1d1: {  	[tilespmem:$0x1D48] =	vst v0  }
0x1d2: {  	[tilespmem:$0x1D58] =	vst v0  }
0x1d3: {  	[tilespmem:$0x1D68] =	vst v0  }
0x1d4: {  	[tilespmem:$0x1D78] =	vst v0  }
0x1d5: {  	[tilespmem:$0x1D88] =	vst v0  }
0x1d6: {  	[tilespmem:$0x1D98] =	vst v0  }
0x1d7: {  	[tilespmem:$0x1DA8] =	vst v0  }
0x1d8: {  	[tilespmem:$0x1DB8] =	vst v0  }
0x1d9: {  	[tilespmem:$0x1DC8] =	vst v0  }
0x1da: {  	[tilespmem:$0x1DD8] =	vst v0  }
0x1db: {  	[tilespmem:$0x1DE8] =	vst v0  }
0x1dc: {  	[tilespmem:$0x1DF8] =	vst v0  }
0x1dd: {  	[tilespmem:$0x1E08] =	vst v0  }
0x1de: {  	[tilespmem:$0x1E18] =	vst v0  }
0x1df: {  	[tilespmem:$0x1E28] =	vst v0  }
0x1e0: {  	[tilespmem:$0x1E38] =	vst v0  }
0x1e1: {  	[tilespmem:$0x1E48] =	vst v0  }
0x1e2: {  	[tilespmem:$0x1E58] =	vst v0  }
0x1e3: {  	[tilespmem:$0x1E68] =	vst v0  }
0x1e4: {  	[tilespmem:$0x1E78] =	vst v0  }
0x1e5: {  	[tilespmem:$0x1E88] =	vst v0  }
0x1e6: {  	[tilespmem:$0x1E98] =	vst v0  }
0x1e7: {  	[tilespmem:$0x1EA8] =	vst v0  }
0x1e8: {  	[tilespmem:$0x1EB8] =	vst v0  }
0x1e9: {  	[tilespmem:$0x1EC8] =	vst v0  }
0x1ea: {  	[tilespmem:$0x1ED8] =	vst v0  }
0x1eb: {  	[tilespmem:$0x1EE8] =	vst v0  }
0x1ec: {  	[tilespmem:$0x1EF8] =	vst v0  }
0x1ed: {  	[tilespmem:$0x1F08] =	vst v0  }
0x1ee: {  	[tilespmem:$0x1F18] =	vst v0  }
0x1ef: {  	[tilespmem:$0x1F28] =	vst v0  }
0x1f0: {  	[tilespmem:$0x1F38] =	vst v0  }
0x1f1: {  	[tilespmem:$0x1F48] =	vst v0  }
0x1f2: {  	[tilespmem:$0x1F58] =	vst v0  }
0x1f3: {  	[tilespmem:$0x1F68] =	vst v0  }
0x1f4: {  	[tilespmem:$0x1F78] =	vst v0  }
0x1f5: {  	[tilespmem:$0x1F88] =	vst v0  }
0x1f6: {  	[tilespmem:$0x1F98] =	vst v0  }
0x1f7: {  	[tilespmem:$0x1FA8] =	vst v0  }
0x1f8: {  	[tilespmem:$0x1FB8] =	vst v0  }
0x1f9: {  	[tilespmem:$0x1FC8] =	vst v0  }
0x1fa: {  	[tilespmem:$0x1FD8] =	vst v0  }
0x1fb: {  	[tilespmem:$0x1FE8] =	vst v0  }
0x1fc: {  	[tilespmem:$0x1FF8] =	vst v0  }
0x1fd: {  	[tilespmem:$0x2008] =	vst v0  }
0x1fe: {  	[tilespmem:$0x2018] =	vst v0  }
0x1ff: {  	[tilespmem:$0x2028] =	vst v0  }
0x200: {  	[tilespmem:$0x2038] =	vst v0  }
0x201: {  	[tilespmem:$0x2048] =	vst v0  }
0x202: {  	[tilespmem:$0x2058] =	vst v0  }
0x203: {  	[tilespmem:$0x2068] =	vst v0  }
0x204: {  	[tilespmem:$0x2078] =	vst v0  }
0x205: {  	[tilespmem:$0x2088] =	vst v0  }
0x206: {  	[tilespmem:$0x2098] =	vst v0  }
0x207: {  	[tilespmem:$0x20A8] =	vst v0  }
0x208: {  	[tilespmem:$0x20B8] =	vst v0  }
0x209: {  	[tilespmem:$0x20C8] =	vst v0  }
0x20a: {  	[tilespmem:$0x20D8] =	vst v0  }
0x20b: {  	[tilespmem:$0x20E8] =	vst v0  }
0x20c: {  	[tilespmem:$0x20F8] =	vst v0  }
0x20d: {  	[tilespmem:$0x2108] =	vst v0  }
0x20e: {  	[tilespmem:$0x2118] =	vst v0  }
0x20f: {  	[tilespmem:$0x2128] =	vst v0  }
0x210: {  	[tilespmem:$0x2138] =	vst v0  }
0x211: {  	[tilespmem:$0x2148] =	vst v0  }
0x212: {  	[tilespmem:$0x2158] =	vst v0  }
0x213: {  	[tilespmem:$0x2168] =	vst v0  }
0x214: {  	[tilespmem:$0x2178] =	vst v0  }
0x215: {  	[tilespmem:$0x2188] =	vst v0  }
0x216: {  	[tilespmem:$0x2198] =	vst v0  }
0x217: {  	[tilespmem:$0x21A8] =	vst v0  }
0x218: {  	[tilespmem:$0x21B8] =	vst v0  }
0x219: {  	[tilespmem:$0x21C8] =	vst v0  }
0x21a: {  	[tilespmem:$0x21D8] =	vst v0  }
0x21b: {  	[tilespmem:$0x21E8] =	vst v0  }
0x21c: {  	[tilespmem:$0x21F8] =	vst v0  }
0x21d: {  	[tilespmem:$0x2208] =	vst v0  }
0x21e: {  	[tilespmem:$0x2218] =	vst v0  }
0x21f: {  	[tilespmem:$0x2228] =	vst v0  }
0x220: {  	[tilespmem:$0x2238] =	vst v0  }
0x221: {  	[tilespmem:$0x2248] =	vst v0  }
0x222: {  	[tilespmem:$0x2258] =	vst v0  }
0x223: {  	[tilespmem:$0x2268] =	vst v0  }
0x224: {  	[tilespmem:$0x2278] =	vst v0  }
0x225: {  	[tilespmem:$0x2288] =	vst v0  }
0x226: {  	[tilespmem:$0x2298] =	vst v0  }
0x227: {  	[tilespmem:$0x22A8] =	vst v0  }
0x228: {  	[tilespmem:$0x22B8] =	vst v0  }
0x229: {  	[tilespmem:$0x22C8] =	vst v0  }
0x22a: {  	[tilespmem:$0x22D8] =	vst v0  }
0x22b: {  	[tilespmem:$0x22E8] =	vst v0  }
0x22c: {  	[tilespmem:$0x22F8] =	vst v0  }
0x22d: {  	[tilespmem:$0x2308] =	vst v0  }
0x22e: {  	[tilespmem:$0x2318] =	vst v0  }
0x22f: {  	[tilespmem:$0x2328] =	vst v0  }
0x230: {  	[tilespmem:$0x2338] =	vst v0  }
0x231: {  	[tilespmem:$0x2348] =	vst v0  }
0x232: {  	[tilespmem:$0x2358] =	vst v0  }
0x233: {  	[tilespmem:$0x2368] =	vst v0  }
0x234: {  	[tilespmem:$0x2378] =	vst v0  }
0x235: {  	[tilespmem:$0x2388] =	vst v0  }
0x236: {  	[tilespmem:$0x2398] =	vst v0  }
0x237: {  	[tilespmem:$0x23A8] =	vst v0  }
0x238: {  	[tilespmem:$0x23B8] =	vst v0  }
0x239: {  	[tilespmem:$0x23C8] =	vst v0  }
0x23a: {  	[tilespmem:$0x23D8] =	vst v0  }
0x23b: {  	[tilespmem:$0x23E8] =	vst v0  }
0x23c: {  	[tilespmem:$0x23F8] =	vst v0  }
0x23d: {  	[tilespmem:$0x2408] =	vst v0  }
0x23e: {  	[tilespmem:$0x2418] =	vst v0  }
0x23f: {  	[tilespmem:$0x2428] =	vst v0  }
0x240: {  	[tilespmem:$0x2438] =	vst v0  }
0x241: {  	[tilespmem:$0x2448] =	vst v0  }
0x242: {  	[tilespmem:$0x2458] =	vst v0  }
0x243: {  	[tilespmem:$0x2468] =	vst v0  }
0x244: {  	[tilespmem:$0x2478] =	vst v0  }
0x245: {  	[tilespmem:$0x2488] =	vst v0  }
0x246: {  	[tilespmem:$0x2498] =	vst v0  }
0x247: {  	[tilespmem:$0x24A8] =	vst v0  }
0x248: {  	[tilespmem:$0x24B8] =	vst v0  }
0x249: {  	[tilespmem:$0x24C8] =	vst v0  }
0x24a: {  	[tilespmem:$0x24D8] =	vst v0  }
0x24b: {  	[tilespmem:$0x24E8] =	vst v0  }
0x24c: {  	[tilespmem:$0x24F8] =	vst v0  }
0x24d: {  	[tilespmem:$0x2508] =	vst v0  }
0x24e: {  	[tilespmem:$0x2518] =	vst v0  }
0x24f: {  	[tilespmem:$0x2528] =	vst v0  }
0x250: {  	[tilespmem:$0x2538] =	vst v0  }
0x251: {  	[tilespmem:$0x2548] =	vst v0  }
0x252: {  	[tilespmem:$0x2558] =	vst v0  }
0x253: {  	[tilespmem:$0x2568] =	vst v0  }
0x254: {  	[tilespmem:$0x2578] =	vst v0  }
0x255: {  	[tilespmem:$0x2588] =	vst v0  }
0x256: {  	[tilespmem:$0x2598] =	vst v0  }
0x257: {  	[tilespmem:$0x25A8] =	vst v0  }
0x258: {  	[tilespmem:$0x25B8] =	vst v0  }
0x259: {  	[tilespmem:$0x25C8] =	vst v0  }
0x25a: {  	[tilespmem:$0x25D8] =	vst v0  }
0x25b: {  	[tilespmem:$0x25E8] =	vst v0  }
0x25c: {  	[tilespmem:$0x25F8] =	vst v0  }
0x25d: {  	[tilespmem:$0x2608] =	vst v0  }
0x25e: {  	[tilespmem:$0x2618] =	vst v0  }
0x25f: {  	[tilespmem:$0x2628] =	vst v0  }
0x260: {  	[tilespmem:$0x2638] =	vst v0  }
0x261: {  	[tilespmem:$0x2648] =	vst v0  }
0x262: {  	[tilespmem:$0x2658] =	vst v0  }
0x263: {  	[tilespmem:$0x2668] =	vst v0  }
0x264: {  	[tilespmem:$0x2678] =	vst v0  }
0x265: {  	[tilespmem:$0x2688] =	vst v0  }
0x266: {  	[tilespmem:$0x2698] =	vst v0  }
0x267: {  	[tilespmem:$0x26A8] =	vst v0  }
0x268: {  	[tilespmem:$0x26B8] =	vst v0  }
0x269: {  	[tilespmem:$0x26C8] =	vst v0  }
0x26a: {  	[tilespmem:$0x26D8] =	vst v0  }
0x26b: {  	[tilespmem:$0x26E8] =	vst v0  }
0x26c: {  	[tilespmem:$0x26F8] =	vst v0  }
0x26d: {  	[tilespmem:$0x2708] =	vst v0  }
0x26e: {  	[tilespmem:$0x2718] =	vst v0  }
0x26f: {  	[tilespmem:$0x2728] =	vst v0  }
0x270: {  	[tilespmem:$0x2738] =	vst v0  }
0x271: {  	[tilespmem:$0x2748] =	vst v0  }
0x272: {  	[tilespmem:$0x2758] =	vst v0  }
0x273: {  	[tilespmem:$0x2768] =	vst v0  }
0x274: {  	[tilespmem:$0x2778] =	vst v0  }
0x275: {  	[tilespmem:$0x2788] =	vst v0  }
0x276: {  	[tilespmem:$0x2798] =	vst v0  }
0x277: {  	[tilespmem:$0x27A8] =	vst v0  }
0x278: {  	[tilespmem:$0x27B8] =	vst v0  }
0x279: {  	[tilespmem:$0x27C8] =	vst v0  }
0x27a: {  	[tilespmem:$0x27D8] =	vst v0  }
0x27b: {  	[tilespmem:$0x27E8] =	vst v0  }
0x27c: {  	[tilespmem:$0x27F8] =	vst v0  }
0x27d: {  	[tilespmem:$0x2808] =	vst v0  }
0x27e: {  	[tilespmem:$0x2818] =	vst v0  }
0x27f: {  	[tilespmem:$0x2828] =	vst v0  }
0x280: {  	[tilespmem:$0x2838] =	vst v0  }
0x281: {  	[tilespmem:$0x2848] =	vst v0  }
0x282: {  	[tilespmem:$0x2858] =	vst v0  }
0x283: {  	[tilespmem:$0x2868] =	vst v0  }
0x284: {  	[tilespmem:$0x2878] =	vst v0  }
0x285: {  	[tilespmem:$0x2888] =	vst v0  }
0x286: {  	[tilespmem:$0x2898] =	vst v0  }
0x287: {  	[tilespmem:$0x28A8] =	vst v0  }
0x288: {  	[tilespmem:$0x28B8] =	vst v0  }
0x289: {  	[tilespmem:$0x28C8] =	vst v0  }
0x28a: {  	[tilespmem:$0x28D8] =	vst v0  }
0x28b: {  	[tilespmem:$0x28E8] =	vst v0  }
0x28c: {  	[tilespmem:$0x28F8] =	vst v0  }
0x28d: {  	[tilespmem:$0x2908] =	vst v0  }
0x28e: {  	[tilespmem:$0x2918] =	vst v0  }
0x28f: {  	[tilespmem:$0x2928] =	vst v0  }
0x290: {  	[tilespmem:$0x2938] =	vst v0  }
0x291: {  	[tilespmem:$0x2948] =	vst v0  }
0x292: {  	[tilespmem:$0x2958] =	vst v0  }
0x293: {  	[tilespmem:$0x2968] =	vst v0  }
0x294: {  	[tilespmem:$0x2978] =	vst v0  }
0x295: {  	[tilespmem:$0x2988] =	vst v0  }
0x296: {  	[tilespmem:$0x2998] =	vst v0  }
0x297: {  	[tilespmem:$0x29A8] =	vst v0  }
0x298: {  	[tilespmem:$0x29B8] =	vst v0  }
0x299: {  	[tilespmem:$0x29C8] =	vst v0  }
0x29a: {  	[tilespmem:$0x29D8] =	vst v0  }
0x29b: {  	[tilespmem:$0x29E8] =	vst v0  }
0x29c: {  	[tilespmem:$0x29F8] =	vst v0  }
0x29d: {  	[tilespmem:$0x2A08] =	vst v0  }
0x29e: {  	[tilespmem:$0x2A18] =	vst v0  }
0x29f: {  	[tilespmem:$0x2A28] =	vst v0  }
0x2a0: {  	[tilespmem:$0x2A38] =	vst v0  }
0x2a1: {  	[tilespmem:$0x2A48] =	vst v0  }
0x2a2: {  	[tilespmem:$0x2A58] =	vst v0  }
0x2a3: {  	[tilespmem:$0x2A68] =	vst v0  }
0x2a4: {  	[tilespmem:$0x2A78] =	vst v0  }
0x2a5: {  	[tilespmem:$0x2A88] =	vst v0  }
0x2a6: {  	[tilespmem:$0x2A98] =	vst v0  }
0x2a7: {  	[tilespmem:$0x2AA8] =	vst v0  }
0x2a8: {  	[tilespmem:$0x2AB8] =	vst v0  }
0x2a9: {  	[tilespmem:$0x2AC8] =	vst v0  }
0x2aa: {  	[tilespmem:$0x2AD8] =	vst v0  }
0x2ab: {  	[tilespmem:$0x2AE8] =	vst v0  }
0x2ac: {  	[tilespmem:$0x2AF8] =	vst v0  }
0x2ad: {  	[tilespmem:$0x2B08] =	vst v0  }
0x2ae: {  	[tilespmem:$0x2B18] =	vst v0  }
0x2af: {  	[tilespmem:$0x2B28] =	vst v0  }
0x2b0: {  	[tilespmem:$0x2B38] =	vst v0  }
0x2b1: {  	[tilespmem:$0x2B48] =	vst v0  }
0x2b2: {  	[tilespmem:$0x2B58] =	vst v0  }
0x2b3: {  	[tilespmem:$0x2B68] =	vst v0  }
0x2b4: {  	[tilespmem:$0x2B78] =	vst v0  }
0x2b5: {  	[tilespmem:$0x2B88] =	vst v0  }
0x2b6: {  	[tilespmem:$0x2B98] =	vst v0  }
0x2b7: {  	[tilespmem:$0x2BA8] =	vst v0  }
0x2b8: {  	[tilespmem:$0x2BB8] =	vst v0  }
0x2b9: {  	[tilespmem:$0x2BC8] =	vst v0  }
0x2ba: {  	[tilespmem:$0x2BD8] =	vst v0  }
0x2bb: {  	[tilespmem:$0x2BE8] =	vst v0  }
0x2bc: {  	[tilespmem:$0x2BF8] =	vst v0  }
0x2bd: {  	[tilespmem:$0x2C08] =	vst v0  }
0x2be: {  	[tilespmem:$0x2C18] =	vst v0  }
0x2bf: {  	[tilespmem:$0x2C28] =	vst v0  }
0x2c0: {  	[tilespmem:$0x2C38] =	vst v0  }
0x2c1: {  	[tilespmem:$0x2C48] =	vst v0  }
0x2c2: {  	[tilespmem:$0x2C58] =	vst v0  }
0x2c3: {  	[tilespmem:$0x2C68] =	vst v0  }
0x2c4: {  	[tilespmem:$0x2C78] =	vst v0  }
0x2c5: {  	[tilespmem:$0x2C88] =	vst v0  }
0x2c6: {  	[tilespmem:$0x2C98] =	vst v0  }
0x2c7: {  	[tilespmem:$0x2CA8] =	vst v0  }
0x2c8: {  	[tilespmem:$0x2CB8] =	vst v0  }
0x2c9: {  	[tilespmem:$0x2CC8] =	vst v0  }
0x2ca: {  	[tilespmem:$0x2CD8] =	vst v0  }
0x2cb: {  	[tilespmem:$0x2CE8] =	vst v0  }
0x2cc: {  	[tilespmem:$0x2CF8] =	vst v0  }
0x2cd: {  	[tilespmem:$0x2D08] =	vst v0  }
0x2ce: {  	[tilespmem:$0x2D18] =	vst v0  }
0x2cf: {  	[tilespmem:$0x2D28] =	vst v0  }
0x2d0: {  	[tilespmem:$0x2D38] =	vst v0  }
0x2d1: {  	[tilespmem:$0x2D48] =	vst v0  }
0x2d2: {  	[tilespmem:$0x2D58] =	vst v0  }
0x2d3: {  	[tilespmem:$0x2D68] =	vst v0  }
0x2d4: {  	[tilespmem:$0x2D78] =	vst v0  }
0x2d5: {  	[tilespmem:$0x2D88] =	vst v0  }
0x2d6: {  	[tilespmem:$0x2D98] =	vst v0  }
0x2d7: {  	[tilespmem:$0x2DA8] =	vst v0  }
0x2d8: {  	[tilespmem:$0x2DB8] =	vst v0  }
0x2d9: {  	[tilespmem:$0x2DC8] =	vst v0  }
0x2da: {  	[tilespmem:$0x2DD8] =	vst v0  }
0x2db: {  	[tilespmem:$0x2DE8] =	vst v0  }
0x2dc: {  	[tilespmem:$0x2DF8] =	vst v0  }
0x2dd: {  	[tilespmem:$0x2E08] =	vst v0  }
0x2de: {  	[tilespmem:$0x2E18] =	vst v0  }
0x2df: {  	[tilespmem:$0x2E28] =	vst v0  }
0x2e0: {  	[tilespmem:$0x2E38] =	vst v0  }
0x2e1: {  	[tilespmem:$0x2E48] =	vst v0  }
0x2e2: {  	[tilespmem:$0x2E58] =	vst v0  }
0x2e3: {  	[tilespmem:$0x2E68] =	vst v0  }
0x2e4: {  	[tilespmem:$0x2E78] =	vst v0  }
0x2e5: {  	[tilespmem:$0x2E88] =	vst v0  }
0x2e6: {  	[tilespmem:$0x2E98] =	vst v0  }
0x2e7: {  	[tilespmem:$0x2EA8] =	vst v0  }
0x2e8: {  	[tilespmem:$0x2EB8] =	vst v0  }
0x2e9: {  	[tilespmem:$0x2EC8] =	vst v0  }
0x2ea: {  	[tilespmem:$0x2ED8] =	vst v0  }
0x2eb: {  	[tilespmem:$0x2EE8] =	vst v0  }
0x2ec: {  	[tilespmem:$0x2EF8] =	vst v0  }
0x2ed: {  	[tilespmem:$0x2F08] =	vst v0  }
0x2ee: {  	[tilespmem:$0x2F18] =	vst v0  }
0x2ef: {  	[tilespmem:$0x2F28] =	vst v0  }
0x2f0: {  	[tilespmem:$0x2F38] =	vst v0  }
0x2f1: {  	[tilespmem:$0x2F48] =	vst v0  }
0x2f2: {  	[tilespmem:$0x2F58] =	vst v0  }
0x2f3: {  	[tilespmem:$0x2F68] =	vst v0  }
0x2f4: {  	[tilespmem:$0x2F78] =	vst v0  }
0x2f5: {  	[tilespmem:$0x2F88] =	vst v0  }
0x2f6: {  	[tilespmem:$0x2F98] =	vst v0  }
0x2f7: {  	[tilespmem:$0x2FA8] =	vst v0  }
0x2f8: {  	[tilespmem:$0x2FB8] =	vst v0  }
0x2f9: {  	[tilespmem:$0x2FC8] =	vst v0  }
0x2fa: {  	[tilespmem:$0x2FD8] =	vst v0  }
0x2fb: {  	[tilespmem:$0x2FE8] =	vst v0  }
0x2fc: {  	[tilespmem:$0x2FF8] =	vst v0  }
0x2fd: {  	[tilespmem:$0x3008] =	vst v0  }
0x2fe: {  	[tilespmem:$0x3018] =	vst v0  }
0x2ff: {  	[tilespmem:$0x3028] =	vst v0  }
0x300: {  	[tilespmem:$0x3038] =	vst v0  }
0x301: {  	[tilespmem:$0x3048] =	vst v0  }
0x302: {  	[tilespmem:$0x3058] =	vst v0  }
0x303: {  	[tilespmem:$0x3068] =	vst v0  }
0x304: {  	[tilespmem:$0x3078] =	vst v0  }
0x305: {  	[tilespmem:$0x3088] =	vst v0  }
0x306: {  	[tilespmem:$0x3098] =	vst v0  }
0x307: {  	[tilespmem:$0x30A8] =	vst v0  }
0x308: {  	[tilespmem:$0x30B8] =	vst v0  }
0x309: {  	[tilespmem:$0x30C8] =	vst v0  }
0x30a: {  	[tilespmem:$0x30D8] =	vst v0  }
0x30b: {  	[tilespmem:$0x30E8] =	vst v0  }
0x30c: {  	[tilespmem:$0x30F8] =	vst v0  }
0x30d: {  	[tilespmem:$0x3108] =	vst v0  }
0x30e: {  	[tilespmem:$0x3118] =	vst v0  }
0x30f: {  	[tilespmem:$0x3128] =	vst v0  }
0x310: {  	[tilespmem:$0x3138] =	vst v0  }
0x311: {  	[tilespmem:$0x3148] =	vst v0  }
0x312: {  	[tilespmem:$0x3158] =	vst v0  }
0x313: {  	[tilespmem:$0x3168] =	vst v0  }
0x314: {  	[tilespmem:$0x3178] =	vst v0  }
0x315: {  	[tilespmem:$0x3188] =	vst v0  }
0x316: {  	[tilespmem:$0x3198] =	vst v0  }
0x317: {  	[tilespmem:$0x31A8] =	vst v0  }
0x318: {  	[tilespmem:$0x31B8] =	vst v0  }
0x319: {  	[tilespmem:$0x31C8] =	vst v0  }
0x31a: {  	[tilespmem:$0x31D8] =	vst v0  }
0x31b: {  	[tilespmem:$0x31E8] =	vst v0  }
0x31c: {  	[tilespmem:$0x31F8] =	vst v0  }
0x31d: {  	[tilespmem:$0x3208] =	vst v0  }
0x31e: {  	[tilespmem:$0x3218] =	vst v0  }
0x31f: {  	[tilespmem:$0x3228] =	vst v0  }
0x320: {  	[tilespmem:$0x3238] =	vst v0  }
0x321: {  	[tilespmem:$0x3248] =	vst v0  }
0x322: {  	[tilespmem:$0x3258] =	vst v0  }
0x323: {  	[tilespmem:$0x3268] =	vst v0  }
0x324: {  	[tilespmem:$0x3278] =	vst v0  }
0x325: {  	[tilespmem:$0x3288] =	vst v0  }
0x326: {  	[tilespmem:$0x3298] =	vst v0  }
0x327: {  	[tilespmem:$0x32A8] =	vst v0  }
0x328: {  	[tilespmem:$0x32B8] =	vst v0  }
0x329: {  	[tilespmem:$0x32C8] =	vst v0  }
0x32a: {  	[tilespmem:$0x32D8] =	vst v0  }
0x32b: {  	[tilespmem:$0x32E8] =	vst v0  }
0x32c: {  	[tilespmem:$0x32F8] =	vst v0  }
0x32d: {  	[tilespmem:$0x3308] =	vst v0  }
0x32e: {  	[tilespmem:$0x3318] =	vst v0  }
0x32f: {  	[tilespmem:$0x3328] =	vst v0  }
0x330: {  	[tilespmem:$0x3338] =	vst v0  }
0x331: {  	[tilespmem:$0x3348] =	vst v0  }
0x332: {  	[tilespmem:$0x3358] =	vst v0  }
0x333: {  	[tilespmem:$0x3368] =	vst v0  }
0x334: {  	[tilespmem:$0x3378] =	vst v0  }
0x335: {  	[tilespmem:$0x3388] =	vst v0  }
0x336: {  	[tilespmem:$0x3398] =	vst v0  }
0x337: {  	[tilespmem:$0x3458] =	vst v0  }
0x338: {  	[tilespmem:$0x33D8] =	vst v0  }
0x339: {  	[tilespmem:$0x4288] =	vst v0  }
0x33a: {  	[tilespmem:$0x4278] =	vst v0  }
0x33b: {  	[tilespmem:$0x4268] =	vst v0  }
0x33c: {  	[tilespmem:$0x4258] =	vst v0  }
0x33d: {  	[tilespmem:$0x4248] =	vst v0  }
0x33e: {  	[tilespmem:$0x4238] =	vst v0  }
0x33f: {  	[tilespmem:$0x4228] =	vst v0  }
0x340: {  	[tilespmem:$0x4218] =	vst v0  }
0x341: {  	[tilespmem:$0x4208] =	vst v0  }
0x342: {  	[tilespmem:$0x41F8] =	vst v0  }
0x343: {  	[tilespmem:$0x41E8] =	vst v0  }
0x344: {  	[tilespmem:$0x41D8] =	vst v0  }
0x345: {  	[tilespmem:$0x41C8] =	vst v0  }
0x346: {  	[tilespmem:$0x41B8] =	vst v0  }
0x347: {  	[tilespmem:$0x41A8] =	vst v0  }
0x348: {  	[tilespmem:$0x4198] =	vst v0  }
0x349: {  	[tilespmem:$0x4188] =	vst v0  }
0x34a: {  	[tilespmem:$0x4178] =	vst v0  }
0x34b: {  	[tilespmem:$0x4168] =	vst v0  }
0x34c: {  	[tilespmem:$0x4158] =	vst v0  }
0x34d: {  	[tilespmem:$0x4148] =	vst v0  }
0x34e: {  	[tilespmem:$0x4138] =	vst v0  }
0x34f: {  	[tilespmem:$0x4128] =	vst v0  }
0x350: {  	[tilespmem:$0x4118] =	vst v0  }
0x351: {  	[tilespmem:$0x4108] =	vst v0  }
0x352: {  	[tilespmem:$0x40F8] =	vst v0  }
0x353: {  	[tilespmem:$0x40E8] =	vst v0  }
0x354: {  	[tilespmem:$0x40D8] =	vst v0  }
0x355: {  	[tilespmem:$0x40C8] =	vst v0  }
0x356: {  	[tilespmem:$0x40B8] =	vst v0  }
0x357: {  	[tilespmem:$0x40A8] =	vst v0  }
0x358: {  	[tilespmem:$0x4098] =	vst v0  }
0x359: {  	[tilespmem:$0x4088] =	vst v0  }
0x35a: {  	[tilespmem:$0x4078] =	vst v0  }
0x35b: {  	[tilespmem:$0x4068] =	vst v0  }
0x35c: {  	[tilespmem:$0x4058] =	vst v0  }
0x35d: {  	[tilespmem:$0x4048] =	vst v0  }
0x35e: {  	[tilespmem:$0x4038] =	vst v0  }
0x35f: {  	[tilespmem:$0x4028] =	vst v0  }
0x360: {  	[tilespmem:$0x4018] =	vst v0  }
0x361: {  	[tilespmem:$0x4008] =	vst v0  }
0x362: {  	[tilespmem:$0x3FF8] =	vst v0  }
0x363: {  	[tilespmem:$0x3FE8] =	vst v0  }
0x364: {  	[tilespmem:$0x3FD8] =	vst v0  }
0x365: {  	[tilespmem:$0x3FC8] =	vst v0  }
0x366: {  	[tilespmem:$0x3FB8] =	vst v0  }
0x367: {  	[tilespmem:$0x3FA8] =	vst v0  }
0x368: {  	[tilespmem:$0x3F98] =	vst v0  }
0x369: {  	[tilespmem:$0x3F88] =	vst v0  }
0x36a: {  	[tilespmem:$0x3F78] =	vst v0  }
0x36b: {  	[tilespmem:$0x3F68] =	vst v0  }
0x36c: {  	[tilespmem:$0x3F58] =	vst v0  }
0x36d: {  	[tilespmem:$0x3F48] =	vst v0  }
0x36e: {  	[tilespmem:$0x3F38] =	vst v0  }
0x36f: {  	[tilespmem:$0x3F28] =	vst v0  }
0x370: {  	[tilespmem:$0x3F18] =	vst v0  }
0x371: {  	[tilespmem:$0x3F08] =	vst v0  }
0x372: {  	[tilespmem:$0x3EF8] =	vst v0  }
0x373: {  	[tilespmem:$0x3EE8] =	vst v0  }
0x374: {  	[tilespmem:$0x3ED8] =	vst v0  }
0x375: {  	[tilespmem:$0x3EC8] =	vst v0  }
0x376: {  	[tilespmem:$0x3EB8] =	vst v0  }
0x377: {  	[tilespmem:$0x3EA8] =	vst v0  }
0x378: {  	[tilespmem:$0x3E98] =	vst v0  }
0x379: {  	[tilespmem:$0x3E88] =	vst v0  }
0x37a: {  	[tilespmem:$0x3E78] =	vst v0  }
0x37b: {  	[tilespmem:$0x3E68] =	vst v0  }
0x37c: {  	[tilespmem:$0x3E58] =	vst v0  }
0x37d: {  	[tilespmem:$0x3E48] =	vst v0  }
0x37e: {  	[tilespmem:$0x3E38] =	vst v0  }
0x37f: {  	[tilespmem:$0x3E28] =	vst v0  }
0x380: {  	[tilespmem:$0x3E18] =	vst v0  }
0x381: {  	[tilespmem:$0x3E08] =	vst v0  }
0x382: {  	[tilespmem:$0x3DF8] =	vst v0  }
0x383: {  	[tilespmem:$0x3DE8] =	vst v0  }
0x384: {  	[tilespmem:$0x3DD8] =	vst v0  }
0x385: {  	[tilespmem:$0x3DC8] =	vst v0  }
0x386: {  	[tilespmem:$0x3DB8] =	vst v0  }
0x387: {  	[tilespmem:$0x3DA8] =	vst v0  }
0x388: {  	[tilespmem:$0x3D98] =	vst v0  }
0x389: {  	[tilespmem:$0x3D88] =	vst v0  }
0x38a: {  	[tilespmem:$0x3D78] =	vst v0  }
0x38b: {  	[tilespmem:$0x3D68] =	vst v0  }
0x38c: {  	[tilespmem:$0x3D58] =	vst v0  }
0x38d: {  	[tilespmem:$0x3D48] =	vst v0  }
0x38e: {  	[tilespmem:$0x3D38] =	vst v0  }
0x38f: {  	[tilespmem:$0x3D28] =	vst v0  }
0x390: {  	[tilespmem:$0x3D18] =	vst v0  }
0x391: {  	[tilespmem:$0x3D08] =	vst v0  }
0x392: {  	[tilespmem:$0x3CF8] =	vst v0  }
0x393: {  	[tilespmem:$0x3CE8] =	vst v0  }
0x394: {  	[tilespmem:$0x3CD8] =	vst v0  }
0x395: {  	[tilespmem:$0x3CC8] =	vst v0  }
0x396: {  	[tilespmem:$0x3CB8] =	vst v0  }
0x397: {  	[tilespmem:$0x3CA8] =	vst v0  }
0x398: {  	[tilespmem:$0x3C98] =	vst v0  }
0x399: {  	[tilespmem:$0x3C88] =	vst v0  }
0x39a: {  	[tilespmem:$0x3C78] =	vst v0  }
0x39b: {  	[tilespmem:$0x3C68] =	vst v0  }
0x39c: {  	[tilespmem:$0x3C58] =	vst v0  }
0x39d: {  	[tilespmem:$0x3C48] =	vst v0  }
0x39e: {  	[tilespmem:$0x3C38] =	vst v0  }
0x39f: {  	[tilespmem:$0x3C28] =	vst v0  }
0x3a0: {  	[tilespmem:$0x3C18] =	vst v0  }
0x3a1: {  	[tilespmem:$0x3C08] =	vst v0  }
0x3a2: {  	[tilespmem:$0x3BF8] =	vst v0  }
0x3a3: {  	[tilespmem:$0x3BE8] =	vst v0  }
0x3a4: {  	[tilespmem:$0x3BD8] =	vst v0  }
0x3a5: {  	[tilespmem:$0x3BC8] =	vst v0  }
0x3a6: {  	[tilespmem:$0x3BB8] =	vst v0  }
0x3a7: {  	[tilespmem:$0x3BA8] =	vst v0  }
0x3a8: {  	[tilespmem:$0x3B98] =	vst v0  }
0x3a9: {  	[tilespmem:$0x3B88] =	vst v0  }
0x3aa: {  	[tilespmem:$0x3B78] =	vst v0  }
0x3ab: {  	[tilespmem:$0x3B68] =	vst v0  }
0x3ac: {  	[tilespmem:$0x3B58] =	vst v0  }
0x3ad: {  	[tilespmem:$0x3B48] =	vst v0  }
0x3ae: {  	[tilespmem:$0x3B38] =	vst v0  }
0x3af: {  	[tilespmem:$0x3B28] =	vst v0  }
0x3b0: {  	[tilespmem:$0x3B18] =	vst v0  }
0x3b1: {  	[tilespmem:$0x3B08] =	vst v0  }
0x3b2: {  	[tilespmem:$0x3AF8] =	vst v0  }
0x3b3: {  	[tilespmem:$0x3AE8] =	vst v0  }
0x3b4: {  	[tilespmem:$0x3AD8] =	vst v0  }
0x3b5: {  	[tilespmem:$0x3AC8] =	vst v0  }
0x3b6: {  	[tilespmem:$0x3AB8] =	vst v0  }
0x3b7: {  	[tilespmem:$0x3AA8] =	vst v0  }
0x3b8: {  	[tilespmem:$0x3A98] =	vst v0  }
0x3b9: {  	[tilespmem:$0x3A88] =	vst v0  }
0x3ba: {  	[tilespmem:$0x3A78] =	vst v0  }
0x3bb: {  	[tilespmem:$0x3A68] =	vst v0  }
0x3bc: {  	[tilespmem:$0x3A58] =	vst v0  }
0x3bd: {  	[tilespmem:$0x3A48] =	vst v0  }
0x3be: {  	[tilespmem:$0x3A38] =	vst v0  }
0x3bf: {  	[tilespmem:$0x3A28] =	vst v0  }
0x3c0: {  	[tilespmem:$0x3A18] =	vst v0  }
0x3c1: {  	[tilespmem:$0x3A08] =	vst v0  }
0x3c2: {  	[tilespmem:$0x39F8] =	vst v0  }
0x3c3: {  	[tilespmem:$0x39E8] =	vst v0  }
0x3c4: {  	[tilespmem:$0x39D8] =	vst v0  }
0x3c5: {  	[tilespmem:$0x39C8] =	vst v0  }
0x3c6: {  	[tilespmem:$0x39B8] =	vst v0  }
0x3c7: {  	[tilespmem:$0x39A8] =	vst v0  }
0x3c8: {  	[tilespmem:$0x3998] =	vst v0  }
0x3c9: {  	[tilespmem:$0x3988] =	vst v0  }
0x3ca: {  	[tilespmem:$0x3978] =	vst v0  }
0x3cb: {  	[tilespmem:$0x3968] =	vst v0  }
0x3cc: {  	[tilespmem:$0x3958] =	vst v0  }
0x3cd: {  	[tilespmem:$0x3948] =	vst v0  }
0x3ce: {  	[tilespmem:$0x3938] =	vst v0  }
0x3cf: {  	[tilespmem:$0x3928] =	vst v0  }
0x3d0: {  	[tilespmem:$0x3918] =	vst v0  }
0x3d1: {  	[tilespmem:$0x3908] =	vst v0  }
0x3d2: {  	[tilespmem:$0x38F8] =	vst v0  }
0x3d3: {  	[tilespmem:$0x38E8] =	vst v0  }
0x3d4: {  	[tilespmem:$0x38D8] =	vst v0  }
0x3d5: {  	[tilespmem:$0x38C8] =	vst v0  }
0x3d6: {  	[tilespmem:$0x38B8] =	vst v0  }
0x3d7: {  	[tilespmem:$0x38A8] =	vst v0  }
0x3d8: {  	[tilespmem:$0x3898] =	vst v0  }
0x3d9: {  	[tilespmem:$0x3888] =	vst v0  }
0x3da: {  	[tilespmem:$0x3878] =	vst v0  }
0x3db: {  	[tilespmem:$0x3868] =	vst v0  }
0x3dc: {  	[tilespmem:$0x3858] =	vst v0  }
0x3dd: {  	[tilespmem:$0x3848] =	vst v0  }
0x3de: {  	[tilespmem:$0x3838] =	vst v0  }
0x3df: {  	[tilespmem:$0x3828] =	vst v0  }
0x3e0: {  	[tilespmem:$0x3818] =	vst v0  }
0x3e1: {  	[tilespmem:$0x3808] =	vst v0  }
0x3e2: {  	[tilespmem:$0x37F8] =	vst v0  }
0x3e3: {  	[tilespmem:$0x37E8] =	vst v0  }
0x3e4: {  	[tilespmem:$0x37D8] =	vst v0  }
0x3e5: {  	[tilespmem:$0x37C8] =	vst v0  }
0x3e6: {  	[tilespmem:$0x37B8] =	vst v0  }
0x3e7: {  	[tilespmem:$0x37A8] =	vst v0  }
0x3e8: {  	[tilespmem:$0x3798] =	vst v0  }
0x3e9: {  	[tilespmem:$0x3788] =	vst v0  }
0x3ea: {  	[tilespmem:$0x3778] =	vst v0  }
0x3eb: {  	[tilespmem:$0x3768] =	vst v0  }
0x3ec: {  	[tilespmem:$0x3758] =	vst v0  }
0x3ed: {  	[tilespmem:$0x3748] =	vst v0  }
0x3ee: {  	[tilespmem:$0x3738] =	vst v0  }
0x3ef: {  	[tilespmem:$0x3728] =	vst v0  }
0x3f0: {  	[tilespmem:$0x3718] =	vst v0  }
0x3f1: {  	[tilespmem:$0x3708] =	vst v0  }
0x3f2: {  	[tilespmem:$0x36F8] =	vst v0  }
0x3f3: {  	[tilespmem:$0x36E8] =	vst v0  }
0x3f4: {  	[tilespmem:$0x36D8] =	vst v0  }
0x3f5: {  	[tilespmem:$0x36C8] =	vst v0  }
0x3f6: {  	[tilespmem:$0x36B8] =	vst v0  }
0x3f7: {  	[tilespmem:$0x36A8] =	vst v0  }
0x3f8: {  	[tilespmem:$0x3698] =	vst v0  }
0x3f9: {  	[tilespmem:$0x3688] =	vst v0  }
0x3fa: {  	[tilespmem:$0x3678] =	vst v0  }
0x3fb: {  	[tilespmem:$0x3668] =	vst v0  }
0x3fc: {  	[tilespmem:$0x3658] =	vst v0  }
0x3fd: {  	[tilespmem:$0x3648] =	vst v0  }
0x3fe: {  	[tilespmem:$0x3638] =	vst v0  }
0x3ff: {  	[tilespmem:$0x3628] =	vst v0  }
0x400: {  	[tilespmem:$0x3618] =	vst v0  }
0x401: {  	[tilespmem:$0x3608] =	vst v0  }
0x402: {  	[tilespmem:$0x35F8] =	vst v0  }
0x403: {  	[tilespmem:$0x35E8] =	vst v0  }
0x404: {  	[tilespmem:$0x35D8] =	vst v0  }
0x405: {  	[tilespmem:$0x35C8] =	vst v0  }
0x406: {  	[tilespmem:$0x35B8] =	vst v0  }
0x407: {  	[tilespmem:$0x35A8] =	vst v0  }
0x408: {  	[tilespmem:$0x3598] =	vst v0  }
0x409: {  	[tilespmem:$0x3588] =	vst v0  }
0x40a: {  	[tilespmem:$0x3578] =	vst v0  }
0x40b: {  	[tilespmem:$0x3568] =	vst v0  }
0x40c: {  	[tilespmem:$0x3558] =	vst v0  }
0x40d: {  	[tilespmem:$0x3548] =	vst v0  }
0x40e: {  	[tilespmem:$0x3538] =	vst v0  }
0x40f: {  	[tilespmem:$0x3528] =	vst v0  }
0x410: {  	[tilespmem:$0x3518] =	vst v0  }
0x411: {  	[tilespmem:$0x3508] =	vst v0  }
0x412: {  	[tilespmem:$0x34F8] =	vst v0  }
0x413: {  	[tilespmem:$0x34E8] =	vst v0  }
0x414: {  	[tilespmem:$0x34D8] =	vst v0  }
0x415: {  	[tilespmem:$0x34C8] =	vst v0  }
0x416: {  	[tilespmem:$0x34B8] =	vst v0  }
0x417: {  	s9 =	stileid.u32;
	[tilespmem:$0x34A8] =	vst v0  }
0x418: {  	s0 =	smul.u32 $0x1E, s9;
	[tilespmem:$0x3498] =	vst v0  }
0x419: {  	s3 =	smin.u32 s9, $0x3;
	[tilespmem:$0x3488] =	vst v0  }
0x41a: {  	[tilespmem:$0x3478] =	vst v0;
	s0 =	sadd.s32 s3, s0  }
0x41b: {  	p0 =	slt.u32 s9, $0x3;
	[tilespmem:$0x3468] =	vst v0;
	s3 =	simm.s32 $0x2AA0;
	s5 =	smul.u32 $0x160, s0  }
0x41c: {  	s3 =	simm.s32 @!p0 $0x2940;
	[tilespmem:$0x3438] =	vst v0  }
0x41d: {  	[tilespmem:$0x3448] =	vst v0;
	s0 =	sadd.s32 s3, s5  }
0x41e: {  	[tilespmem:$0x3428] =	vst v0;
	s6 =	smin.u32 s0, $0x29810  }
0x41f: {  	[tilespmem:$0x33B8] =	vst v0;
	s0 =	ssub.s32 s6, s5  }
0x420: {  	s7 =	simm.s32 $0x2;
	s11 =	simm.s32 $0x7;
	[tilespmem:$0x3418] =	vst v0;
	p0 =	sgt.s32 s0, $0x0  }
0x421: {  	s30 =	simm.s32 $0x8;
	s15 =	simm.s32 $0x0;
	[tilespmem:$0x3408] =	vst v0;
	s0 =	simm.s32 @!p0 $0x0  }
0x422: {  	p1 =	por $0x0, $0x0;
	s16 =	simm.s32 $0xA;
	[tilespmem:$0x33F8] =	vst v0;
	s4 =	smulhi.u32 $0x2E8BA2E9, s0  }
0x423: {  	s20 =	simm.s32 $0x0;
	s17 =	simm.s32 $0x0;
	s19 =	simm.s32 $0x0;
	[tilespmem:$0x33E8] =	vst v0  }
0x424: {  	s8 =	sadd.s32 $0xA800, s2;
	s31 =	smul.u32 $0x180, s9;
	[tilespmem:$0x33C8] =	vst v0;
	s4 =	sshrl.u32 s4, $0x6  }
0x425: {  	s10 =	sadd.s32 $0x3C200, s2;
	[tilespmem:$0x33A8] =	vst v0;
	[sflag:s7] =	ssyncpa.u1 $0x0;
	v0 =	vimm.s32 $0xFFFFFFFF;
	s29 =	smul.u32 $0x160, s4  }
.Ltmp0:
0x426: {  	[tilespmem:$0x84C8] =	vst v0;
	[sflag:s11] =	ssyncpa.u1 $0x0;
	s11 =	simm.s32 $0x9;
	(pc) =	sbr.rel .LBB2_1-.Ltmp0, $4  }
0x427: {  	[sflag:s30] =	ssyncpa.u1 $0x0;
	p0 =	sne.s32 s0, s29;
	s0 =	simm.s32 $0x1  }
0x428: {  	s13 =	sshrl.u32 s31, $0x2;
	[sflag:s11] =	ssyncpa.u1 $0x0;
	s0 =	simm.s32 @!p0 $0x0  }
0x429: {  	s3 =	sadd.s32 $0x15000, s2;
	s2 =	sadd.s32 $0xFC00, s2;
	s12 =	sadd.s32 s0, s4  }
0x42a: {  	v0 =	vlaneseq.u32;
	s18 =	smov.u32 s5;
	p0 =	por $0x1, $0x1;
	s14 =	sadd.s32 $0x1, s12  }
.LBB2_22:
0x42b: {  	s0 =	sshrl.u32 s29, $0x2  }
.LBB2_24:
0x42c: {  	_ =	swait.ge [sflag:s16], s0  }
0x42d: {  	s31 =	ssub.s32 $0x0, s0;
	v1 =	vmov s22;
	vm0 =	veq.s32 v0, $0x0;
	[sflag:s16] =	ssyncset.done $0x0  }
0x42e: {  	vm15 =	veq.s32 v0, $0x2;
	v1 =	vsel vm0, s28, v1;
	[sflag:s16] =	ssyncadd.s32 s31  }
0x42f: {  	v1 =	vsel vm15, s20, v1;
	[sflag:s16] =	ssyncpa.u1 $0x1  }
0x430: {  	[tilespmem:$0x84C8] =	vst v1  }
.LBB2_25:
0x431: {  	s0 =	sadd.s32 $0x160, s18  }
0x432: {  	s4 =	smov.u32 s5;
	p2 =	slt.s32 s0, s6  }
0x433: {  	s4 =	smov.u32 @p2 s0;
	p2 =	sne.s32 s19, s14  }
.Ltmp1:
0x434: {  	_ = 	snop;
	(pc) =	sbr.rel @!p2 .LBB2_26-.Ltmp1, $4  }
0x435: {  	_ = 	snop  }
0x436: {  	s20 =	smov.u32 s17  }
0x437: {  	s31 =	sadd.s32 $0x1, s19;
	s17 =	smov.u32 s18;
	p0 =	por !p0, !p0  }
0x438: {  	p1 =	por !p1, !p1;
	s19 =	smov.u32 s31;
	s18 =	smov.u32 s4  }
.LBB2_1:
0x439: {  	p2 =	sge.u32 s19, s12  }
0x43a: {  	s0 =	smulhi.u32 @!p2 $0xAAAAAAAB, s19  }
0x43b: {  	s4 =	smov.u32 s18;
	p3 =	sgt.s32 @!p2 s18, $0x296B0  }
0x43c: {  	s7 =	sshra.s32 @!p2 s18, $0x1F;
	p3 =	por !p3, p2;
	s0 =	sshrl.u32 @!p2 s0, $0x1  }
0x43d: {  	s7 =	sand.u32 @!p2 s7, s18;
	s4 =	simm.s32 @p3 $0x296B0;
	s0 =	smul.u32 @!p2 $0x3, s0  }
0x43e: {  	s4 =	ssub.s32 @!p2 s4, s7  }
0x43f: {  	s22 =	sadd.s32 $0xFFFFFFFF, s19;
	s4 =	sadd.s32 @!p2 $0xFFFD6950, s4;
	s0 =	ssub.s32 @!p2 s19, s0  }
0x440: {  	s7 =	sshll.u32 @!p2 s4, $0x2;
	p3 =	sgt.s32 @!p2 s4, $0x15F;
	s0 =	smul.u32 @!p2 $0x580, s0  }
0x441: {  	s21 =	sand.u32 @!p2 $0x7, s18;
	s4 =	ssub.s32 @!p2 $0x580, s7;
	p3 =	por !p3, p2  }
0x442: {  	s7 =	sshrl.u32 @!p2 s18, $0x3;
	s4 =	sshrl.u32 @!p2 s4, $0x2;
	s0 =	sshrl.u32 @!p2 s0, $0x2  }
0x443: {  	s7 =	sadd.s32 @!p2 s2, s7;
	s4 =	simm.s32 @!p3 $0x0;
	s0 =	sadd.s32 @!p2 $0x8AF8, s0  }
0x444: {  	[tilespmem:s0], [sflag:$0x8] =	stream.linear.gather @!p2 [hbm4b:s7+s21], s4, $0x38;
	[tilespmem:$0x1F1D8] =	vst v63  }
0x445: {  	p2 =	sge.u32 s22, s12  }
0x446: {  	p3 =	sgt.s32 @!p2 s17, $0x296B0  }
0x447: {  	s0 =	smov.u32 s17;
	s4 =	sshra.s32 @!p2 s17, $0x1F;
	p3 =	por !p3, p2  }
0x448: {  	s4 =	sand.u32 @!p2 s4, s17;
	s0 =	simm.s32 @p3 $0x296B0  }
0x449: {  	s0 =	ssub.s32 @!p2 s0, s4  }
0x44a: {  	s0 =	sadd.s32 @!p2 $0xFFFD6950, s0  }
0x44b: {  	s4 =	sshll.u32 @!p2 s0, $0x2  }
0x44c: {  	p3 =	sgt.s32 @!p2 s0, $0x15F;
	s0 =	ssub.s32 @!p2 $0x580, s4  }
0x44d: {  	p3 =	por !p3, p2;
	s0 =	sshrl.u32 @!p2 s0, $0x2  }
0x44e: {  	s7 =	simm.s32 @!p2 $0x8;
	s4 =	sand.u32 @!p2 $0x1, s22;
	s0 =	simm.s32 @!p3 $0x0  }
0x44f: {  	s4 =	smul.u32 @!p2 $0x580, s4;
	_ =	swait.ge @!p2 [sflag:s7], s0  }
0x450: {  	s21 =	ssub.s32 @!p2 $0x0, s0;
	[sflag:s7] =	ssyncset.done @!p2 $0x0  }
0x451: {  	s4 =	sshrl.u32 @!p2 s4, $0x2;
	[sflag:s7] =	ssyncadd.s32 @!p2 s21;
	s7 =	sshrl.u32 @!p2 s17, $0x3  }
0x452: {  	s4 =	sadd.s32 @!p2 $0x8F18, s4;
	s21 =	sand.u32 @!p2 $0x7, s17;
	s7 =	sadd.s32 @!p2 s8, s7  }
0x453: {  	[tilespmem:s4], [sflag:$0x9] =	stream.linear.gather @!p2 [hbm4b:s7+s21], s0, $0x38;
	[tilespmem:$0x1F1D8] =	vst v63  }
0x454: {  	s21 =	ssub.s32 @!p2 $0x29810, s17  }
0x455: {  	p3 =	slt.s32 @!p2 s21, $0x1  }
0x456: {  	p3 =	por p2, p3  }
.Ltmp2:
0x457: {  	_ = 	snop;
	(pc) =	sbr.rel @p3 .LBB2_7-.Ltmp2, $1  }
0x458: {  	_ =	sdelay $0x3  }
0x459: {  	s0 =	smulhi.u32 $0xAAAAAAAB, s22;
	_ =	sdelay $0x1  }
0x45a: {  	s0 =	sshrl.u32 s0, $0x1  }
0x45b: {  	s0 =	smul.u32 $0x3, s0;
	_ =	sdelay $0x1  }
0x45c: {  	s0 =	ssub.s32 s22, s0  }
0x45d: {  	s4 =	simm.s32 $0x1;
	s0 =	smul.u32 $0x580, s0  }
.Ltmp3:
0x45e: {  	s4 =	simm.s32 @!p0 $0x0;
	(pc) =	sbr.rel .LBB2_4-.Ltmp3, $4  }
0x45f: {  	s4 =	smul.u32 $0x2C000, s4  }
0x460: {  	p3 =	slt.s32 @!p2 s21, $0x160;
	s0 =	sshrl.u32 s0, $0x2  }
0x461: {  	p2 =	por !p3, p2;
	s4 =	sshrl.u32 s4, $0x2;
	s0 =	sadd.s32 $0x8AF8, s0  }
0x462: {  	s23 =	simm.s32 $0x0;
	s21 =	simm.s32 @p2 $0x160;
	s22 =	sadd.s32 $0x91D8, s4;
	v1 =	vmov s0  }
.LBB2_3:
0x463: {  	p2 =	sge.s32 s23, s21  }
.Ltmp4:
0x464: {  	_ = 	snop;
	(pc) =	sbr.rel @p2 .LBB2_7-.Ltmp4, $2  }
0x465: {  	_ =	sdelay $0x2  }
0x466: {  	s22 =	sadd.s32 $0x800, s22  }
.LBB2_4:
0x467: {  	p2 =	sle.s32 s21, s23  }
.Ltmp5:
0x468: {  	_ = 	snop;
	(pc) =	sbr.rel @p2 .LBB2_3-.Ltmp5, $2  }
0x469: {  	_ =	sdelay $0x2  }
0x46a: {  	s24 =	smov.u32 s23;
	s23 =	sadd.s32 $0x10, s23  }
0x46b: {  	s0 =	ssub.s32 s21, s24  }
0x46c: {  	p2 =	slt.s32 s0, $0x10  }
0x46d: {  	s0 =	simm.s32 @!p2 $0x10  }
0x46e: {  	v2 =	vmov s0  }
0x46f: {  	vm0 =	vgt.s32 v2, v0;
	_ =	sdelay $0x5  }
0x470: {  	v2 =	vld.idx.msk [tilespmem:v1+s24+$0x0 ss:$0x1], vm0;
	_ =	sdelay $0x2  }
0x471: {  	p2 =	slt.s32 s23, s21;
	s0 =	smov.u32 s21  }
0x472: {  	s4 =	smov.u32 s22;
	s25 =	simm.s32 $0x0;
	s0 =	smov.u32 @p2 s23  }
.LBB2_6:
0x473: {  	(v2sf) =	vpush v2, s25;
	_ =	sdelay $0xc  }
0x474: {  	s25 =	sadd.s32 $0x1, s25  }
0x475: {  	s31 =	sadd.s32 s25, s24  }
0x476: {  	p2 =	slt.s32 s31, s0;
	s7 =	spop (v2sf)  }
.Ltmp6:
0x477: {  	s7 =	sshll.u32 s7, $0x4;
	(pc) =	sbr.rel @p2 .LBB2_6-.Ltmp6, $4  }
0x478: {  	s7 =	sand.u32 $0x1FFFFFF0, s7  }
0x479: {  	s7 =	sadd.s32 s10, s7  }
0x47a: {  	[tilespmem:s4], [sflag:$0x7] =	stream.linear.gather [hbm4b:s7+s15], $0x28, $0x38;
	[tilespmem:$0x1F1D8] =	vst v63  }
0x47b: {  	s4 =	sadd.s32 $0x80, s4  }
.Ltmp7:
0x47c: {  	_ = 	snop;
	(pc) =	sbr.rel .LBB2_3-.Ltmp7, $1  }
0x47d: {  	_ =	sdelay $0x3  }
.LBB2_7:
0x47e: {  	p2 =	slt.u32 s19, $0x2  }
.Ltmp8:
0x47f: {  	_ = 	snop;
	(pc) =	sbr.rel @p2 .LBB2_25-.Ltmp8, $1  }
0x480: {  	_ =	sdelay $0x3  }
0x481: {  	s0 =	ssub.s32 $0x29810, s20;
	p2 =	sgt.s32 s20, $0x296B0;
	s4 =	smov.u32 s20  }
0x482: {  	s7 =	sshra.s32 s20, $0x1F;
	p3 =	slt.s32 s0, $0x160;
	s21 =	smov.u32 s0  }
0x483: {  	s4 =	simm.s32 @!p2 $0x296B0;
	s7 =	sand.u32 s7, s20;
	s21 =	simm.s32 @!p3 $0x160  }
0x484: {  	s4 =	ssub.s32 s4, s7;
	s25 =	smul.u32 $0xA0, s21  }
0x485: {  	s4 =	sadd.s32 $0xFFFD6950, s4  }
0x486: {  	s9 =	simm.s32 $0x7;
	s26 =	sshll.u32 s4, $0x2;
	s7 =	sshrl.u32 s25, $0x2  }
0x487: {  	p2 =	sgt.s32 s4, $0x15F;
	s29 =	ssub.s32 $0x580, s26;
	_ =	swait.ge [sflag:s9], s7  }
0x488: {  	s7 =	ssub.s32 $0x0, s7;
	s4 =	sshrl.u32 s29, $0x2;
	[sflag:s9] =	ssyncset.done $0x0  }
0x489: {  	s4 =	simm.s32 @p2 $0x0;
	[sflag:s9] =	ssyncadd.s32 s7  }
0x48a: {  	_ =	swait.ge [sflag:s11], s4  }
0x48b: {  	s4 =	ssub.s32 $0x0, s4;
	[sflag:s11] =	ssyncset.done $0x0  }
0x48c: {  	[sflag:s11] =	ssyncadd.s32 s4  }
0x48d: {  	v1 =	vld [tilespmem:$0x84C8];
	_ =	sdelay $0x4  }
0x48e: {  	(v2sf) =	vpush v1, $0x0  }
0x48f: {  	(v2sf) =	vpush v1, $0x1  }
0x490: {  	(v2sf) =	vpush v1, $0x2;
	_ =	sdelay $0x3  }
0x491: {  	s4 =	sadd.s32 $0x160, s20  }
0x492: {  	p2 =	slt.s32 s6, s4  }
0x493: {  	s4 =	smov.u32 @p2 s6;
	p2 =	sgt.s32 s0, $0x0  }
0x494: {  	s23 =	ssub.s32 s4, s20;
	s0 =	simm.s32 @!p2 $0x0  }
0x495: {  	p2 =	slt.s32 s0, s23  }
0x496: {  	s23 =	smov.u32 @p2 s0  }
0x497: {  	s24 =	simm.s32 $0x1;
	p2 =	slt.s32 s23, $0x1  }
.Ltmp9:
0x498: {  	s24 =	simm.s32 @!p1 $0x0;
	(pc) =	sbr.rel @p2 .LBB2_12-.Ltmp9, $4  }
0x499: {  	s30 =	smul.u32 $0x580, s24  }
0x49a: {  	s25 =	spop (v2sf)  }
0x49b: {  	s31 =	sshrl.u32 s30, $0x2;
	s28 =	spop (v2sf)  }
0x49c: {  	s21 =	sadd.s32 $0x8F18, s31;
	s20 =	spop (v2sf)  }
0x49d: {  	s0 =	smin.u32 s23, $0x10  }
0x49e: {  	v1 =	vmov s0  }
0x49f: {  	p3 =	sgt.s32 s23, $0x10;
	vm1 =	vgt.u32 v1, v0  }
.Ltmp10:
0x4a0: {  	_ = 	snop;
	(pc) =	sbr.rel @!p3 .LBB2_11-.Ltmp10, $2  }
0x4a1: {  	_ =	sdelay $0x2  }
0x4a2: {  	s26 =	simm.s32 $0x10;
	s29 =	sadd.s32 $0xFFFFFFF0, s23;
	s22 =	smov.u32 s21;
	vm0 =	vmmov vm1  }
.LBB2_10:
0x4a3: {  	s0 =	smin.u32 s29, $0x10;
	s26 =	sadd.s32 $0x10, s26;
	v1 =	vld.msk [tilespmem:s22+$0x0 ss:$0x1], vm1  }
0x4a4: {  	v2 =	vmov s0;
	p3 =	slt.s32 s26, s23  }
0x4a5: {  	vm1 =	vgt.u32 v2, v0  }
.Ltmp11:
0x4a6: {  	(pc) =	sbr.rel @p3 .LBB2_10-.Ltmp11, $3  }
0x4a7: {  	_ =	sdelay $0x1  }
0x4a8: {  	v1 =	vshll.u32 v1, $0x4  }
0x4a9: {  	s29 =	sadd.s32 $0xFFFFFFF0, s29;
	[tilespmem:s22+$0x0] =	vst.msk vm0, v1;
	s22 =	sadd.s32 $0x10, s22;
	vm0 =	vmmov vm1  }
.LBB2_11:
0x4aa: {  	_ =	sdelay $0x4  }
0x4ab: {  	v1 =	vld.msk [tilespmem:s22+$0x0 ss:$0x1], vm1;
	_ =	sdelay $0x4  }
0x4ac: {  	v1 =	vshll.u32 v1, $0x4  }
0x4ad: {  	[tilespmem:s22+$0x0] =	vst.msk vm0, v1  }
.LBB2_12:
0x4ae: {  	s0 =	sand.u32 $0x1, s19  }
0x4af: {  	s0 =	smul.u32 $0x160, s0  }
0x4b0: {  	p3 =	sne.s32 s28, $0xFFFFFFFF  }
0x4b1: {  	v1 =	vld.msk @!p3 [tilespmem:s0+$0x8F18], $0x1;
	_ =	sdelay $0x4  }
0x4b2: {  	(v2sf) =	vpush @!p3 v1, $0x0;
	_ =	sdelay $0xc  }
.Ltmp12:
0x4b3: {  	_ = 	snop;
	(pc) =	sbr.rel @p2 .LBB2_23-.Ltmp12, $4  }
0x4b4: {  	_ = 	snop  }
0x4b5: {  	s26 =	spop @!p3 (v2sf)  }
0x4b6: {  	s20 =	simm.s32 @!p3 $0x0;
	s22 =	smov.u32 s26  }
0x4b7: {  	[sflag:s16] =	ssyncpa.u1 $0x0;
	s26 =	smov.u32 @p3 s25;
	s22 =	smov.u32 @p3 s28  }
0x4b8: {  	v1 =	vld.msk [tilespmem:s21+$0x0], $0x1;
	_ =	sdelay $0x4  }
0x4b9: {  	(v2sf) =	vpush v1, $0x0;
	_ =	sdelay $0xd  }
0x4ba: {  	s0 =	smul.u32 $0x2C000, s24  }
0x4bb: {  	s23 =	ssub.s32 $0x0, s23;
	s24 =	simm.s32 $0x0;
	s30 =	spop (v2sf)  }
0x4bc: {  	s7 =	smov.u32 s26;
	s28 =	sadd.s32 $0x1, s23;
	p2 =	seq.s32 s26, s30  }
0x4bd: {  	p4 =	seq.s32 s28, $0x0;
	p3 =	sgt.s32 @!p2 s26, $0x0;
	s4 =	smul.u32 @!p2 $0xC0, s24  }
.Ltmp13:
0x4be: {  	s0 =	sshrl.u32 s0, $0x2;
	p3 =	por !p3, p2;
	(pc) =	sbr.rel @p4 .LBB2_15-.Ltmp13, $4  }
0x4bf: {  	s25 =	sadd.s32 $0x91E8, s0;
	s7 =	simm.s32 @p3 $0x0  }
0x4c0: {  	s31 =	simm.s32 @!p2 $0x1;
	s0 =	sshra.s32 @!p2 s4, $0x2;
	s4 =	smin.u32 @!p2 s7, $0x270FB  }
0x4c1: {  	s29 =	sadd.s32 $0x1, s21;
	s31 =	smov.u32 @p2 s24;
	s7 =	sand.u32 @!p2 $0x3FFF8, s4  }
0x4c2: {  	s0 =	sadd.s32 @!p2 $0x4298, s0;
	s4 =	sand.u32 @!p2 $0x7, s4;
	s7 =	sadd.s32 @!p2 s3, s7  }
.LBB2_14:
0x4c3: {  	s9 =	smov.u32 s31  }
0x4c4: {  	[tilespmem:s0], [sflag:$0x2] =	stream.linear.gather @!p2 [hbm4b:s7+s4], $0x28, $0x38;
	[tilespmem:$0x1F1D8] =	vst v63  }
0x4c5: {  	s28 =	sadd.s32 $0x1, s28;
	s0 =	smov.u32 s30;
	v1 =	vld.msk [tilespmem:s29+$0x0], $0x1  }
0x4c6: {  	p3 =	seq.s32 s28, $0x0;
	_ =	sdelay $0x3  }
0x4c7: {  	(v2sf) =	vpush v1, $0x0;
	_ =	sdelay $0xe  }
0x4c8: {  	s30 =	spop (v2sf)  }
0x4c9: {  	p2 =	seq.s32 s0, s30  }
0x4ca: {  	p4 =	sgt.s32 @!p2 s0, $0x0;
	s4 =	smul.u32 @!p2 $0xC0, s31;
	s31 =	sadd.s32 @!p2 $0x1, s31  }
.Ltmp14:
0x4cb: {  	p4 =	por !p4, p2;
	s31 =	smov.u32 @p2 s9;
	(pc) =	sbr.rel @!p3 .LBB2_14-.Ltmp14, $4  }
0x4cc: {  	s0 =	simm.s32 @p4 $0x0;
	s4 =	sshra.s32 @!p2 s4, $0x2  }
0x4cd: {  	s7 =	smin.u32 @!p2 s0, $0x270FB;
	s0 =	sadd.s32 @!p2 $0x4298, s4  }
0x4ce: {  	s9 =	sand.u32 @!p2 $0x3FFF8, s7;
	s4 =	sand.u32 @!p2 $0x7, s7  }
0x4cf: {  	s29 =	sadd.s32 $0x1, s29;
	s7 =	sadd.s32 @!p2 s3, s9  }
.LBB2_15:
0x4d0: {  	s9 =	smul.u32 $0xA0, s31  }
0x4d1: {  	[tilespmem:s0], [sflag:$0x2] =	stream.linear.gather @!p2 [hbm4b:s7+s4], $0x28, $0x38;
	[tilespmem:$0x1F1D8] =	vst v63  }
.Ltmp15:
0x4d2: {  	_ = 	snop;
	(pc) =	sbr.rel .LBB2_16-.Ltmp15, $4  }
0x4d3: {  	s31 =	simm.s32 $0x2;
	s30 =	sshrl.u32 s9, $0x2  }
0x4d4: {  	_ =	swait.ge [sflag:s31], s30  }
0x4d5: {  	s0 =	ssub.s32 $0x0, s30;
	[sflag:s31] =	ssyncset.done $0x0  }
0x4d6: {  	s29 =	simm.s32 $0x0;
	[sflag:s31] =	ssyncadd.s32 s0  }
.LBB2_17:
0x4d7: {  	v1 =	vld [tilespmem:s25+$0xFFFFFFF0];
	_ =	sdelay $0x4  }
0x4d8: {  	[tilespmem:s30+$0x68] =	vst.add.f32.msk $0xffff, v1  }
0x4d9: {  	v1 =	vld [tilespmem:s25+$0x0];
	_ =	sdelay $0x4  }
0x4da: {  	[tilespmem:s30+$0x78] =	vst.add.f32.msk $0xffff, v1  }
0x4db: {  	v1 =	vld.msk [tilespmem:s25+$0x10], $0xff;
	_ =	sdelay $0x4  }
0x4dc: {  	[tilespmem:s30+$0x88] =	vst.add.f32.msk $0xff, v1  }
.LBB2_21:
0x4dd: {  	s23 =	sadd.s32 $0x1, s23  }
0x4de: {  	p2 =	seq.s32 s23, $0x0  }
.Ltmp16:
0x4df: {  	_ = 	snop;
	(pc) =	sbr.rel @p2 .LBB2_22-.Ltmp16, $2  }
0x4e0: {  	_ =	sdelay $0x2  }
0x4e1: {  	s25 =	sadd.s32 $0x80, s25;
	s21 =	sadd.s32 $0x1, s21;
	s26 =	smov.u32 s28  }
.LBB2_16:
0x4e2: {  	v1 =	vld.msk [tilespmem:s21+$0x0], $0x1;
	_ =	sdelay $0x4  }
0x4e3: {  	(v2sf) =	vpush v1, $0x0;
	_ =	sdelay $0xe  }
0x4e4: {  	s28 =	spop (v2sf)  }
0x4e5: {  	p2 =	sne.s32 s26, s28  }
.Ltmp17:
0x4e6: {  	_ = 	snop;
	(pc) =	sbr.rel @!p2 .LBB2_17-.Ltmp17, $3  }
0x4e7: {  	_ = 	snop  }
0x4e8: {  	s0 =	smul.u32 $0xC0, s20;
	_ =	sdelay $0x1  }
0x4e9: {  	s30 =	sshra.s32 s0, $0x2  }
0x4ea: {  	p2 =	seq.s32 s26, s22  }
.Ltmp18:
0x4eb: {  	_ = 	snop;
	(pc) =	sbr.rel @!p2 .LBB2_19-.Ltmp18, $1  }
0x4ec: {  	_ =	sdelay $0x3  }
.Ltmp19:
0x4ed: {  	s0 =	sadd.s32 $0x68, s30;
	(pc) =	sbr.rel .LBB2_20-.Ltmp19, $4  }
0x4ee: {  	[spmem:s13] =	stream.linear.scatter [tilespmem:s0], [sflag:$0x1], $0x28, $0x38;
	[tilespmem:$0x1F1D8] =	vst v63  }
0x4ef: {  	_ =	swait.ge [sflag:s1], $0x28  }
0x4f0: {  	[sflag:s1] =	ssyncset.done $0x0  }
0x4f1: {  	[sflag:s1] =	ssyncadd.s32 $0xFFFFFFD8  }
.LBB2_19:
0x4f2: {  	s0 =	smul.u32 $0xC0, s24;
	_ =	sdelay $0x1  }
0x4f3: {  	s0 =	sshra.s32 s0, $0x2  }
0x4f4: {  	v1 =	vld [tilespmem:s0+$0x4298];
	_ =	sdelay $0x4  }
0x4f5: {  	[tilespmem:s30+$0x68] =	vst.add.f32.msk $0xffff, v1  }
0x4f6: {  	v1 =	vld [tilespmem:s0+$0x42A8];
	_ =	sdelay $0x4  }
0x4f7: {  	[tilespmem:s30+$0x78] =	vst.add.f32.msk $0xffff, v1  }
0x4f8: {  	v1 =	vld.msk [tilespmem:s0+$0x42B8], $0xff;
	_ =	sdelay $0x2  }
0x4f9: {  	p2 =	sgt.u32 s26, $0x270FB  }
0x4fa: {  	s0 =	sand.u32 @!p2 $0x3FFF8, s26  }
0x4fb: {  	s4 =	sadd.s32 $0x68, s30;
	s7 =	sand.u32 @!p2 $0x7, s26;
	s0 =	sadd.s32 @!p2 s3, s0;
	[tilespmem:s30+$0x88] =	vst.add.f32.msk $0xff, v1  }
0x4fc: {  	[hbm4b:s0+s7] =	stream.linear.scatter @!p2 [tilespmem:s4], [sflag:$0xA], $0x28, $0x38;
	[tilespmem:$0x1F1D8] =	vst v63  }
0x4fd: {  	s0 =	simm.s32 $0x0  }
0x4fe: {  	s0 =	simm.s32 @!p2 $0xA0  }
0x4ff: {  	s29 =	sadd.s32 s0, s29  }
.LBB2_20:
0x500: {  	s0 =	sadd.s32 $0x1, s20  }
0x501: {  	s4 =	smulhi.u32 $0xBA2E8BA3, s0;
	_ =	sdelay $0x1  }
0x502: {  	s4 =	sshrl.u32 s4, $0x8  }
0x503: {  	s4 =	smul.u32 $0x160, s4  }
0x504: {  	v1 =	vld [tilespmem:s25+$0xFFFFFFF0]  }
0x505: {  	s20 =	ssub.s32 s0, s4  }
0x506: {  	s0 =	smul.u32 $0xC0, s20;
	_ =	sdelay $0x1  }
0x507: {  	s0 =	sshrl.u32 s0, $0x2  }
0x508: {  	[tilespmem:s0+$0x68] =	vst v1  }
0x509: {  	v1 =	vld [tilespmem:s25+$0x0];
	_ =	sdelay $0x4  }
0x50a: {  	[tilespmem:s0+$0x78] =	vst v1  }
0x50b: {  	v1 =	vld.msk [tilespmem:s25+$0x10], $0xff  }
.Ltmp20:
0x50c: {  	_ = 	snop;
	(pc) =	sbr.rel .LBB2_21-.Ltmp20, $2  }
0x50d: {  	_ =	sdelay $0x2  }
0x50e: {  	s24 =	sadd.s32 $0x1, s24;
	[tilespmem:s0+$0x88] =	vst.msk $0xff, v1  }
.LBB2_23:
.Ltmp21:
0x50f: {  	(pc) =	sbr.rel .LBB2_24-.Ltmp21, $4  }
0x510: {  	_ = 	snop  }
0x511: {  	s0 =	simm.s32 $0x2  }
0x512: {  	_ =	swait.ge [sflag:s0], $0x0  }
0x513: {  	s28 =	smov.u32 s26;
	[sflag:s0] =	ssyncset.done $0x0;
	s0 =	simm.s32 $0x0  }
.LBB2_26:
0x514: {  	_ =	sfence.sel $0x180000  }
0x515: {  	s0 =	simm.s32 $0x7;
	[bflag:$0x0] =	sbarrier.arrive $0xFFFF  }
0x516: {  	s25 =	simm.s32 $0x8;
	[sflag:s0] =	ssyncpa.u1 $0x1  }
0x517: {  	s26 =	simm.s32 $0x9;
	[sflag:s25] =	ssyncpa.u1 $0x1  }
0x518: {  	s28 =	simm.s32 $0x2;
	[sflag:s26] =	ssyncpa.u1 $0x1  }
0x519: {  	[sflag:s28] =	ssyncpa.u1 $0x1  }
0x51a: {  	v0 =	vld [tilespmem:$0x84C8];
	_ =	sdelay $0x4  }
0x51b: {  	(v2sf) =	vpush v0, $0x0  }
0x51c: {  	(v2sf) =	vpush v0, $0x1  }
0x51d: {  	(v2sf) =	vpush v0, $0x2;
	_ =	sdelay $0xc  }
0x51e: {  	s0 =	spop (v2sf)  }
0x51f: {  	s1 =	spop (v2sf)  }
0x520: {  	s2 =	smov.u32 s0;
	p0 =	sne.s32 s0, s1;
	s4 =	spop (v2sf)  }
0x521: {  	s2 =	simm.s32 @!p0 $0xFFFFFFFF;
	p0 =	seq.s32 s4, $0xFFFFFFFF  }
0x522: {  	v2 =	vimm.s32 $0x1;
	v3 =	vlaneseq.u32;
	v1 =	vmov s2;
	p1 =	sne.s32 @!p0 s0, s1  }
0x523: {  	s7 =	stileid.u32;
	v0 =	vperm.xlane v0, v2;
	s0 =	simm.s32 @!p0 $0x1;
	v1 =	vperm.xlane v1, v3;
	p1 =	por !p1, p0  }
0x524: {  	vm0 =	vcmask $0x3F04;
	s2 =	sshll.u32 s7, $0x1;
	s1 =	smul.u32 @!p0 $0xC0, s4;
	s0 =	simm.s32 @p1 $0x0  }
0x525: {  	s6 =	simm.s32 $0x84C8;
	v0 =	vsel vm0, v1, v0;
	s0 =	sor.u32 @!p0 s0, s2  }
0x526: {  	s5 =	sor.u32 $0x600, s2;
	s1 =	sshra.s32 @!p0 s1, $0x2;
	[tilespmem:$0x84C8] =	vst v0;
	s0 =	smul.u32 @!p0 $0xC0, s0  }
0x527: {  	[spmem:s5] =	stream.linear.scatter [tilespmem:s6], [sflag:$0x1], $0x2, $0x38;
	[tilespmem:$0x1F1D8] =	vst v63  }
0x528: {  	s1 =	sadd.s32 @!p0 $0x68, s1;
	s0 =	sshrl.u32 @!p0 s0, $0x2  }
0x529: {  	[spmem:s0] =	stream.linear.scatter @!p0 [tilespmem:s1], [sflag:$0x1], $0x30, $0x38;
	[tilespmem:$0x1F1D8] =	vst v63  }
0x52a: {  	s1 =	simm.s32 @!p0 $0x32  }
0x52b: {  	s0 =	simm.s32 $0x1;
	s1 =	simm.s32 @p0 $0x2  }
0x52c: {  	_ =	swait.ge [sflag:s0], s1  }
0x52d: {  	s1 =	ssub.s32 $0x0, s1;
	[sflag:s0] =	ssyncset.done $0x0  }
0x52e: {  	[sflag:s0] =	ssyncadd.s32 s1  }
0x52f: {  	_ =	sfence.stream.spmem  }
0x530: {  	s29 =	simm.s32 $0x3;
	[bflag:$0x0] =	sbarrier.arrive $0xFFFF  }
0x531: {  	s30 =	simm.s32 $0x4;
	[sflag:s29] =	ssyncpa.u1 $0x1  }
0x532: {  	s31 =	simm.s32 $0x3C;
	[sflag:s30] =	ssyncpa.u1 $0x1  }
0x533: {  	p0 =	sne.s32 s7, $0x0;
	[sflag:s31] =	ssyncpa.u1 $0x1  }
0x534: {  	_ =	sfence @p0  }
0x535: {  	[sflag:s0] =	ssyncpa.u1 @p0 $0x1  }
0x536: {  	_ =	strace @p0 $0x90000053  }
0x537: {  	[bflag:$0x2] =	sbarrier.arrive @p0 $0xFFFF  }
0x538: {  	_ =	shalt @p0  }
.LBB2_27:
0x539: {  	_ =	sfence.stream.spmem;
	s0 =	simm.s32 $0x5  }
0x53a: {  	s1 =	simm.s32 $0x600;
	s2 =	simm.s32 $0x84D8;
	[sflag:s0] =	ssyncpa.u1 $0x0  }
0x53b: {  	[tilespmem:s2], [sflag:$0x5] =	stream.linear.gather [spmem:s1], $0x20, $0x38;
	[tilespmem:$0x1F1D8] =	vst v63  }
0x53c: {  	s30 =	simm.s32 $0x84F8;
	s1 =	simm.s32 $0x0  }
0x53d: {  	[tilespmem:s30], [sflag:$0x5] =	stream.linear.gather [spmem:s1], $0x600, $0x38;
	[tilespmem:$0x1F1D8] =	vst v63  }
.Ltmp22:
0x53e: {  	_ = 	snop;
	(pc) =	sbr.rel .LBB2_28-.Ltmp22, $4  }
0x53f: {  	_ =	swait.ge [sflag:s0], $0x620  }
0x540: {  	[sflag:s0] =	ssyncset.done $0x0  }
0x541: {  	s31 =	simm.s32 $0x6;
	[sflag:s0] =	ssyncadd.s32 $0xFFFFF9E0  }
0x542: {  	s2 =	simm.s32 $0x0;
	[sflag:s31] =	ssyncpa.u1 $0x0  }
.LBB2_34:
0x543: {  	p0 =	slt.u32 s4, $0x270FC  }
0x544: {  	s0 =	sand.u32 @p0 $0x3FFF8, s4  }
0x545: {  	s4 =	sand.u32 @p0 $0x7, s4;
	s5 =	simm.s32 @p0 $0x8498;
	s0 =	sadd.s32 @p0 s3, s0  }
0x546: {  	[tilespmem:s5], [sflag:$0x6] =	stream.linear.gather @p0 [hbm4b:s0+s4], $0x28, $0x38;
	[tilespmem:$0x1F1D8] =	vst v63  }
0x547: {  	s0 =	simm.s32 @p0 $0x6  }
0x548: {  	_ =	swait.ge @p0 [sflag:s0], $0x28  }
0x549: {  	[sflag:s0] =	ssyncset.done @p0 $0x0  }
0x54a: {  	[sflag:s0] =	ssyncadd.s32 @p0 $0xFFFFFFD8  }
0x54b: {  	v1 =	vld @p0 [tilespmem:$0x8498];
	_ =	sdelay $0x1  }
0x54c: {  	s0 =	smul.u32 @p0 $0xC0, s2;
	_ =	sdelay $0x1  }
0x54d: {  	s4 =	sshra.s32 @p0 s0, $0x2  }
0x54e: {  	[tilespmem:s4+$0x84F8] =	vst.add.f32.msk @p0 $0xffff, v1  }
0x54f: {  	v1 =	vld @p0 [tilespmem:$0x84A8];
	_ =	sdelay $0x4  }
0x550: {  	[tilespmem:s4+$0x8508] =	vst.add.f32.msk @p0 $0xffff, v1  }
0x551: {  	v1 =	vld @p0 [tilespmem:$0x84B8];
	_ =	sdelay $0x2  }
0x552: {  	s5 =	smul.u32 @!p0 $0xC0, s2;
	_ =	sdelay $0x1  }
0x553: {  	s5 =	smov.u32 @p0 s0;
	[tilespmem:s4+$0x8518] =	vst.add.f32.msk @p0 $0xffff, v1  }
0x554: {  	s0 =	sshra.s32 s5, $0x2;
	[tilespmem:s1+$0x84D8] =	vst.msk $0x1, v0  }
0x555: {  	v0 =	vld [tilespmem:s0+$0x84F8];
	_ =	sdelay $0x1  }
0x556: {  	s31 =	smul.u32 $0xC0, s1;
	_ =	sdelay $0x1  }
0x557: {  	s4 =	sshra.s32 s31, $0x2  }
0x558: {  	[tilespmem:s4+$0x84F8] =	vst v0  }
0x559: {  	v0 =	vld [tilespmem:s0+$0x8508];
	_ =	sdelay $0x4  }
0x55a: {  	[tilespmem:s4+$0x8508] =	vst v0  }
0x55b: {  	v0 =	vld [tilespmem:s0+$0x8518];
	_ =	sdelay $0x4  }
0x55c: {  	s1 =	sadd.s32 $0x1, s1;
	[tilespmem:s4+$0x8518] =	vst v0  }
.LBB2_35:
0x55d: {  	s2 =	sadd.s32 $0x1, s2  }
0x55e: {  	p0 =	sne.s32 s2, $0x20  }
.Ltmp23:
0x55f: {  	_ = 	snop;
	(pc) =	sbr.rel @!p0 .LBB2_36-.Ltmp23, $1  }
0x560: {  	_ =	sdelay $0x3  }
.LBB2_28:
0x561: {  	v0 =	vld.msk [tilespmem:s2+$0x84D8], $0x1;
	_ =	sdelay $0x4  }
0x562: {  	(v2sf) =	vpush v0, $0x0;
	_ =	sdelay $0xe  }
0x563: {  	s4 =	spop (v2sf)  }
0x564: {  	p0 =	seq.s32 s4, $0xFFFFFFFF  }
.Ltmp24:
0x565: {  	_ = 	snop;
	(pc) =	sbr.rel @p0 .LBB2_35-.Ltmp24, $1  }
0x566: {  	_ =	sdelay $0x3  }
0x567: {  	p0 =	slt.s32 s1, $0x1  }
.Ltmp25:
0x568: {  	_ = 	snop;
	(pc) =	sbr.rel @p0 .LBB2_34-.Ltmp25, $1  }
0x569: {  	_ =	sdelay $0x3  }
0x56a: {  	s5 =	simm.s32 $0x84D8;
	p0 =	por $0x0, $0x0  }
0x56b: {  	v1 =	vld.msk @!p0 [tilespmem:s5+$0x0], $0x1;
	_ =	sdelay $0x4  }
0x56c: {  	(v2sf) =	vpush @!p0 v1, $0x0;
	_ =	sdelay $0xd  }
0x56d: {  	p2 =	sne.s32 s1, $0x1  }
.Ltmp26:
0x56e: {  	s0 =	spop @!p0 (v2sf);
	(pc) =	sbr.rel @!p2 .LBB2_32-.Ltmp26, $4  }
0x56f: {  	p1 =	seq.s32 @!p0 s4, s0  }
0x570: {  	s6 =	simm.s32 $0x0;
	p1 =	por !p1, p0  }
0x571: {  	s0 =	simm.s32 $0xFFFFFFFF;
	s6 =	simm.s32 @p1 $0xFFFFFFFF  }
0x572: {  	s7 =	simm.s32 $0x1;
	s6 =	smov.u32 @p0 s0  }
.LBB2_31:
0x573: {  	s0 =	smov.u32 s6;
	p0 =	sne.s32 s6, $0xFFFFFFFF  }
0x574: {  	s5 =	sadd.s32 $0x1, s5;
	s6 =	smov.u32 s7;
	s7 =	sadd.s32 $0x1, s7  }
0x575: {  	p1 =	sne.s32 s1, s7;
	v1 =	vld.msk @!p0 [tilespmem:s5+$0x0], $0x1;
	_ =	sdelay $0x4  }
0x576: {  	(v2sf) =	vpush @!p0 v1, $0x0;
	_ =	sdelay $0xe  }
.Ltmp27:
0x577: {  	s8 =	spop @!p0 (v2sf);
	(pc) =	sbr.rel @p1 .LBB2_31-.Ltmp27, $4  }
0x578: {  	p2 =	seq.s32 @!p0 s4, s8  }
0x579: {  	p2 =	por !p2, p0  }
0x57a: {  	s6 =	simm.s32 @p2 $0xFFFFFFFF  }
0x57b: {  	s6 =	smov.u32 @p0 s0  }
.LBB2_32:
0x57c: {  	p0 =	seq.s32 s6, $0xFFFFFFFF  }
.Ltmp28:
0x57d: {  	_ = 	snop;
	(pc) =	sbr.rel @p0 .LBB2_34-.Ltmp28, $1  }
0x57e: {  	_ =	sdelay $0x3  }
0x57f: {  	s0 =	smul.u32 $0xC0, s2;
	_ =	sdelay $0x1  }
0x580: {  	s0 =	sshra.s32 s0, $0x2  }
0x581: {  	v0 =	vld [tilespmem:s0+$0x84F8];
	_ =	sdelay $0x1  }
0x582: {  	s4 =	smul.u32 $0xC0, s6;
	_ =	sdelay $0x1  }
0x583: {  	s4 =	sshra.s32 s4, $0x2  }
0x584: {  	[tilespmem:s4+$0x84F8] =	vst.add.f32.msk $0xffff, v0  }
0x585: {  	v0 =	vld [tilespmem:s0+$0x8508];
	_ =	sdelay $0x4  }
0x586: {  	[tilespmem:s4+$0x8508] =	vst.add.f32.msk $0xffff, v0  }
0x587: {  	v0 =	vld [tilespmem:s0+$0x8518]  }
.Ltmp29:
0x588: {  	_ = 	snop;
	(pc) =	sbr.rel .LBB2_35-.Ltmp29, $2  }
0x589: {  	_ =	sdelay $0x2  }
0x58a: {  	[tilespmem:s4+$0x8518] =	vst.add.f32.msk $0xffff, v0  }
.LBB2_36:
0x58b: {  	p0 =	slt.s32 s1, $0x1  }
.Ltmp30:
0x58c: {  	_ = 	snop;
	(pc) =	sbr.rel @p0 .LBB2_40-.Ltmp30, $3  }
0x58d: {  	_ =	sdelay $0x1  }
0x58e: {  	s0 =	simm.s32 $0x6  }
0x58f: {  	s2 =	simm.s32 $0x0;
	[sflag:s0] =	ssyncpa.u1 $0x1  }
0x590: {  	s0 =	simm.s32 $0x84D8  }
0x591: {  	v0 =	vld.msk [tilespmem:s0+$0x0], $0x1;
	_ =	sdelay $0x4  }
0x592: {  	(v2sf) =	vpush v0, $0x0;
	_ =	sdelay $0xd  }
0x593: {  	s1 =	sadd.s32 $0xFFFFFFFF, s1  }
0x594: {  	p1 =	sne.s32 s1, $0x0;
	s0 =	spop (v2sf)  }
.Ltmp31:
0x595: {  	p0 =	sgt.u32 s0, $0x270FB;
	(pc) =	sbr.rel @!p1 .LBB2_39-.Ltmp31, $4  }
0x596: {  	s4 =	simm.s32 $0x84F8;
	s5 =	sand.u32 @!p0 $0x3FFF8, s0  }
0x597: {  	s6 =	simm.s32 $0x0;
	s0 =	sand.u32 @!p0 $0x7, s0;
	s5 =	sadd.s32 @!p0 s3, s5  }
0x598: {  	[hbm4b:s5+s0] =	stream.linear.scatter @!p0 [tilespmem:s4], [sflag:$0x5], $0x28, $0x38;
	[tilespmem:$0x1F1D8] =	vst v63  }
0x599: {  	s6 =	simm.s32 @!p0 $0xA0;
	s5 =	simm.s32 $0x84D9  }
.LBB2_38:
0x59a: {  	v0 =	vld.msk [tilespmem:s5+$0x0], $0x1;
	s1 =	sadd.s32 $0xFFFFFFFF, s1;
	s2 =	sadd.s32 s2, s6  }
0x59b: {  	p0 =	sne.s32 s1, $0x0;
	_ =	sdelay $0x3  }
0x59c: {  	(v2sf) =	vpush v0, $0x0;
	_ =	sdelay $0xe  }
.Ltmp32:
0x59d: {  	s0 =	spop (v2sf);
	(pc) =	sbr.rel @p0 .LBB2_38-.Ltmp32, $4  }
0x59e: {  	s6 =	simm.s32 $0x0;
	p1 =	sgt.u32 s0, $0x270FB  }
0x59f: {  	s4 =	sadd.s32 $0x30, s4;
	s6 =	simm.s32 @!p1 $0xA0;
	s7 =	sand.u32 @!p1 $0x3FFF8, s0  }
0x5a0: {  	s5 =	sadd.s32 $0x1, s5;
	s0 =	sand.u32 @!p1 $0x7, s0;
	s7 =	sadd.s32 @!p1 s3, s7  }
0x5a1: {  	[hbm4b:s7+s0] =	stream.linear.scatter @!p1 [tilespmem:s4], [sflag:$0x5], $0x28, $0x38;
	[tilespmem:$0x1F1D8] =	vst v63  }
.LBB2_39:
0x5a2: {  	s0 =	sadd.s32 s2, s6  }
0x5a3: {  	s2 =	sshrl.u32 s0, $0x2  }
.LBB2_40:
0x5a4: {  	s0 =	simm.s32 $0x5  }
0x5a5: {  	_ =	swait.ge [sflag:s0], s2  }
0x5a6: {  	s1 =	ssub.s32 $0x0, s2;
	[sflag:s0] =	ssyncset.done $0x0  }
0x5a7: {  	[sflag:s0] =	ssyncadd.s32 s1  }
0x5a8: {  	[sflag:s0] =	ssyncpa.u1 $0x1  }
0x5a9: {  	s30 =	simm.s32 $0x1;
	_ =	sfence  }
0x5aa: {  	[sflag:s30] =	ssyncpa.u1 $0x1  }
0x5ab: {  	_ =	strace $0x90000053  }
0x5ac: {  	[bflag:$0x2] =	sbarrier.arrive $0xFFFF  }
0x5ad: {  	s31 =	rddreg [dreg:$0x1]  }
0x5ae: {  	s0 =	sadd.s32 $0x100000, s31  }
0x5af: {  	[sflag:s0] =	ssyncadd.tile.s32 $0x1;
	_ =	shalt  }
.Lfunc_end2:
_tile_overlayer_lowered:
.L_overlay_start_2:
0x5b0: {  	(tag) =	ssettag $0x2  }
0x5b1: {  	s0 =	rddreg [dreg:$0x0];
	s2 =	stileid.u32  }
0x5b2: {  	s1 =	rddreg [dreg:$0x1];
	p0 =	sne.s32 s2, $0x0  }
0x5b3: {  	s3 =	rddreg [dreg:$0x2];
	[bflag:$0x3] =	sbarrier.arrive $0xFFFF;
	s2 =	simm.s32 @!p0 $0x1C01  }
0x5b4: {  	[timem:s3], [sflag:s2] =	dma.local @!p0 [hbm:s0], s1  }
0x5b5: {  	s0 =	simm.s32 @!p0 $0x1  }
0x5b6: {  	_ =	swait.ge @!p0 [sflag:s0], s1  }
0x5b7: {  	s1 =	ssub.s32 @!p0 $0x0, s1;
	[sflag:s0] =	ssyncset.done @!p0 $0x0  }
0x5b8: {  	[sflag:s0] =	ssyncadd.s32 @!p0 s1  }
0x5b9: {  	[bflag:$0x3] =	sbarrier.arrive $0xFFFF  }
0x5ba: {  	_ =	shalt  }

// kernel: scatter_offload_async_start
scs
__scs_entry_jumppad:
0x0: {  	(pc) =	sbr.rel $0x88, $3  }
0x1: {  	(tag) =	ssettag $0x0;
	lr =	simm.s32 $0x1  }
0x2: {  	[smem:$0x3F97] =	sst lr;
	_ =	strace $0xD0000000  }
0x3: {  	_ = 	snop  }
0x4: {  	_ = 	snop  }
0x5: {  	_ = 	snop  }
0x6: {  	_ = 	snop  }
0x7: {  	_ = 	snop  }
__scs_overlays_trampoline_lowered:
0x8: {  	[smem:$0x3FA6] =	sst s0  }
0x9: {  	[smem:$0x3FA7] =	sst s1  }
0xa: {  	[smem:$0x3FA8] =	sst s2  }
0xb: {  	[smem:$0x3FA9] =	sst s3  }
0xc: {  	[smem:$0x3FAA] =	sst s4  }
0xd: {  	[smem:$0x3FAB] =	sst s5  }
0xe: {  	[smem:$0x3FAC] =	sst s6  }
0xf: {  	[smem:$0x3FAD] =	sst s7  }
0x10: {  	[smem:$0x3FAE] =	sst s8  }
0x11: {  	[smem:$0x3FAF] =	sst s9;
	s0 =	simm.s32 @!p0 $0x0  }
0x12: {  	s1 =	sld [smem:$0x3F95];
	s0 =	simm.s32 @p0 $0x1  }
0x13: {  	[smem:$0x3FB0] =	sst s0;
	s0 =	simm.s32 @!p1 $0x0  }
0x14: {  	s2 =	sld [smem:$0x3F94];
	s0 =	simm.s32 @p1 $0x1  }
0x15: {  	[smem:$0x3FB1] =	sst s0;
	s0 =	simm.s32 @!p2 $0x0  }
0x16: {  	s3 =	sld [smem:$0x3FDB];
	s0 =	simm.s32 @p2 $0x1  }
0x17: {  	s4 =	simm.s32 $0x1BF5;
	[smem:$0x3FB3] =	sst s0  }
0x18: {  	s0 =	sld [smem:$0x3F96];
	_ =	swait.ge [sflag:s4], $0x0  }
0x19: {  	s7 =	sld [smem:$0x3F97]  }
0x1a: {  	s8 =	sadd.s32 $0xFFFFE003, lr  }
0x1b: {  	s9 =	sadd.s32 $0xFFFFFEF7, lr;
	s5 =	simm.s32 $0xFFFFFFFF;
	p2 =	slt.u32 s8, $0xFFFFF086  }
0x1c: {  	p1 =	slt.u32 s9, $0xF7A;
	s5 =	simm.s32 @!p2 $0x0  }
0x1d: {  	s5 =	simm.s32 @p1 $0x1;
	p0 =	seq.s32 s7, s2  }
0x1e: {  	s7 =	smul.u32 @!p0 $0xF7A, s2;
	p2 =	seq.s32 @!p0 s5, $0x0  }
0x1f: {  	s9 =	smul.u32 $0xF7A, s1;
	s8 =	simm.s32 @!p0 $0x1BF5;
	p2 =	por !p2, p0  }
0x20: {  	[sflag:s8] =	ssyncset.s32 @!p0 $0xFFFFF086;
	s6 =	sadd.s32 @!p0 s3, s7;
	s7 =	simm.s32 @!p0 $0x108  }
0x21: {  	s3 =	sadd.s32 s3, s9;
	s6 =	sadd.s32 @!p0 $0x88, s6;
	s7 =	simm.s32 @p2 $0x1082  }
0x22: {  	[simem:s7], [sflag:s8] =	dma.local @!p0 [hbm:s6], $0xF7A  }
0x23: {  	s9 =	sor.u32 $0xD0000000, s2;
	s6 =	simm.s32 $0x108;
	_ =	swait.ge @!p0 [sflag:s8], $0x0  }
0x24: {  	s3 =	sadd.s32 $0x88, s3;
	s6 =	simm.s32 @!p1 $0x1082;
	[sflag:s4] =	ssyncset.s32 $0xFFFFF086  }
0x25: {  	[simem:s6], [sflag:s4] =	dma.local [hbm:s3], $0xF7A  }
0x26: {  	[smem:$0x3F97] =	sst s1;
	(tag) =	ssettag s2;
	_ =	strace s9  }
0x27: {  	s1 =	sld [smem:$0x3FA7]  }
0x28: {  	s2 =	sld [smem:$0x3FA8]  }
0x29: {  	s4 =	sld [smem:$0x3FAA]  }
0x2a: {  	p0 =	seq.s32 s5, $0x0;
	s5 =	sld [smem:$0x3FAB]  }
0x2b: {  	s6 =	sld [smem:$0x3FAC]  }
0x2c: {  	s7 =	sld [smem:$0x3FAD]  }
0x2d: {  	s3 =	simm.s32 $0x108;
	s8 =	sld [smem:$0x3FAE]  }
0x2e: {  	s3 =	simm.s32 @!p0 $0x1082;
	s9 =	sld [smem:$0x3FAF]  }
0x2f: {  	lr =	sadd.s32 s0, s3;
	s0 =	sld [smem:$0x3FA6]  }
0x30: {  	s3 =	sld [smem:$0x3FA9]  }
0x31: {  	[smem:$0x3FB2] =	sst s10  }
0x32: {  	s10 =	sld [smem:$0x3FB0];
	_ =	sdelay $0x3  }
0x33: {  	p0 =	seq.s32 s10, $0x1;
	s10 =	sld [smem:$0x3FB2];
	_ =	sdelay $0x3  }
0x34: {  	[smem:$0x3FB2] =	sst s10  }
0x35: {  	s10 =	sld [smem:$0x3FB1];
	_ =	sdelay $0x3  }
0x36: {  	p1 =	seq.s32 s10, $0x1;
	s10 =	sld [smem:$0x3FB2];
	_ =	sdelay $0x3  }
0x37: {  	[smem:$0x3FB2] =	sst s10  }
0x38: {  	s10 =	sld [smem:$0x3FB3]  }
0x39: {  	_ = 	snop;
	(pc) =	sbr.ind lr, $3  }
0x3a: {  	_ = 	snop  }
0x3b: {  	_ = 	snop  }
0x3c: {  	p2 =	seq.s32 s10, $0x1;
	s10 =	sld [smem:$0x3FB2]  }
0x3d: {  	_ =	shalt  }
0x3e: {  	_ =	shalt  }
0x3f: {  	_ =	shalt  }
0x40: {  	_ =	shalt  }
0x41: {  	_ =	shalt  }
0x42: {  	_ =	shalt  }
0x43: {  	_ =	shalt  }
0x44: {  	_ =	shalt  }
0x45: {  	_ =	shalt  }
0x46: {  	_ =	shalt  }
0x47: {  	_ =	shalt  }
0x48: {  	_ =	shalt  }
0x49: {  	_ =	shalt  }
0x4a: {  	_ =	shalt  }
0x4b: {  	_ =	shalt  }
0x4c: {  	_ =	shalt  }
0x4d: {  	_ =	shalt  }
0x4e: {  	_ =	shalt  }
0x4f: {  	_ =	shalt  }
0x50: {  	_ =	shalt  }
0x51: {  	_ =	shalt  }
0x52: {  	_ =	shalt  }
0x53: {  	_ =	shalt  }
0x54: {  	_ =	shalt  }
0x55: {  	_ =	shalt  }
0x56: {  	_ =	shalt  }
0x57: {  	_ =	shalt  }
0x58: {  	_ =	shalt  }
0x59: {  	_ =	shalt  }
0x5a: {  	_ =	shalt  }
0x5b: {  	_ =	shalt  }
0x5c: {  	_ =	shalt  }
0x5d: {  	_ =	shalt  }
0x5e: {  	_ =	shalt  }
0x5f: {  	_ =	shalt  }
0x60: {  	_ =	shalt  }
0x61: {  	_ =	shalt  }
0x62: {  	_ =	shalt  }
0x63: {  	_ =	shalt  }
0x64: {  	_ =	shalt  }
0x65: {  	_ =	shalt  }
0x66: {  	_ =	shalt  }
0x67: {  	_ =	shalt  }
0x68: {  	_ =	shalt  }
0x69: {  	_ =	shalt  }
0x6a: {  	_ =	shalt  }
0x6b: {  	_ =	shalt  }
0x6c: {  	_ =	shalt  }
0x6d: {  	_ =	shalt  }
0x6e: {  	_ =	shalt  }
0x6f: {  	_ =	shalt  }
0x70: {  	_ =	shalt  }
0x71: {  	_ =	shalt  }
0x72: {  	_ =	shalt  }
0x73: {  	_ =	shalt  }
0x74: {  	_ =	shalt  }
0x75: {  	_ =	shalt  }
0x76: {  	_ =	shalt  }
0x77: {  	_ =	shalt  }
0x78: {  	_ =	shalt  }
0x79: {  	_ =	shalt  }
0x7a: {  	_ =	shalt  }
0x7b: {  	_ =	shalt  }
0x7c: {  	_ =	shalt  }
0x7d: {  	_ =	shalt  }
0x7e: {  	_ =	shalt  }
0x7f: {  	_ =	shalt  }
0x80: {  	_ =	shalt  }
0x81: {  	_ =	shalt  }
0x82: {  	_ =	shalt  }
0x83: {  	_ =	shalt  }
0x84: {  	_ =	shalt  }
0x85: {  	_ =	shalt  }
0x86: {  	_ =	shalt  }
0x87: {  	_ =	shalt  }
.Lfunc_end0:
.L_simem_size_0:
called_computation_lowered:
.L_overlay_start_0:
0x88: {  	s0 =	sld [smem:$0x3FD9]  }
0x89: {  	s1 =	sld [smem:$0x3FFE];
	_ =	sdelay $0x3  }
0x8a: {  	s0 =	sadd.s32 s1, s0  }
0x8b: {  	[smem:$0x3FBE] =	sst s0  }
0x8c: {  	_ = 	snop  }
0x8d: {  	(tm) =	ssettm $0x1  }
0x8e: {  	s15 =	sld [smem:$0x3FFB];
	_ =	sdelay $0x3  }
0x8f: {  	_ =	strace s15  }
0x90: {  	s0 =	sld [smem:$0x3FFC];
	_ =	sdelay $0x3  }
0x91: {  	_ =	strace s0  }
0x92: {  	s0 =	sld [smem:$0x3FFD];
	_ =	sdelay $0x3  }
0x93: {  	_ =	strace s0  }
0x94: {  	_ =	strace $0x8FFFFFFF  }
0x95: {  	s16 =	sld [smem:$0x3FDB];
	_ =	sdelay $0x1  }
0x96: {  	s17 =	simm.s32 $_scs_section_size  }
0x97: {  	s2 =	simm.s32 $_size__tile_overlayer_lowered;
	s3 =	simm.s32 $_tile_overlayer_lowered  }
0x98: {  	s20 =	simm.s32 $0x1BFF;
	s19 =	sshll.u32 s3, $0x1;
	s0 =	sadd.s32 s17, s16  }
0x99: {  	s4 =	simm.s32 $0x0;
	s18 =	sshll.u32 s2, $0x1;
	s2 =	sadd.s32 s19, s0  }
0x9a: {  	[timem:s4], [sflag:s20] =	dma.local [hbm:s2], s18  }
0x9b: {  	_ =	swait.ge [sflag:s20], s18  }
0x9c: {  	s1 =	ssub.s32 $0x0, s18;
	[sflag:s20] =	ssyncset.done $0x0  }
0x9d: {  	[sflag:s20] =	ssyncadd.s32 s1;
	_ =	sdelay $0x1  }
0x9e: {  	s21 =	simm.s32 $0x1B8B  }
0x9f: {  	_ =	swait.ge [sflag:s21], $0x1  }
0xa0: {  	[sflag:s21] =	ssyncset.done $0x0  }
0xa1: {  	s23 =	simm.s32 $0x1B8E;
	s22 =	sld [smem:$0x3FFE];
	[sflag:s21] =	ssyncadd.s32 $0xFFFFFFFF  }
0xa2: {  	s24 =	simm.s32 $execute0_lowered;
	[smem:$0x3FD2] =	sst s23  }
0xa3: {  	s2 =	sshll.u32 s24, $0x1;
	_ =	strace $0x80000049;
	[dreg:$0x1] =	wrdreg $0xFFFFFFFF  }
0xa4: {  	s25 =	simm.s32 $_size_execute0_lowered;
	s0 =	sadd.s32 s0, s2;
	[dreg:$0x0] =	wrdreg $0x0  }
0xa5: {  	s2 =	sshll.u32 s25, $0x1;
	[dreg:$0x2] =	wrdreg s0  }
0xa6: {  	[dreg:$0x3] =	wrdreg s2  }
0xa7: {  	[dreg:$0x4] =	wrdreg $0xC0  }
0xa8: {  	_ =	task [dreg:s4], $0x5FFFF  }
0xa9: {  	[dreg:$0x1] =	wrdreg $0xFFFFFFFF  }
0xaa: {  	[dreg:$0x0] =	wrdreg $0x60  }
0xab: {  	[dreg:$0x2] =	wrdreg s22  }
0xac: {  	[dreg:$0x3] =	wrdreg $0x9  }
0xad: {  	_ =	task.clear_ibuf [dreg:s4], $0x4FFFF;
	_ =	strace $0x90000049  }
0xae: {  	s26 =	simm.s32 $0x9;
	_ =	strace $0x8000004B  }
0xaf: {  	_ =	swait.ge [sflag:s26], $0x1  }
0xb0: {  	[sflag:s26] =	ssyncadd.s32 $0xFFFFFFFF  }
0xb1: {  	_ =	strace $0x9000004B  }
0xb2: {  	_ =	sfence  }
0xb3: {  	s28 =	sld [smem:$0x0];
	_ =	sdelay $0x1  }
0xb4: {  	s29 =	srdreg.scid  }
0xb5: {  	s30 =	sshll.u32 s29, $0xD;
	s31 =	sshrl.u32 s29, $0x2  }
0xb6: {  	s1 =	sand.u32 $0x1, s29;
	s2 =	sand.u32 $0x4000, s30;
	s0 =	sadd.s32 s31, s28  }
0xb7: {  	s1 =	sor.u32 s2, s1;
	s0 =	sshll.u32 s0, $0x11  }
0xb8: {  	s0 =	sor.u32 s0, s1  }
0xb9: {  	s0 =	sadd.s32 $0x8F2B, s0  }
0xba: {  	[sflag:s0] =	ssyncadd.remote.s32 $0x1  }
0xbb: {  	_ =	sfence.sel $0xFFFF  }
0xbc: {  	[dreg:$0x0] =	wrdreg $0xFFFFFFFF;
	(pc) =	sbr.abs _section_cstart, $3  }
0xbd: {  	[dreg:$0x1] =	wrdreg $0xFFFFFFFF  }
0xbe: {  	_ =	task.clear_ibuf [dreg:s4], $0x2FFFF;
	_ =	strace $0x9FFFFFFF  }
0xbf: {  	(tm) =	ssettm $0x7FFFFFFF  }
tec
execute0_lowered:
.L_overlay_start_1:
0x0: {  	(tag) =	ssettag $0x1  }
0x1: {  	s8 =	rddreg [dreg:$0x0];
	_ =	strace $0x8000004A;
	s11 =	simm.s32 $0x1  }
0x2: {  	v0 =	vimm.s32 $0x0;
	[sflag:s11] =	ssyncpa.u1 $0x0  }
0x3: {  	[tilespmem:$0x28] =	vst v0  }
0x4: {  	[tilespmem:$0x38] =	vst v0  }
0x5: {  	[tilespmem:$0x48] =	vst v0  }
0x6: {  	[tilespmem:$0x58] =	vst v0  }
0x7: {  	[tilespmem:$0x68] =	vst v0  }
0x8: {  	[tilespmem:$0x78] =	vst v0  }
0x9: {  	[tilespmem:$0x88] =	vst v0  }
0xa: {  	[tilespmem:$0x98] =	vst v0  }
0xb: {  	[tilespmem:$0xA8] =	vst v0  }
0xc: {  	[tilespmem:$0xB8] =	vst v0  }
0xd: {  	[tilespmem:$0xC8] =	vst v0  }
0xe: {  	[tilespmem:$0xD8] =	vst v0  }
0xf: {  	[tilespmem:$0xE8] =	vst v0  }
0x10: {  	[tilespmem:$0xF8] =	vst v0  }
0x11: {  	[tilespmem:$0x108] =	vst v0  }
0x12: {  	[tilespmem:$0x118] =	vst v0  }
0x13: {  	[tilespmem:$0x128] =	vst v0  }
0x14: {  	[tilespmem:$0x138] =	vst v0  }
0x15: {  	[tilespmem:$0x148] =	vst v0  }
0x16: {  	[tilespmem:$0x158] =	vst v0  }
0x17: {  	[tilespmem:$0x168] =	vst v0  }
0x18: {  	[tilespmem:$0x178] =	vst v0  }
0x19: {  	[tilespmem:$0x188] =	vst v0  }
0x1a: {  	[tilespmem:$0x198] =	vst v0  }
0x1b: {  	[tilespmem:$0x1A8] =	vst v0  }
0x1c: {  	[tilespmem:$0x1B8] =	vst v0  }
0x1d: {  	[tilespmem:$0x1C8] =	vst v0  }
0x1e: {  	[tilespmem:$0x1D8] =	vst v0  }
0x1f: {  	[tilespmem:$0x1E8] =	vst v0  }
0x20: {  	[tilespmem:$0x1F8] =	vst v0  }
0x21: {  	[tilespmem:$0x208] =	vst v0  }
0x22: {  	[tilespmem:$0x218] =	vst v0  }
0x23: {  	[tilespmem:$0x228] =	vst v0  }
0x24: {  	[tilespmem:$0x238] =	vst v0  }
0x25: {  	[tilespmem:$0x248] =	vst v0  }
0x26: {  	[tilespmem:$0x258] =	vst v0  }
0x27: {  	[tilespmem:$0x268] =	vst v0  }
0x28: {  	[tilespmem:$0x278] =	vst v0  }
0x29: {  	[tilespmem:$0x288] =	vst v0  }
0x2a: {  	[tilespmem:$0x298] =	vst v0  }
0x2b: {  	[tilespmem:$0x2A8] =	vst v0  }
0x2c: {  	[tilespmem:$0x2B8] =	vst v0  }
0x2d: {  	[tilespmem:$0x2C8] =	vst v0  }
0x2e: {  	[tilespmem:$0x2D8] =	vst v0  }
0x2f: {  	[tilespmem:$0x2E8] =	vst v0  }
0x30: {  	[tilespmem:$0x2F8] =	vst v0  }
0x31: {  	[tilespmem:$0x308] =	vst v0  }
0x32: {  	[tilespmem:$0x318] =	vst v0  }
0x33: {  	[tilespmem:$0x328] =	vst v0  }
0x34: {  	[tilespmem:$0x338] =	vst v0  }
0x35: {  	[tilespmem:$0x348] =	vst v0  }
0x36: {  	[tilespmem:$0x358] =	vst v0  }
0x37: {  	[tilespmem:$0x368] =	vst v0  }
0x38: {  	[tilespmem:$0x378] =	vst v0  }
0x39: {  	[tilespmem:$0x388] =	vst v0  }
0x3a: {  	[tilespmem:$0x398] =	vst v0  }
0x3b: {  	[tilespmem:$0x3A8] =	vst v0  }
0x3c: {  	[tilespmem:$0x3B8] =	vst v0  }
0x3d: {  	[tilespmem:$0x3C8] =	vst v0  }
0x3e: {  	[tilespmem:$0x3D8] =	vst v0  }
0x3f: {  	[tilespmem:$0x3E8] =	vst v0  }
0x40: {  	[tilespmem:$0x3F8] =	vst v0  }
0x41: {  	[tilespmem:$0x408] =	vst v0  }
0x42: {  	[tilespmem:$0x418] =	vst v0  }
0x43: {  	[tilespmem:$0x428] =	vst v0  }
0x44: {  	[tilespmem:$0x438] =	vst v0  }
0x45: {  	[tilespmem:$0x448] =	vst v0  }
0x46: {  	[tilespmem:$0x458] =	vst v0  }
0x47: {  	[tilespmem:$0x468] =	vst v0  }
0x48: {  	[tilespmem:$0x478] =	vst v0  }
0x49: {  	[tilespmem:$0x488] =	vst v0  }
0x4a: {  	[tilespmem:$0x498] =	vst v0  }
0x4b: {  	[tilespmem:$0x4A8] =	vst v0  }
0x4c: {  	[tilespmem:$0x4B8] =	vst v0  }
0x4d: {  	[tilespmem:$0x4C8] =	vst v0  }
0x4e: {  	[tilespmem:$0x4D8] =	vst v0  }
0x4f: {  	[tilespmem:$0x4E8] =	vst v0  }
0x50: {  	[tilespmem:$0x4F8] =	vst v0  }
0x51: {  	[tilespmem:$0x508] =	vst v0  }
0x52: {  	[tilespmem:$0x518] =	vst v0  }
0x53: {  	[tilespmem:$0x528] =	vst v0  }
0x54: {  	[tilespmem:$0x538] =	vst v0  }
0x55: {  	[tilespmem:$0x548] =	vst v0  }
0x56: {  	[tilespmem:$0x558] =	vst v0  }
0x57: {  	[tilespmem:$0x568] =	vst v0  }
0x58: {  	[tilespmem:$0x578] =	vst v0  }
0x59: {  	[tilespmem:$0x588] =	vst v0  }
0x5a: {  	[tilespmem:$0x598] =	vst v0  }
0x5b: {  	[tilespmem:$0x5A8] =	vst v0  }
0x5c: {  	[tilespmem:$0x5B8] =	vst v0  }
0x5d: {  	[tilespmem:$0x5C8] =	vst v0  }
0x5e: {  	[tilespmem:$0x5D8] =	vst v0  }
0x5f: {  	[tilespmem:$0x5E8] =	vst v0  }
0x60: {  	[tilespmem:$0x5F8] =	vst v0  }
0x61: {  	[tilespmem:$0x608] =	vst v0  }
0x62: {  	[tilespmem:$0x618] =	vst v0  }
0x63: {  	[tilespmem:$0x628] =	vst v0  }
0x64: {  	[tilespmem:$0x638] =	vst v0  }
0x65: {  	[tilespmem:$0x648] =	vst v0  }
0x66: {  	[tilespmem:$0x658] =	vst v0  }
0x67: {  	[tilespmem:$0x668] =	vst v0  }
0x68: {  	[tilespmem:$0x678] =	vst v0  }
0x69: {  	[tilespmem:$0x688] =	vst v0  }
0x6a: {  	[tilespmem:$0x698] =	vst v0  }
0x6b: {  	[tilespmem:$0x6A8] =	vst v0  }
0x6c: {  	[tilespmem:$0x6B8] =	vst v0  }
0x6d: {  	[tilespmem:$0x6C8] =	vst v0  }
0x6e: {  	[tilespmem:$0x6D8] =	vst v0  }
0x6f: {  	[tilespmem:$0x6E8] =	vst v0  }
0x70: {  	[tilespmem:$0x6F8] =	vst v0  }
0x71: {  	[tilespmem:$0x708] =	vst v0  }
0x72: {  	[tilespmem:$0x718] =	vst v0  }
0x73: {  	[tilespmem:$0x728] =	vst v0  }
0x74: {  	[tilespmem:$0x738] =	vst v0  }
0x75: {  	[tilespmem:$0x748] =	vst v0  }
0x76: {  	[tilespmem:$0x758] =	vst v0  }
0x77: {  	[tilespmem:$0x768] =	vst v0  }
0x78: {  	[tilespmem:$0x778] =	vst v0  }
0x79: {  	[tilespmem:$0x788] =	vst v0  }
0x7a: {  	[tilespmem:$0x798] =	vst v0  }
0x7b: {  	[tilespmem:$0x7A8] =	vst v0  }
0x7c: {  	[tilespmem:$0x7B8] =	vst v0  }
0x7d: {  	[tilespmem:$0x7C8] =	vst v0  }
0x7e: {  	[tilespmem:$0x7D8] =	vst v0  }
0x7f: {  	[tilespmem:$0x7E8] =	vst v0  }
0x80: {  	[tilespmem:$0x7F8] =	vst v0  }
0x81: {  	[tilespmem:$0x808] =	vst v0  }
0x82: {  	[tilespmem:$0x818] =	vst v0  }
0x83: {  	[tilespmem:$0x828] =	vst v0  }
0x84: {  	[tilespmem:$0x838] =	vst v0  }
0x85: {  	[tilespmem:$0x848] =	vst v0  }
0x86: {  	[tilespmem:$0x858] =	vst v0  }
0x87: {  	[tilespmem:$0x868] =	vst v0  }
0x88: {  	[tilespmem:$0x878] =	vst v0  }
0x89: {  	[tilespmem:$0x888] =	vst v0  }
0x8a: {  	[tilespmem:$0x898] =	vst v0  }
0x8b: {  	[tilespmem:$0x8A8] =	vst v0  }
0x8c: {  	[tilespmem:$0x8B8] =	vst v0  }
0x8d: {  	[tilespmem:$0x8C8] =	vst v0  }
0x8e: {  	[tilespmem:$0x8D8] =	vst v0  }
0x8f: {  	[tilespmem:$0x8E8] =	vst v0  }
0x90: {  	[tilespmem:$0x8F8] =	vst v0  }
0x91: {  	[tilespmem:$0x908] =	vst v0  }
0x92: {  	[tilespmem:$0x918] =	vst v0  }
0x93: {  	[tilespmem:$0x928] =	vst v0  }
0x94: {  	[tilespmem:$0x938] =	vst v0  }
0x95: {  	[tilespmem:$0x948] =	vst v0  }
0x96: {  	[tilespmem:$0x958] =	vst v0  }
0x97: {  	[tilespmem:$0x968] =	vst v0  }
0x98: {  	[tilespmem:$0x978] =	vst v0  }
0x99: {  	[tilespmem:$0x988] =	vst v0  }
0x9a: {  	[tilespmem:$0x998] =	vst v0  }
0x9b: {  	[tilespmem:$0x9A8] =	vst v0  }
0x9c: {  	[tilespmem:$0x9B8] =	vst v0  }
0x9d: {  	[tilespmem:$0x9C8] =	vst v0  }
0x9e: {  	[tilespmem:$0x9D8] =	vst v0  }
0x9f: {  	[tilespmem:$0x9E8] =	vst v0  }
0xa0: {  	[tilespmem:$0x9F8] =	vst v0  }
0xa1: {  	[tilespmem:$0xA08] =	vst v0  }
0xa2: {  	[tilespmem:$0xA18] =	vst v0  }
0xa3: {  	[tilespmem:$0xA28] =	vst v0  }
0xa4: {  	[tilespmem:$0xA38] =	vst v0  }
0xa5: {  	[tilespmem:$0xA48] =	vst v0  }
0xa6: {  	[tilespmem:$0xA58] =	vst v0  }
0xa7: {  	[tilespmem:$0xA68] =	vst v0  }
0xa8: {  	[tilespmem:$0xA78] =	vst v0  }
0xa9: {  	[tilespmem:$0xA88] =	vst v0  }
0xaa: {  	[tilespmem:$0xA98] =	vst v0  }
0xab: {  	[tilespmem:$0xAA8] =	vst v0  }
0xac: {  	[tilespmem:$0xAB8] =	vst v0  }
0xad: {  	[tilespmem:$0xAC8] =	vst v0  }
0xae: {  	[tilespmem:$0xAD8] =	vst v0  }
0xaf: {  	[tilespmem:$0xAE8] =	vst v0  }
0xb0: {  	[tilespmem:$0xAF8] =	vst v0  }
0xb1: {  	[tilespmem:$0xB08] =	vst v0  }
0xb2: {  	[tilespmem:$0xB18] =	vst v0  }
0xb3: {  	[tilespmem:$0xB28] =	vst v0  }
0xb4: {  	[tilespmem:$0xB38] =	vst v0  }
0xb5: {  	[tilespmem:$0xB48] =	vst v0  }
0xb6: {  	[tilespmem:$0xB58] =	vst v0  }
0xb7: {  	[tilespmem:$0xB68] =	vst v0  }
0xb8: {  	[tilespmem:$0xB78] =	vst v0  }
0xb9: {  	[tilespmem:$0xB88] =	vst v0  }
0xba: {  	[tilespmem:$0xB98] =	vst v0  }
0xbb: {  	[tilespmem:$0xBA8] =	vst v0  }
0xbc: {  	[tilespmem:$0xBB8] =	vst v0  }
0xbd: {  	[tilespmem:$0xBC8] =	vst v0  }
0xbe: {  	[tilespmem:$0xBD8] =	vst v0  }
0xbf: {  	[tilespmem:$0xBE8] =	vst v0  }
0xc0: {  	[tilespmem:$0xBF8] =	vst v0  }
0xc1: {  	[tilespmem:$0xC08] =	vst v0  }
0xc2: {  	[tilespmem:$0xC18] =	vst v0  }
0xc3: {  	[tilespmem:$0xC28] =	vst v0  }
0xc4: {  	[tilespmem:$0xC38] =	vst v0  }
0xc5: {  	[tilespmem:$0xC48] =	vst v0  }
0xc6: {  	[tilespmem:$0xC58] =	vst v0  }
0xc7: {  	[tilespmem:$0xC68] =	vst v0  }
0xc8: {  	[tilespmem:$0xC78] =	vst v0  }
0xc9: {  	[tilespmem:$0xC88] =	vst v0  }
0xca: {  	[tilespmem:$0xC98] =	vst v0  }
0xcb: {  	[tilespmem:$0xCA8] =	vst v0  }
0xcc: {  	[tilespmem:$0xCB8] =	vst v0  }
0xcd: {  	[tilespmem:$0xCC8] =	vst v0  }
0xce: {  	[tilespmem:$0xCD8] =	vst v0  }
0xcf: {  	[tilespmem:$0xCE8] =	vst v0  }
0xd0: {  	[tilespmem:$0xCF8] =	vst v0  }
0xd1: {  	[tilespmem:$0xD08] =	vst v0  }
0xd2: {  	[tilespmem:$0xD18] =	vst v0  }
0xd3: {  	[tilespmem:$0xD28] =	vst v0  }
0xd4: {  	[tilespmem:$0xD38] =	vst v0  }
0xd5: {  	[tilespmem:$0xD48] =	vst v0  }
0xd6: {  	[tilespmem:$0xD58] =	vst v0  }
0xd7: {  	[tilespmem:$0xD68] =	vst v0  }
0xd8: {  	[tilespmem:$0xD78] =	vst v0  }
0xd9: {  	[tilespmem:$0xD88] =	vst v0  }
0xda: {  	[tilespmem:$0xD98] =	vst v0  }
0xdb: {  	[tilespmem:$0xDA8] =	vst v0  }
0xdc: {  	[tilespmem:$0xDB8] =	vst v0  }
0xdd: {  	[tilespmem:$0xDC8] =	vst v0  }
0xde: {  	[tilespmem:$0xDD8] =	vst v0  }
0xdf: {  	[tilespmem:$0xDE8] =	vst v0  }
0xe0: {  	[tilespmem:$0xDF8] =	vst v0  }
0xe1: {  	[tilespmem:$0xE08] =	vst v0  }
0xe2: {  	[tilespmem:$0xE18] =	vst v0  }
0xe3: {  	[tilespmem:$0xE28] =	vst v0  }
0xe4: {  	[tilespmem:$0xE38] =	vst v0  }
0xe5: {  	[tilespmem:$0xE48] =	vst v0  }
0xe6: {  	[tilespmem:$0xE58] =	vst v0  }
0xe7: {  	[tilespmem:$0xE68] =	vst v0  }
0xe8: {  	[tilespmem:$0xE78] =	vst v0  }
0xe9: {  	[tilespmem:$0xE88] =	vst v0  }
0xea: {  	[tilespmem:$0xE98] =	vst v0  }
0xeb: {  	[tilespmem:$0xEA8] =	vst v0  }
0xec: {  	[tilespmem:$0xEB8] =	vst v0  }
0xed: {  	[tilespmem:$0xEC8] =	vst v0  }
0xee: {  	[tilespmem:$0xED8] =	vst v0  }
0xef: {  	[tilespmem:$0xEE8] =	vst v0  }
0xf0: {  	[tilespmem:$0xEF8] =	vst v0  }
0xf1: {  	[tilespmem:$0xF08] =	vst v0  }
0xf2: {  	[tilespmem:$0xF18] =	vst v0  }
0xf3: {  	[tilespmem:$0xF28] =	vst v0  }
0xf4: {  	[tilespmem:$0xF38] =	vst v0  }
0xf5: {  	[tilespmem:$0xF48] =	vst v0  }
0xf6: {  	[tilespmem:$0xF58] =	vst v0  }
0xf7: {  	[tilespmem:$0xF68] =	vst v0  }
0xf8: {  	[tilespmem:$0xF78] =	vst v0  }
0xf9: {  	[tilespmem:$0xF88] =	vst v0  }
0xfa: {  	[tilespmem:$0xF98] =	vst v0  }
0xfb: {  	[tilespmem:$0xFA8] =	vst v0  }
0xfc: {  	[tilespmem:$0xFB8] =	vst v0  }
0xfd: {  	[tilespmem:$0xFC8] =	vst v0  }
0xfe: {  	[tilespmem:$0xFD8] =	vst v0  }
0xff: {  	[tilespmem:$0xFE8] =	vst v0  }
0x100: {  	[tilespmem:$0xFF8] =	vst v0  }
0x101: {  	[tilespmem:$0x1018] =	vst v0  }
0x102: {  	[tilespmem:$0x10D8] =	vst v0  }
0x103: {  	[tilespmem:$0x1B28] =	vst v0  }
0x104: {  	[tilespmem:$0x1B18] =	vst v0  }
0x105: {  	[tilespmem:$0x1B08] =	vst v0  }
0x106: {  	[tilespmem:$0x1AF8] =	vst v0  }
0x107: {  	[tilespmem:$0x1AE8] =	vst v0  }
0x108: {  	[tilespmem:$0x1AD8] =	vst v0  }
0x109: {  	[tilespmem:$0x1AC8] =	vst v0  }
0x10a: {  	[tilespmem:$0x1AB8] =	vst v0  }
0x10b: {  	[tilespmem:$0x1AA8] =	vst v0  }
0x10c: {  	[tilespmem:$0x1A98] =	vst v0  }
0x10d: {  	[tilespmem:$0x1A88] =	vst v0  }
0x10e: {  	[tilespmem:$0x1A78] =	vst v0  }
0x10f: {  	[tilespmem:$0x1A68] =	vst v0  }
0x110: {  	[tilespmem:$0x1A58] =	vst v0  }
0x111: {  	[tilespmem:$0x1A48] =	vst v0  }
0x112: {  	[tilespmem:$0x1A38] =	vst v0  }
0x113: {  	[tilespmem:$0x1A28] =	vst v0  }
0x114: {  	[tilespmem:$0x1A18] =	vst v0  }
0x115: {  	[tilespmem:$0x1A08] =	vst v0  }
0x116: {  	[tilespmem:$0x19F8] =	vst v0  }
0x117: {  	[tilespmem:$0x19E8] =	vst v0  }
0x118: {  	[tilespmem:$0x19D8] =	vst v0  }
0x119: {  	[tilespmem:$0x19C8] =	vst v0  }
0x11a: {  	[tilespmem:$0x19B8] =	vst v0  }
0x11b: {  	[tilespmem:$0x19A8] =	vst v0  }
0x11c: {  	[tilespmem:$0x1998] =	vst v0  }
0x11d: {  	[tilespmem:$0x1988] =	vst v0  }
0x11e: {  	[tilespmem:$0x1978] =	vst v0  }
0x11f: {  	[tilespmem:$0x1968] =	vst v0  }
0x120: {  	[tilespmem:$0x1958] =	vst v0  }
0x121: {  	[tilespmem:$0x1948] =	vst v0  }
0x122: {  	[tilespmem:$0x1938] =	vst v0  }
0x123: {  	[tilespmem:$0x1928] =	vst v0  }
0x124: {  	[tilespmem:$0x1918] =	vst v0  }
0x125: {  	[tilespmem:$0x1908] =	vst v0  }
0x126: {  	[tilespmem:$0x18F8] =	vst v0  }
0x127: {  	[tilespmem:$0x18E8] =	vst v0  }
0x128: {  	[tilespmem:$0x18D8] =	vst v0  }
0x129: {  	[tilespmem:$0x18C8] =	vst v0  }
0x12a: {  	[tilespmem:$0x18B8] =	vst v0  }
0x12b: {  	[tilespmem:$0x18A8] =	vst v0  }
0x12c: {  	[tilespmem:$0x1898] =	vst v0  }
0x12d: {  	[tilespmem:$0x1888] =	vst v0  }
0x12e: {  	[tilespmem:$0x1878] =	vst v0  }
0x12f: {  	[tilespmem:$0x1868] =	vst v0  }
0x130: {  	[tilespmem:$0x1858] =	vst v0  }
0x131: {  	[tilespmem:$0x1848] =	vst v0  }
0x132: {  	[tilespmem:$0x1838] =	vst v0  }
0x133: {  	[tilespmem:$0x1828] =	vst v0  }
0x134: {  	[tilespmem:$0x1818] =	vst v0  }
0x135: {  	[tilespmem:$0x1808] =	vst v0  }
0x136: {  	[tilespmem:$0x17F8] =	vst v0  }
0x137: {  	[tilespmem:$0x17E8] =	vst v0  }
0x138: {  	[tilespmem:$0x17D8] =	vst v0  }
0x139: {  	[tilespmem:$0x17C8] =	vst v0  }
0x13a: {  	[tilespmem:$0x17B8] =	vst v0  }
0x13b: {  	[tilespmem:$0x17A8] =	vst v0  }
0x13c: {  	[tilespmem:$0x1798] =	vst v0  }
0x13d: {  	[tilespmem:$0x1788] =	vst v0  }
0x13e: {  	[tilespmem:$0x1778] =	vst v0  }
0x13f: {  	[tilespmem:$0x1768] =	vst v0  }
0x140: {  	[tilespmem:$0x1758] =	vst v0  }
0x141: {  	[tilespmem:$0x1748] =	vst v0  }
0x142: {  	[tilespmem:$0x1738] =	vst v0  }
0x143: {  	[tilespmem:$0x1728] =	vst v0  }
0x144: {  	[tilespmem:$0x1718] =	vst v0  }
0x145: {  	[tilespmem:$0x1708] =	vst v0  }
0x146: {  	[tilespmem:$0x16F8] =	vst v0  }
0x147: {  	[tilespmem:$0x16E8] =	vst v0  }
0x148: {  	[tilespmem:$0x16D8] =	vst v0  }
0x149: {  	[tilespmem:$0x16C8] =	vst v0  }
0x14a: {  	[tilespmem:$0x16B8] =	vst v0  }
0x14b: {  	[tilespmem:$0x16A8] =	vst v0  }
0x14c: {  	[tilespmem:$0x1698] =	vst v0  }
0x14d: {  	[tilespmem:$0x1688] =	vst v0  }
0x14e: {  	[tilespmem:$0x1678] =	vst v0  }
0x14f: {  	[tilespmem:$0x1668] =	vst v0  }
0x150: {  	[tilespmem:$0x1658] =	vst v0  }
0x151: {  	[tilespmem:$0x1648] =	vst v0  }
0x152: {  	[tilespmem:$0x1638] =	vst v0  }
0x153: {  	[tilespmem:$0x1628] =	vst v0  }
0x154: {  	[tilespmem:$0x1618] =	vst v0  }
0x155: {  	[tilespmem:$0x1608] =	vst v0  }
0x156: {  	[tilespmem:$0x15F8] =	vst v0  }
0x157: {  	[tilespmem:$0x15E8] =	vst v0  }
0x158: {  	[tilespmem:$0x15D8] =	vst v0  }
0x159: {  	[tilespmem:$0x15C8] =	vst v0  }
0x15a: {  	[tilespmem:$0x15B8] =	vst v0  }
0x15b: {  	[tilespmem:$0x15A8] =	vst v0  }
0x15c: {  	[tilespmem:$0x1598] =	vst v0  }
0x15d: {  	[tilespmem:$0x1588] =	vst v0  }
0x15e: {  	[tilespmem:$0x1578] =	vst v0  }
0x15f: {  	[tilespmem:$0x1568] =	vst v0  }
0x160: {  	[tilespmem:$0x1558] =	vst v0  }
0x161: {  	[tilespmem:$0x1548] =	vst v0  }
0x162: {  	[tilespmem:$0x1538] =	vst v0  }
0x163: {  	[tilespmem:$0x1528] =	vst v0  }
0x164: {  	[tilespmem:$0x1518] =	vst v0  }
0x165: {  	[tilespmem:$0x1508] =	vst v0  }
0x166: {  	[tilespmem:$0x14F8] =	vst v0  }
0x167: {  	[tilespmem:$0x14E8] =	vst v0  }
0x168: {  	[tilespmem:$0x14D8] =	vst v0  }
0x169: {  	[tilespmem:$0x14C8] =	vst v0  }
0x16a: {  	[tilespmem:$0x14B8] =	vst v0  }
0x16b: {  	[tilespmem:$0x14A8] =	vst v0  }
0x16c: {  	[tilespmem:$0x1498] =	vst v0  }
0x16d: {  	[tilespmem:$0x1488] =	vst v0  }
0x16e: {  	[tilespmem:$0x1478] =	vst v0  }
0x16f: {  	[tilespmem:$0x1468] =	vst v0  }
0x170: {  	[tilespmem:$0x1458] =	vst v0  }
0x171: {  	[tilespmem:$0x1448] =	vst v0  }
0x172: {  	[tilespmem:$0x1438] =	vst v0  }
0x173: {  	[tilespmem:$0x1428] =	vst v0  }
0x174: {  	[tilespmem:$0x1418] =	vst v0  }
0x175: {  	[tilespmem:$0x1408] =	vst v0  }
0x176: {  	[tilespmem:$0x13F8] =	vst v0  }
0x177: {  	[tilespmem:$0x13E8] =	vst v0  }
0x178: {  	[tilespmem:$0x13D8] =	vst v0  }
0x179: {  	[tilespmem:$0x13C8] =	vst v0  }
0x17a: {  	[tilespmem:$0x13B8] =	vst v0  }
0x17b: {  	[tilespmem:$0x13A8] =	vst v0  }
0x17c: {  	[tilespmem:$0x1398] =	vst v0  }
0x17d: {  	[tilespmem:$0x1388] =	vst v0  }
0x17e: {  	[tilespmem:$0x1378] =	vst v0  }
0x17f: {  	[tilespmem:$0x1368] =	vst v0  }
0x180: {  	[tilespmem:$0x1358] =	vst v0  }
0x181: {  	[tilespmem:$0x1348] =	vst v0  }
0x182: {  	[tilespmem:$0x1338] =	vst v0  }
0x183: {  	[tilespmem:$0x1328] =	vst v0  }
0x184: {  	[tilespmem:$0x1318] =	vst v0  }
0x185: {  	[tilespmem:$0x1308] =	vst v0  }
0x186: {  	[tilespmem:$0x12F8] =	vst v0  }
0x187: {  	[tilespmem:$0x12E8] =	vst v0  }
0x188: {  	[tilespmem:$0x12D8] =	vst v0  }
0x189: {  	[tilespmem:$0x12C8] =	vst v0  }
0x18a: {  	[tilespmem:$0x12B8] =	vst v0  }
0x18b: {  	[tilespmem:$0x12A8] =	vst v0  }
0x18c: {  	[tilespmem:$0x1298] =	vst v0  }
0x18d: {  	[tilespmem:$0x1288] =	vst v0  }
0x18e: {  	[tilespmem:$0x1278] =	vst v0  }
0x18f: {  	[tilespmem:$0x1268] =	vst v0  }
0x190: {  	[tilespmem:$0x1258] =	vst v0  }
0x191: {  	[tilespmem:$0x1248] =	vst v0  }
0x192: {  	[tilespmem:$0x1238] =	vst v0  }
0x193: {  	[tilespmem:$0x1228] =	vst v0  }
0x194: {  	[tilespmem:$0x1218] =	vst v0  }
0x195: {  	[tilespmem:$0x1208] =	vst v0  }
0x196: {  	[tilespmem:$0x11F8] =	vst v0  }
0x197: {  	[tilespmem:$0x11E8] =	vst v0  }
0x198: {  	[tilespmem:$0x11D8] =	vst v0  }
0x199: {  	[tilespmem:$0x11C8] =	vst v0  }
0x19a: {  	[tilespmem:$0x11B8] =	vst v0  }
0x19b: {  	[tilespmem:$0x11A8] =	vst v0  }
0x19c: {  	[tilespmem:$0x1198] =	vst v0  }
0x19d: {  	[tilespmem:$0x1188] =	vst v0  }
0x19e: {  	[tilespmem:$0x1178] =	vst v0  }
0x19f: {  	[tilespmem:$0x1168] =	vst v0  }
0x1a0: {  	[tilespmem:$0x1158] =	vst v0  }
0x1a1: {  	[tilespmem:$0x1148] =	vst v0  }
0x1a2: {  	[tilespmem:$0x1138] =	vst v0  }
0x1a3: {  	[tilespmem:$0x1128] =	vst v0  }
0x1a4: {  	[tilespmem:$0x1118] =	vst v0  }
0x1a5: {  	s2 =	stileid.u32;
	[tilespmem:$0x1108] =	vst v0  }
0x1a6: {  	s0 =	smul.u32 $0x18, s2;
	[tilespmem:$0x10F8] =	vst v0  }
0x1a7: {  	s1 =	smin.u32 s2, $0xA;
	[tilespmem:$0x10E8] =	vst v0  }
0x1a8: {  	[tilespmem:$0x10B8] =	vst v0;
	s0 =	sadd.s32 s1, s0  }
0x1a9: {  	p0 =	slt.u32 s2, $0xA;
	[tilespmem:$0x10C8] =	vst v0;
	s1 =	simm.s32 $0x2A30;
	s3 =	smul.u32 $0x1B0, s0  }
0x1aa: {  	s1 =	simm.s32 @!p0 $0x2880;
	[tilespmem:$0x10A8] =	vst v0  }
0x1ab: {  	[tilespmem:$0x1038] =	vst v0;
	s0 =	sadd.s32 s1, s3  }
0x1ac: {  	[tilespmem:$0x1098] =	vst v0;
	s4 =	smin.u32 s0, $0x29810  }
0x1ad: {  	[tilespmem:$0x1088] =	vst v0;
	s0 =	ssub.s32 s4, s3  }
0x1ae: {  	s5 =	simm.s32 $0x2;
	s29 =	simm.s32 $0x7;
	[tilespmem:$0x1078] =	vst v0;
	p0 =	sgt.s32 s0, $0x0  }
0x1af: {  	s13 =	simm.s32 $0x8;
	s30 =	simm.s32 $0x9;
	[tilespmem:$0x1068] =	vst v0;
	s0 =	simm.s32 @!p0 $0x0  }
0x1b0: {  	p4 =	por $0x0, $0x0;
	s14 =	simm.s32 $0xA;
	[tilespmem:$0x1058] =	vst v0;
	s6 =	smulhi.u32 $0x4BDA12F7, s0  }
0x1b1: {  	s18 =	simm.s32 $0x0;
	s15 =	simm.s32 $0x0;
	s17 =	simm.s32 $0x0;
	[tilespmem:$0x1048] =	vst v0  }
0x1b2: {  	s7 =	sadd.s32 $0x298200, s8;
	s31 =	sshll.u32 s2, $0x5;
	[tilespmem:$0x1028] =	vst v0;
	s12 =	sshrl.u32 s6, $0x7  }
0x1b3: {  	[tilespmem:$0x1008] =	vst v0;
	[sflag:s5] =	ssyncpa.u1 $0x0;
	v0 =	vimm.s32 $0xFFFFFFFF;
	s5 =	sadd.s32 $0xFC00, s8;
	s10 =	smul.u32 $0x1B0, s12  }
.Ltmp0:
0x1b4: {  	[dreg:$0x2] =	wrdreg s31;
	[tilespmem:$0x3648] =	vst v0;
	[sflag:s29] =	ssyncpa.u1 $0x0;
	(pc) =	sbr.rel .LBB2_1-.Ltmp0, $4  }
0x1b5: {  	[sflag:s13] =	ssyncpa.u1 $0x0;
	s13 =	simm.s32 $0x0;
	p0 =	sne.s32 s0, s10  }
0x1b6: {  	[sflag:s30] =	ssyncpa.u1 $0x0;
	s1 =	sadd.s32 $0x15000, s8;
	s11 =	simm.s32 @!p0 $0x0  }
0x1b7: {  	s16 =	smov.u32 s3;
	[dreg:$0x3] =	wrdreg s3;
	s11 =	sadd.s32 s11, s12  }
0x1b8: {  	v0 =	vlaneseq.u32;
	s6 =	sadd.s32 $0xA800, s8;
	p0 =	por $0x1, $0x1;
	s8 =	sadd.s32 $0x1, s11  }
.LBB2_18:
0x1b9: {  	s0 =	simm.s32 $0x2  }
0x1ba: {  	_ =	swait.ge [sflag:s0], $0x0  }
0x1bb: {  	[sflag:s0] =	ssyncset.done $0x0;
	s0 =	simm.s32 $0x0  }
.LBB2_19:
0x1bc: {  	_ =	swait.ge [sflag:s14], s0  }
0x1bd: {  	s31 =	ssub.s32 $0x0, s0;
	v1 =	vmov s20;
	vm0 =	veq.s32 v0, $0x0;
	[sflag:s14] =	ssyncset.done $0x0  }
0x1be: {  	vm15 =	veq.s32 v0, $0x2;
	v1 =	vsel vm0, s24, v1;
	[sflag:s14] =	ssyncadd.s32 s31  }
0x1bf: {  	v1 =	vsel vm15, s18, v1;
	[sflag:s14] =	ssyncpa.u1 $0x1  }
0x1c0: {  	[tilespmem:$0x3648] =	vst v1  }
.LBB2_20:
0x1c1: {  	s0 =	sadd.s32 $0x1B0, s16  }
0x1c2: {  	s2 =	smov.u32 s3;
	p1 =	slt.s32 s0, s4  }
0x1c3: {  	s2 =	smov.u32 @p1 s0;
	p1 =	sne.s32 s17, s8  }
.Ltmp1:
0x1c4: {  	_ = 	snop;
	(pc) =	sbr.rel @!p1 .LBB2_21-.Ltmp1, $4  }
0x1c5: {  	_ = 	snop  }
0x1c6: {  	s18 =	smov.u32 s15  }
0x1c7: {  	s31 =	sadd.s32 $0x1, s17;
	s15 =	smov.u32 s16;
	p0 =	por !p0, !p0  }
0x1c8: {  	p4 =	por !p4, !p4;
	s17 =	smov.u32 s31;
	s16 =	smov.u32 s2  }
.LBB2_1:
0x1c9: {  	p2 =	sge.u32 s17, s11  }
0x1ca: {  	s0 =	smulhi.u32 @!p2 $0xAAAAAAAB, s17  }
0x1cb: {  	s19 =	smov.u32 s16;
	p3 =	sgt.s32 @!p2 s16, $0x29660  }
0x1cc: {  	s20 =	sshra.s32 @!p2 s16, $0x1F;
	p3 =	por !p3, p2;
	s0 =	sshrl.u32 @!p2 s0, $0x1  }
0x1cd: {  	s20 =	sand.u32 @!p2 s20, s16;
	s19 =	simm.s32 @p3 $0x29660;
	s0 =	smul.u32 @!p2 $0x3, s0  }
0x1ce: {  	s19 =	ssub.s32 @!p2 s19, s20  }
0x1cf: {  	s19 =	sadd.s32 @!p2 $0xFFFD69A0, s19;
	s0 =	ssub.s32 @!p2 s17, s0  }
0x1d0: {  	s20 =	sshll.u32 @!p2 s19, $0x2;
	p3 =	sgt.s32 @!p2 s19, $0x1AF;
	s0 =	smul.u32 @!p2 $0x6C0, s0  }
0x1d1: {  	s21 =	sand.u32 @!p2 $0x7, s16;
	s19 =	ssub.s32 @!p2 $0x6C0, s20;
	p3 =	por !p3, p2  }
0x1d2: {  	s20 =	sshrl.u32 @!p2 s16, $0x3;
	s19 =	sshrl.u32 @!p2 s19, $0x2;
	s0 =	sshrl.u32 @!p2 s0, $0x2  }
0x1d3: {  	s20 =	sadd.s32 @!p2 s5, s20;
	s19 =	simm.s32 @!p3 $0x0;
	s0 =	sadd.s32 @!p2 $0x3878, s0  }
0x1d4: {  	[tilespmem:s0], [sflag:$0x8] =	stream.linear.gather @!p2 [hbm4b:s20+s21], s19, $0x38;
	[tilespmem:$0x1F0E8] =	vst v63  }
0x1d5: {  	s20 =	sadd.s32 $0xFFFFFFFF, s17  }
0x1d6: {  	p2 =	sge.u32 s20, s11  }
0x1d7: {  	p3 =	sgt.s32 @!p2 s15, $0x29660  }
0x1d8: {  	s0 =	smov.u32 s15;
	s19 =	sshra.s32 @!p2 s15, $0x1F;
	p3 =	por !p3, p2  }
0x1d9: {  	s19 =	sand.u32 @!p2 s19, s15;
	s0 =	simm.s32 @p3 $0x29660  }
0x1da: {  	s0 =	ssub.s32 @!p2 s0, s19  }
0x1db: {  	s0 =	sadd.s32 @!p2 $0xFFFD69A0, s0  }
0x1dc: {  	s19 =	sshll.u32 @!p2 s0, $0x2  }
0x1dd: {  	p3 =	sgt.s32 @!p2 s0, $0x1AF;
	s0 =	ssub.s32 @!p2 $0x6C0, s19  }
0x1de: {  	p3 =	por !p3, p2;
	s0 =	sshrl.u32 @!p2 s0, $0x2  }
0x1df: {  	s21 =	simm.s32 @!p2 $0x8;
	s19 =	sand.u32 @!p2 $0x1, s20;
	s0 =	simm.s32 @!p3 $0x0  }
0x1e0: {  	s19 =	smul.u32 @!p2 $0x6C0, s19;
	_ =	swait.ge @!p2 [sflag:s21], s0  }
0x1e1: {  	s22 =	ssub.s32 @!p2 $0x0, s0;
	[sflag:s21] =	ssyncset.done @!p2 $0x0  }
0x1e2: {  	s19 =	sshrl.u32 @!p2 s19, $0x2;
	[sflag:s21] =	ssyncadd.s32 @!p2 s22;
	s21 =	sshrl.u32 @!p2 s15, $0x3  }
0x1e3: {  	s19 =	sadd.s32 @!p2 $0x3D88, s19;
	s22 =	sand.u32 @!p2 $0x7, s15;
	s21 =	sadd.s32 @!p2 s6, s21  }
0x1e4: {  	[tilespmem:s19], [sflag:$0x9] =	stream.linear.gather @!p2 [hbm4b:s21+s22], s0, $0x38;
	[tilespmem:$0x1F0E8] =	vst v63  }
0x1e5: {  	s19 =	ssub.s32 @!p2 $0x29810, s15  }
0x1e6: {  	p3 =	slt.s32 @!p2 s19, $0x1  }
0x1e7: {  	p3 =	por p2, p3  }
.Ltmp2:
0x1e8: {  	_ = 	snop;
	(pc) =	sbr.rel @p3 .LBB2_7-.Ltmp2, $1  }
0x1e9: {  	_ =	sdelay $0x3  }
0x1ea: {  	s0 =	smulhi.u32 $0xAAAAAAAB, s20;
	_ =	sdelay $0x1  }
0x1eb: {  	s0 =	sshrl.u32 s0, $0x1  }
0x1ec: {  	s0 =	smul.u32 $0x3, s0;
	_ =	sdelay $0x1  }
0x1ed: {  	s0 =	ssub.s32 s20, s0  }
0x1ee: {  	s21 =	simm.s32 $0x1;
	s0 =	smul.u32 $0x6C0, s0  }
.Ltmp3:
0x1ef: {  	s21 =	simm.s32 @!p0 $0x0;
	(pc) =	sbr.rel .LBB2_4-.Ltmp3, $4  }
0x1f0: {  	s31 =	smul.u32 $0x36000, s21  }
0x1f1: {  	p3 =	slt.s32 @!p2 s19, $0x1B0;
	s0 =	sshrl.u32 s0, $0x2  }
0x1f2: {  	p2 =	por !p3, p2;
	s20 =	sshrl.u32 s31, $0x2;
	s0 =	sadd.s32 $0x3878, s0  }
0x1f3: {  	s19 =	simm.s32 @p2 $0x1B0;
	s21 =	simm.s32 $0x0;
	s20 =	sadd.s32 $0x40E8, s20;
	v1 =	vmov s0  }
.LBB2_3:
0x1f4: {  	p2 =	sge.s32 s21, s19  }
.Ltmp4:
0x1f5: {  	_ = 	snop;
	(pc) =	sbr.rel @p2 .LBB2_7-.Ltmp4, $2  }
0x1f6: {  	_ =	sdelay $0x2  }
0x1f7: {  	s20 =	sadd.s32 $0x800, s20  }
.LBB2_4:
0x1f8: {  	p2 =	sle.s32 s19, s21  }
.Ltmp5:
0x1f9: {  	_ = 	snop;
	(pc) =	sbr.rel @p2 .LBB2_3-.Ltmp5, $2  }
0x1fa: {  	_ =	sdelay $0x2  }
0x1fb: {  	s22 =	smov.u32 s21;
	s21 =	sadd.s32 $0x10, s21  }
0x1fc: {  	s0 =	ssub.s32 s19, s22  }
0x1fd: {  	p2 =	slt.s32 s0, $0x10  }
0x1fe: {  	s0 =	simm.s32 @!p2 $0x10  }
0x1ff: {  	v2 =	vmov s0  }
0x200: {  	vm0 =	vgt.s32 v2, v0;
	_ =	sdelay $0x5  }
0x201: {  	v2 =	vld.idx.msk [tilespmem:v1+s22+$0x0 ss:$0x1], vm0;
	_ =	sdelay $0x2  }
0x202: {  	s23 =	smov.u32 s19;
	p2 =	slt.s32 s21, s19  }
0x203: {  	s24 =	smov.u32 s20;
	s25 =	simm.s32 $0x0;
	s23 =	smov.u32 @p2 s21  }
.LBB2_6:
0x204: {  	(v2sf) =	vpush v2, s25;
	_ =	sdelay $0xc  }
0x205: {  	s25 =	sadd.s32 $0x1, s25  }
0x206: {  	s31 =	sadd.s32 s25, s22  }
0x207: {  	p2 =	slt.s32 s31, s23;
	s0 =	spop (v2sf)  }
.Ltmp6:
0x208: {  	s0 =	sshll.u32 s0, $0x4;
	(pc) =	sbr.rel @p2 .LBB2_6-.Ltmp6, $4  }
0x209: {  	s0 =	sand.u32 $0x1FFFFFF0, s0  }
0x20a: {  	s0 =	sadd.s32 s7, s0  }
0x20b: {  	[tilespmem:s24], [sflag:$0x7] =	stream.linear.gather [hbm4b:s0+s13], $0x4, $0x38;
	[tilespmem:$0x1F0E8] =	vst v63  }
0x20c: {  	s24 =	sadd.s32 $0x80, s24  }
.Ltmp7:
0x20d: {  	_ = 	snop;
	(pc) =	sbr.rel .LBB2_3-.Ltmp7, $1  }
0x20e: {  	_ =	sdelay $0x3  }
.LBB2_7:
0x20f: {  	p2 =	slt.u32 s17, $0x2  }
.Ltmp8:
0x210: {  	_ = 	snop;
	(pc) =	sbr.rel @p2 .LBB2_20-.Ltmp8, $1  }
0x211: {  	_ =	sdelay $0x3  }
0x212: {  	p2 =	sgt.s32 s18, $0x29660;
	s0 =	smov.u32 s18  }
0x213: {  	s19 =	sshra.s32 s18, $0x1F;
	s20 =	ssub.s32 $0x29810, s18;
	s0 =	simm.s32 @!p2 $0x29660  }
0x214: {  	s19 =	sand.u32 s19, s18;
	p2 =	slt.s32 s20, $0x1B0;
	s21 =	smov.u32 s20  }
0x215: {  	s0 =	ssub.s32 s0, s19;
	s21 =	simm.s32 @!p2 $0x1B0  }
0x216: {  	s0 =	sadd.s32 $0xFFFD69A0, s0;
	s26 =	sshll.u32 s21, $0x2  }
0x217: {  	s2 =	simm.s32 $0x7;
	s28 =	sshll.u32 s0, $0x2;
	s19 =	sand.u32 $0x3FFFFFFC, s26  }
0x218: {  	p2 =	sgt.s32 s0, $0x1AF;
	s29 =	ssub.s32 $0x6C0, s28;
	_ =	swait.ge [sflag:s2], s19  }
0x219: {  	s19 =	ssub.s32 $0x0, s19;
	[sflag:s2] =	ssyncset.done $0x0;
	s0 =	sshrl.u32 s29, $0x2  }
0x21a: {  	s30 =	simm.s32 $0x9;
	[sflag:s2] =	ssyncadd.s32 s19;
	s0 =	simm.s32 @p2 $0x0  }
0x21b: {  	_ =	swait.ge [sflag:s30], s0  }
0x21c: {  	s0 =	ssub.s32 $0x0, s0;
	[sflag:s30] =	ssyncset.done $0x0  }
0x21d: {  	[sflag:s30] =	ssyncadd.s32 s0  }
0x21e: {  	v1 =	vld [tilespmem:$0x3648];
	_ =	sdelay $0x4  }
0x21f: {  	(v2sf) =	vpush v1, $0x0  }
0x220: {  	(v2sf) =	vpush v1, $0x1  }
0x221: {  	(v2sf) =	vpush v1, $0x2;
	_ =	sdelay $0x3  }
0x222: {  	s0 =	sadd.s32 $0x1B0, s18  }
0x223: {  	p2 =	slt.s32 s4, s0  }
0x224: {  	s0 =	smov.u32 @p2 s4;
	p2 =	sgt.s32 s20, $0x0  }
0x225: {  	s22 =	ssub.s32 s0, s18;
	s20 =	simm.s32 @!p2 $0x0  }
0x226: {  	p2 =	slt.s32 s20, s22  }
0x227: {  	s22 =	smov.u32 @p2 s20  }
0x228: {  	s21 =	simm.s32 $0x1;
	p2 =	slt.s32 s22, $0x1  }
.Ltmp9:
0x229: {  	s21 =	simm.s32 @!p4 $0x0;
	(pc) =	sbr.rel @p2 .LBB2_12-.Ltmp9, $4  }
0x22a: {  	s31 =	smul.u32 $0x6C0, s21  }
0x22b: {  	s23 =	spop (v2sf)  }
0x22c: {  	s0 =	sshrl.u32 s31, $0x2;
	s25 =	spop (v2sf)  }
0x22d: {  	s19 =	sadd.s32 $0x3D88, s0;
	s18 =	spop (v2sf)  }
0x22e: {  	s0 =	smin.u32 s22, $0x10  }
0x22f: {  	v1 =	vmov s0  }
0x230: {  	p3 =	sgt.s32 s22, $0x10;
	vm1 =	vgt.u32 v1, v0  }
.Ltmp10:
0x231: {  	_ = 	snop;
	(pc) =	sbr.rel @!p3 .LBB2_11-.Ltmp10, $2  }
0x232: {  	_ =	sdelay $0x2  }
0x233: {  	s24 =	simm.s32 $0x10;
	s26 =	sadd.s32 $0xFFFFFFF0, s22;
	s20 =	smov.u32 s19;
	vm0 =	vmmov vm1  }
.LBB2_10:
0x234: {  	s0 =	smin.u32 s26, $0x10;
	s24 =	sadd.s32 $0x10, s24;
	v1 =	vld.msk [tilespmem:s20+$0x0 ss:$0x1], vm1  }
0x235: {  	v2 =	vmov s0;
	p3 =	slt.s32 s24, s22  }
0x236: {  	vm1 =	vgt.u32 v2, v0  }
.Ltmp11:
0x237: {  	(pc) =	sbr.rel @p3 .LBB2_10-.Ltmp11, $3  }
0x238: {  	_ =	sdelay $0x1  }
0x239: {  	v1 =	vshll.u32 v1, $0x4  }
0x23a: {  	s26 =	sadd.s32 $0xFFFFFFF0, s26;
	[tilespmem:s20+$0x0] =	vst.msk vm0, v1;
	s20 =	sadd.s32 $0x10, s20;
	vm0 =	vmmov vm1  }
.LBB2_11:
0x23b: {  	_ =	sdelay $0x4  }
0x23c: {  	v1 =	vld.msk [tilespmem:s20+$0x0 ss:$0x1], vm1;
	_ =	sdelay $0x4  }
0x23d: {  	v1 =	vshll.u32 v1, $0x4  }
0x23e: {  	[tilespmem:s20+$0x0] =	vst.msk vm0, v1  }
.LBB2_12:
0x23f: {  	s0 =	sand.u32 $0x1, s17  }
0x240: {  	s0 =	smul.u32 $0x1B0, s0  }
0x241: {  	p3 =	sne.s32 s25, $0xFFFFFFFF  }
0x242: {  	v1 =	vld.msk @!p3 [tilespmem:s0+$0x3D88], $0x1;
	_ =	sdelay $0x4  }
0x243: {  	(v2sf) =	vpush @!p3 v1, $0x0;
	_ =	sdelay $0xc  }
.Ltmp12:
0x244: {  	_ = 	snop;
	(pc) =	sbr.rel @p2 .LBB2_18-.Ltmp12, $4  }
0x245: {  	_ = 	snop  }
0x246: {  	s24 =	spop @!p3 (v2sf)  }
0x247: {  	s18 =	simm.s32 @!p3 $0x0;
	s20 =	smov.u32 s24  }
0x248: {  	[sflag:s14] =	ssyncpa.u1 $0x0;
	s24 =	smov.u32 @p3 s23;
	s20 =	smov.u32 @p3 s25  }
0x249: {  	v1 =	vld.msk [tilespmem:s19+$0x0], $0x1;
	_ =	sdelay $0x4  }
0x24a: {  	(v2sf) =	vpush v1, $0x0;
	_ =	sdelay $0xd  }
0x24b: {  	s0 =	simm.s32 @!p4 $0x0  }
0x24c: {  	s26 =	smul.u32 $0x36000, s21;
	s25 =	ssub.s32 $0x0, s22;
	s28 =	spop (v2sf)  }
0x24d: {  	s0 =	simm.s32 @p4 $0x1;
	s23 =	sadd.s32 $0x1, s25;
	p2 =	seq.s32 s24, s28  }
0x24e: {  	[smem:$0x7FD] =	sst s0;
	s0 =	sshrl.u32 s26, $0x2;
	p3 =	sgt.s32 @!p2 s24, $0x0  }
0x24f: {  	s21 =	sadd.s32 $0x40E8, s0;
	s0 =	smov.u32 s24;
	p3 =	por !p3, p2  }
0x250: {  	s0 =	simm.s32 @p3 $0x0;
	p3 =	seq.s32 s23, $0x0  }
.Ltmp13:
0x251: {  	_ = 	snop;
	(pc) =	sbr.rel @p3 .LBB2_15-.Ltmp13, $4  }
0x252: {  	s3 =	smov.u32 s8;
	s12 =	smov.u32 s5;
	s8 =	smov.u32 s6  }
0x253: {  	s22 =	simm.s32 $0x0;
	s29 =	simm.s32 @!p2 $0x1;
	s0 =	smin.u32 @!p2 s0, $0x270FF  }
0x254: {  	s30 =	simm.s32 @!p2 $0x1B38;
	s29 =	smov.u32 @p2 s22;
	s26 =	sand.u32 @!p2 $0x3FFF8, s0  }
0x255: {  	s31 =	sand.u32 @!p2 $0x7, s0;
	s0 =	sadd.s32 @!p2 s1, s26;
	s26 =	sadd.s32 $0x1, s19  }
.LBB2_14:
0x256: {  	s2 =	smov.u32 s29  }
0x257: {  	[tilespmem:s30], [sflag:$0x2] =	stream.linear.gather @!p2 [hbm4b:s0+s31], $0x4, $0x38;
	[tilespmem:$0x1F0E8] =	vst v63  }
0x258: {  	s23 =	sadd.s32 $0x1, s23;
	s0 =	smov.u32 s28;
	v1 =	vld.msk [tilespmem:s26+$0x0], $0x1  }
0x259: {  	p3 =	seq.s32 s23, $0x0;
	_ =	sdelay $0x3  }
0x25a: {  	(v2sf) =	vpush v1, $0x0;
	_ =	sdelay $0xe  }
0x25b: {  	s28 =	spop (v2sf)  }
0x25c: {  	p2 =	seq.s32 s0, s28  }
0x25d: {  	p4 =	sgt.s32 @!p2 s0, $0x0;
	s30 =	sshll.u32 @!p2 s29, $0x6;
	s29 =	sadd.s32 @!p2 $0x1, s29  }
.Ltmp14:
0x25e: {  	p4 =	por !p4, p2;
	s30 =	sshra.s32 @!p2 s30, $0x2;
	(pc) =	sbr.rel @!p3 .LBB2_14-.Ltmp14, $4  }
0x25f: {  	s29 =	smov.u32 @p2 s2;
	s0 =	simm.s32 @p4 $0x0;
	s30 =	sadd.s32 @!p2 $0x1B38, s30  }
0x260: {  	s0 =	smin.u32 @!p2 s0, $0x270FF  }
0x261: {  	s2 =	sand.u32 @!p2 $0x3FFF8, s0;
	s31 =	sand.u32 @!p2 $0x7, s0  }
0x262: {  	s26 =	sadd.s32 $0x1, s26;
	s0 =	sadd.s32 @!p2 s1, s2  }
.LBB2_15:
0x263: {  	[tilespmem:s30], [sflag:$0x2] =	stream.linear.gather @!p2 [hbm4b:s0+s31], $0x4, $0x38;
	[tilespmem:$0x1F0E8] =	vst v63  }
0x264: {  	s31 =	sshll.u32 s29, $0x2  }
0x265: {  	s2 =	simm.s32 $0x2;
	s0 =	sand.u32 $0x3FFFFFFC, s31  }
0x266: {  	_ =	swait.ge [sflag:s2], s0  }
0x267: {  	s0 =	ssub.s32 $0x0, s0;
	[sflag:s2] =	ssyncset.done $0x0  }
0x268: {  	[sflag:s2] =	ssyncadd.s32 s0  }
0x269: {  	v1 =	vld.msk [tilespmem:s19+$0x0], $0x1;
	_ =	sdelay $0x4  }
0x26a: {  	(v2sf) =	vpush v1, $0x0;
	_ =	sdelay $0xe  }
0x26b: {  	s23 =	spop (v2sf)  }
0x26c: {  	p2 =	sne.s32 s24, s23  }
0x26d: {  	p4 =	sne.s32 @p2 s24, s20  }
0x26e: {  	p3 =	por !p4, !p2  }
0x26f: {  	s0 =	simm.s32 @!p3 $0x0  }
0x270: {  	v1 =	vld.msk @!p3 [tilespmem:s0+$0x1B38], $0xf  }
0x271: {  	p5 =	sgt.u32 @!p3 s24, $0x270FF  }
0x272: {  	s2 =	sshll.u32 @!p3 s18, $0x6;
	p6 =	por @p2 p5, !p4  }
0x273: {  	s2 =	sshra.s32 @!p3 s2, $0x2;
	p1 =	por p6, !p2;
	p6 =	por p4, !p2  }
0x274: {  	s26 =	sadd.s32 @!p3 $0x28, s2;
	s28 =	sand.u32 @!p1 $0x3FFF8, s24;
	s29 =	sshll.u32 @!p6 s18, $0x6  }
0x275: {  	s24 =	sand.u32 @!p1 $0x7, s24;
	[tilespmem:s2+$0x28] =	vst.add.f32.msk @!p3 $0xf, v1;
	s2 =	sadd.s32 @!p1 s1, s28;
	s28 =	sshra.s32 @!p6 s29, $0x2  }
0x276: {  	[hbm4b:s2+s24] =	stream.linear.scatter @!p1 [tilespmem:s26], [sflag:$0xA], $0x4, $0x38;
	[tilespmem:$0x1F0E8] =	vst v63  }
0x277: {  	s0 =	rddreg [dreg:$0x2];
	s2 =	sadd.s32 @!p6 $0x28, s28;
	s24 =	simm.s32 @!p6 $0x1  }
0x278: {  	[spmem:s0] =	stream.linear.scatter @!p6 [tilespmem:s2], [sflag:$0x1], $0x4, $0x38;
	[tilespmem:$0x1F0E8] =	vst v63  }
0x279: {  	s0 =	sadd.s32 @p2 $0x1, s18;
	_ =	swait.ge @!p6 [sflag:s24], $0x4  }
0x27a: {  	s2 =	sshrl.u32 @p2 s0, $0x4;
	[sflag:s24] =	ssyncset.done @!p6 $0x0  }
0x27b: {  	s2 =	smulhi.u32 @p2 $0x97B425F, s2;
	[sflag:s24] =	ssyncadd.s32 @!p6 $0xFFFFFFFC  }
0x27c: {  	s24 =	sadd.s32 $0x1, s25;
	v1 =	vld.msk @p2 [tilespmem:s21+$0x0], $0xf  }
0x27d: {  	p1 =	por @p2 !p5, !p4;
	s2 =	smul.u32 @p2 $0x1B0, s2;
	p4 =	seq.s32 s24, $0x0  }
.Ltmp15:
0x27e: {  	p1 =	por !p1, !p2;
	s25 =	simm.s32 @!p3 $0x0;
	(pc) =	sbr.rel @p4 .LBB2_17-.Ltmp15, $4  }
0x27f: {  	s26 =	sshll.u32 @!p2 s18, $0x6;
	s25 =	simm.s32 @!p1 $0x10;
	s0 =	ssub.s32 @p2 s0, s2  }
0x280: {  	s26 =	sshra.s32 @!p2 s26, $0x2;
	s28 =	sadd.s32 @!p3 $0x0, s25;
	s29 =	sshll.u32 @p2 s0, $0x4  }
0x281: {  	s25 =	simm.s32 $0x0;
	s2 =	simm.s32 @p2 $0x1;
	s28 =	smov.u32 @p3 s22;
	[tilespmem:s29+$0x28] =	vst.msk @p2 $0xf, v1  }
0x282: {  	s18 =	smov.u32 @p2 s0;
	s25 =	smov.u32 @p2 s28;
	s22 =	smov.u32 @p2 s2;
	v1 =	vld.msk @!p2 [tilespmem:s21+$0x0], $0xf  }
.LBB2_16:
0x283: {  	_ =	sdelay $0x3  }
0x284: {  	s19 =	sadd.s32 $0x1, s19;
	[tilespmem:s26+$0x28] =	vst.add.f32.msk @!p2 $0xf, v1  }
0x285: {  	v1 =	vld.msk [tilespmem:s19+$0x0], $0x1;
	_ =	sdelay $0x4  }
0x286: {  	(v2sf) =	vpush v1, $0x0;
	_ =	sdelay $0xe  }
0x287: {  	s0 =	smov.u32 s23;
	s23 =	spop (v2sf)  }
0x288: {  	p2 =	sne.s32 s0, s23  }
0x289: {  	p5 =	sne.s32 @p2 s0, s20  }
0x28a: {  	p4 =	por !p5, !p2  }
0x28b: {  	s30 =	sshll.u32 @!p4 s22, $0x6  }
0x28c: {  	s30 =	sshra.s32 @!p4 s30, $0x2  }
0x28d: {  	p1 =	sgt.u32 @!p4 s0, $0x270FF;
	v1 =	vld.msk @!p4 [tilespmem:s30+$0x1B38], $0xf  }
0x28e: {  	s31 =	sshll.u32 @!p4 s18, $0x6;
	p6 =	por @p2 p1, !p5;
	p1 =	por @p2 !p1, !p5  }
0x28f: {  	s5 =	simm.s32 @!p4 $0x0;
	s31 =	sshra.s32 @!p4 s31, $0x2;
	p1 =	por !p1, !p2  }
0x290: {  	p5 =	por p5, !p2;
	s5 =	simm.s32 @!p1 $0x10;
	p1 =	por p6, !p2  }
0x291: {  	s30 =	sadd.s32 @!p4 $0x28, s31;
	s6 =	sshll.u32 @!p5 s18, $0x6;
	s10 =	sand.u32 @!p1 $0x3FFF8, s0  }
0x292: {  	s6 =	sshra.s32 @!p5 s6, $0x2;
	s0 =	sand.u32 @!p1 $0x7, s0;
	s10 =	sadd.s32 @!p1 s1, s10;
	[tilespmem:s31+$0x28] =	vst.add.f32.msk @!p4 $0xf, v1  }
0x293: {  	[hbm4b:s10+s0] =	stream.linear.scatter @!p1 [tilespmem:s30], [sflag:$0xA], $0x4, $0x38;
	[tilespmem:$0x1F0E8] =	vst v63  }
0x294: {  	s2 =	rddreg [dreg:$0x2];
	s0 =	sadd.s32 @!p5 $0x28, s6;
	s6 =	simm.s32 @!p5 $0x1  }
0x295: {  	[spmem:s2] =	stream.linear.scatter @!p5 [tilespmem:s0], [sflag:$0x1], $0x4, $0x38;
	[tilespmem:$0x1F0E8] =	vst v63  }
0x296: {  	s28 =	sadd.s32 @p2 $0x1, s18;
	_ =	swait.ge @!p5 [sflag:s6], $0x4  }
0x297: {  	s29 =	sshrl.u32 @p2 s28, $0x4;
	[sflag:s6] =	ssyncset.done @!p5 $0x0  }
0x298: {  	s21 =	sadd.s32 $0x80, s21;
	s29 =	smulhi.u32 @p2 $0x97B425F, s29;
	[sflag:s6] =	ssyncadd.s32 @!p5 $0xFFFFFFFC  }
0x299: {  	s24 =	sadd.s32 $0x1, s24;
	v1 =	vld.msk @p2 [tilespmem:s21+$0x0], $0xf  }
0x29a: {  	p3 =	seq.s32 s24, $0x0;
	s29 =	smul.u32 @p2 $0x1B0, s29  }
.Ltmp16:
0x29b: {  	_ = 	snop;
	(pc) =	sbr.rel @!p3 .LBB2_16-.Ltmp16, $4  }
0x29c: {  	s28 =	ssub.s32 @p2 s28, s29  }
0x29d: {  	s26 =	sshll.u32 @!p2 s18, $0x6;
	s5 =	sadd.s32 @!p4 s5, s25;
	s10 =	sshll.u32 @p2 s28, $0x4  }
0x29e: {  	s9 =	sadd.s32 @p2 $0x1, s22;
	s26 =	sshra.s32 @!p2 s26, $0x2;
	s5 =	smov.u32 @p4 s25;
	[tilespmem:s10+$0x28] =	vst.msk @p2 $0xf, v1  }
0x29f: {  	s22 =	smov.u32 @p2 s9;
	s18 =	smov.u32 @p2 s28;
	s25 =	smov.u32 @p2 s5;
	v1 =	vld.msk @!p2 [tilespmem:s21+$0x0], $0xf  }
.LBB2_17:
.Ltmp17:
0x2a0: {  	_ = 	snop;
	(pc) =	sbr.rel .LBB2_19-.Ltmp17, $4  }
0x2a1: {  	s2 =	sld [smem:$0x7FD]  }
0x2a2: {  	s0 =	sshrl.u32 s25, $0x2  }
0x2a3: {  	s24 =	smov.u32 s23;
	s6 =	smov.u32 s8;
	s5 =	smov.u32 s12  }
0x2a4: {  	s8 =	smov.u32 s3;
	s3 =	rddreg [dreg:$0x3];
	p4 =	seq.s32 s2, $0x1;
	[tilespmem:s26+$0x28] =	vst.add.f32.msk @!p2 $0xf, v1  }
.LBB2_21:
0x2a5: {  	_ =	sfence.sel $0x180000  }
0x2a6: {  	s0 =	simm.s32 $0x7;
	[bflag:$0x0] =	sbarrier.arrive $0xFFFF  }
0x2a7: {  	s25 =	simm.s32 $0x8;
	[sflag:s0] =	ssyncpa.u1 $0x1  }
0x2a8: {  	s26 =	simm.s32 $0x9;
	[sflag:s25] =	ssyncpa.u1 $0x1  }
0x2a9: {  	s28 =	simm.s32 $0x2;
	[sflag:s26] =	ssyncpa.u1 $0x1  }
0x2aa: {  	[sflag:s28] =	ssyncpa.u1 $0x1  }
0x2ab: {  	v0 =	vld [tilespmem:$0x3648];
	_ =	sdelay $0x4  }
0x2ac: {  	(v2sf) =	vpush v0, $0x0  }
0x2ad: {  	(v2sf) =	vpush v0, $0x1;
	_ =	sdelay $0x1  }
0x2ae: {  	(v2sf) =	vpush v0, $0x2;
	_ =	sdelay $0xb  }
0x2af: {  	s0 =	spop (v2sf)  }
0x2b0: {  	s2 =	spop (v2sf)  }
0x2b1: {  	s3 =	smov.u32 s0;
	p0 =	sne.s32 s0, s2  }
0x2b2: {  	s4 =	spop (v2sf);
	s3 =	simm.s32 @!p0 $0xFFFFFFFF  }
0x2b3: {  	v2 =	vimm.s32 $0x1;
	v3 =	vlaneseq.u32;
	p0 =	seq.s32 s4, $0xFFFFFFFF;
	v1 =	vmov s3  }
0x2b4: {  	s7 =	stileid.u32;
	v0 =	vperm.xlane v0, v2;
	p1 =	sne.s32 @!p0 s0, s2;
	v1 =	vperm.xlane v1, v3  }
0x2b5: {  	vm0 =	vcmask $0x3F04;
	s6 =	simm.s32 $0x3648;
	s0 =	simm.s32 @!p0 $0x1;
	p1 =	por !p1, p0  }
0x2b6: {  	s3 =	sshll.u32 s7, $0x1;
	s2 =	sshll.u32 @!p0 s4, $0x6;
	s0 =	simm.s32 @p1 $0x0;
	v0 =	vsel vm0, v1, v0  }
0x2b7: {  	s5 =	sor.u32 $0x200, s3;
	s2 =	sshra.s32 @!p0 s2, $0x2;
	s0 =	sor.u32 @!p0 s0, s3;
	[tilespmem:$0x3648] =	vst v0  }
0x2b8: {  	[spmem:s5] =	stream.linear.scatter [tilespmem:s6], [sflag:$0x1], $0x2, $0x38;
	[tilespmem:$0x1F0E8] =	vst v63  }
0x2b9: {  	s2 =	sadd.s32 @!p0 $0x28, s2;
	s0 =	sshll.u32 @!p0 s0, $0x4  }
0x2ba: {  	[spmem:s0] =	stream.linear.scatter @!p0 [tilespmem:s2], [sflag:$0x1], $0x10, $0x38;
	[tilespmem:$0x1F0E8] =	vst v63  }
0x2bb: {  	s0 =	simm.s32 @!p0 $0x12  }
0x2bc: {  	s3 =	simm.s32 $0x1;
	s0 =	simm.s32 @p0 $0x2  }
0x2bd: {  	_ =	swait.ge [sflag:s3], s0  }
0x2be: {  	s0 =	ssub.s32 $0x0, s0;
	[sflag:s3] =	ssyncset.done $0x0  }
0x2bf: {  	[sflag:s3] =	ssyncadd.s32 s0  }
0x2c0: {  	_ =	sfence.stream.spmem  }
0x2c1: {  	s29 =	simm.s32 $0x3;
	[bflag:$0x0] =	sbarrier.arrive $0xFFFF  }
0x2c2: {  	s30 =	simm.s32 $0x4;
	[sflag:s29] =	ssyncpa.u1 $0x1  }
0x2c3: {  	s31 =	simm.s32 $0x3C;
	[sflag:s30] =	ssyncpa.u1 $0x1  }
0x2c4: {  	p0 =	sne.s32 s7, $0x0;
	[sflag:s31] =	ssyncpa.u1 $0x1  }
0x2c5: {  	_ =	sfence @p0  }
0x2c6: {  	[sflag:s3] =	ssyncpa.u1 @p0 $0x1  }
0x2c7: {  	_ =	strace @p0 $0x9000004A  }
0x2c8: {  	[bflag:$0x2] =	sbarrier.arrive @p0 $0xFFFF  }
0x2c9: {  	_ =	shalt @p0  }
.LBB2_22:
0x2ca: {  	_ =	sfence.stream.spmem;
	s0 =	simm.s32 $0x5  }
0x2cb: {  	s2 =	simm.s32 $0x200;
	s3 =	simm.s32 $0x3658;
	[sflag:s0] =	ssyncpa.u1 $0x0  }
0x2cc: {  	[tilespmem:s3], [sflag:$0x5] =	stream.linear.gather [spmem:s2], $0x20, $0x38;
	[tilespmem:$0x1F0E8] =	vst v63  }
0x2cd: {  	s30 =	simm.s32 $0x3678;
	s2 =	simm.s32 $0x0  }
0x2ce: {  	[tilespmem:s30], [sflag:$0x5] =	stream.linear.gather [spmem:s2], $0x200, $0x38;
	[tilespmem:$0x1F0E8] =	vst v63  }
.Ltmp18:
0x2cf: {  	_ = 	snop;
	(pc) =	sbr.rel .LBB2_23-.Ltmp18, $4  }
0x2d0: {  	_ =	swait.ge [sflag:s0], $0x220  }
0x2d1: {  	[sflag:s0] =	ssyncset.done $0x0  }
0x2d2: {  	s31 =	simm.s32 $0x6;
	[sflag:s0] =	ssyncadd.s32 $0xFFFFFDE0  }
0x2d3: {  	s3 =	simm.s32 $0x0;
	[sflag:s31] =	ssyncpa.u1 $0x0  }
.LBB2_28:
0x2d4: {  	p0 =	slt.u32 s4, $0x27100  }
0x2d5: {  	s0 =	sand.u32 @p0 $0x3FFF8, s4  }
0x2d6: {  	s4 =	sand.u32 @p0 $0x7, s4;
	s5 =	simm.s32 @p0 $0x3638;
	s0 =	sadd.s32 @p0 s1, s0  }
0x2d7: {  	[tilespmem:s5], [sflag:$0x6] =	stream.linear.gather @p0 [hbm4b:s0+s4], $0x4, $0x38;
	[tilespmem:$0x1F0E8] =	vst v63  }
0x2d8: {  	s0 =	simm.s32 @p0 $0x6  }
0x2d9: {  	_ =	swait.ge @p0 [sflag:s0], $0x4  }
0x2da: {  	[sflag:s0] =	ssyncset.done @p0 $0x0  }
0x2db: {  	[sflag:s0] =	ssyncadd.s32 @p0 $0xFFFFFFFC  }
0x2dc: {  	v1 =	vld @p0 [tilespmem:$0x3638];
	_ =	sdelay $0x2  }
0x2dd: {  	s0 =	sshll.u32 @p0 s3, $0x6  }
0x2de: {  	s5 =	sshll.u32 @!p0 s3, $0x6;
	s4 =	sshrl.u32 @p0 s0, $0x2  }
0x2df: {  	s5 =	smov.u32 @p0 s0;
	[tilespmem:s4+$0x3678] =	vst.add.f32.msk @p0 $0xffff, v1  }
0x2e0: {  	s0 =	sshrl.u32 s5, $0x2;
	[tilespmem:s2+$0x3658] =	vst.msk $0x1, v0  }
0x2e1: {  	v0 =	vld [tilespmem:s0+$0x3678];
	_ =	sdelay $0x2  }
0x2e2: {  	s31 =	sshll.u32 s2, $0x6  }
0x2e3: {  	s0 =	sshra.s32 s31, $0x2  }
0x2e4: {  	s2 =	sadd.s32 $0x1, s2;
	[tilespmem:s0+$0x3678] =	vst v0  }
.LBB2_30:
0x2e5: {  	s3 =	sadd.s32 $0x1, s3  }
0x2e6: {  	p0 =	sne.s32 s3, $0x20  }
.Ltmp19:
0x2e7: {  	_ = 	snop;
	(pc) =	sbr.rel @!p0 .LBB2_31-.Ltmp19, $1  }
0x2e8: {  	_ =	sdelay $0x3  }
.LBB2_23:
0x2e9: {  	v0 =	vld.msk [tilespmem:s3+$0x3658], $0x1;
	_ =	sdelay $0x4  }
0x2ea: {  	(v2sf) =	vpush v0, $0x0;
	_ =	sdelay $0xe  }
0x2eb: {  	s4 =	spop (v2sf)  }
0x2ec: {  	p0 =	seq.s32 s4, $0xFFFFFFFF  }
.Ltmp20:
0x2ed: {  	_ = 	snop;
	(pc) =	sbr.rel @p0 .LBB2_30-.Ltmp20, $1  }
0x2ee: {  	_ =	sdelay $0x3  }
0x2ef: {  	p0 =	slt.s32 s2, $0x1  }
.Ltmp21:
0x2f0: {  	_ = 	snop;
	(pc) =	sbr.rel @p0 .LBB2_28-.Ltmp21, $1  }
0x2f1: {  	_ =	sdelay $0x3  }
0x2f2: {  	s5 =	simm.s32 $0x3658;
	p0 =	por $0x0, $0x0  }
0x2f3: {  	v1 =	vld.msk @!p0 [tilespmem:s5+$0x0], $0x1;
	_ =	sdelay $0x4  }
0x2f4: {  	(v2sf) =	vpush @!p0 v1, $0x0;
	_ =	sdelay $0xd  }
0x2f5: {  	p2 =	sne.s32 s2, $0x1  }
.Ltmp22:
0x2f6: {  	s0 =	spop @!p0 (v2sf);
	(pc) =	sbr.rel @!p2 .LBB2_27-.Ltmp22, $4  }
0x2f7: {  	p1 =	seq.s32 @!p0 s4, s0  }
0x2f8: {  	s6 =	simm.s32 $0x0;
	p1 =	por !p1, p0  }
0x2f9: {  	s0 =	simm.s32 $0xFFFFFFFF;
	s6 =	simm.s32 @p1 $0xFFFFFFFF  }
0x2fa: {  	s7 =	simm.s32 $0x1;
	s6 =	smov.u32 @p0 s0  }
.LBB2_26:
0x2fb: {  	s0 =	smov.u32 s6;
	p0 =	sne.s32 s6, $0xFFFFFFFF  }
0x2fc: {  	s5 =	sadd.s32 $0x1, s5;
	s6 =	smov.u32 s7;
	s7 =	sadd.s32 $0x1, s7  }
0x2fd: {  	p1 =	sne.s32 s2, s7;
	v1 =	vld.msk @!p0 [tilespmem:s5+$0x0], $0x1;
	_ =	sdelay $0x4  }
0x2fe: {  	(v2sf) =	vpush @!p0 v1, $0x0;
	_ =	sdelay $0xe  }
.Ltmp23:
0x2ff: {  	s8 =	spop @!p0 (v2sf);
	(pc) =	sbr.rel @p1 .LBB2_26-.Ltmp23, $4  }
0x300: {  	p2 =	seq.s32 @!p0 s4, s8  }
0x301: {  	p2 =	por !p2, p0  }
0x302: {  	s6 =	simm.s32 @p2 $0xFFFFFFFF  }
0x303: {  	s6 =	smov.u32 @p0 s0  }
.LBB2_27:
0x304: {  	p0 =	sne.s32 s6, $0xFFFFFFFF  }
.Ltmp24:
0x305: {  	_ = 	snop;
	(pc) =	sbr.rel @!p0 .LBB2_28-.Ltmp24, $1  }
0x306: {  	_ =	sdelay $0x3  }
0x307: {  	s0 =	sshll.u32 s3, $0x4  }
0x308: {  	s0 =	sand.u32 $0x3FFFFFF0, s0  }
0x309: {  	v0 =	vld [tilespmem:s0+$0x3678]  }
.Ltmp25:
0x30a: {  	_ = 	snop;
	(pc) =	sbr.rel .LBB2_30-.Ltmp25, $4  }
0x30b: {  	_ = 	snop  }
0x30c: {  	s31 =	sshll.u32 s6, $0x6  }
0x30d: {  	s0 =	sshra.s32 s31, $0x2  }
0x30e: {  	[tilespmem:s0+$0x3678] =	vst.add.f32.msk $0xffff, v0  }
.LBB2_31:
0x30f: {  	p0 =	slt.s32 s2, $0x1  }
.Ltmp26:
0x310: {  	_ = 	snop;
	(pc) =	sbr.rel @p0 .LBB2_35-.Ltmp26, $3  }
0x311: {  	_ =	sdelay $0x1  }
0x312: {  	s0 =	simm.s32 $0x6  }
0x313: {  	s3 =	simm.s32 $0x0;
	[sflag:s0] =	ssyncpa.u1 $0x1  }
0x314: {  	s0 =	simm.s32 $0x3658  }
0x315: {  	v0 =	vld.msk [tilespmem:s0+$0x0], $0x1;
	_ =	sdelay $0x4  }
0x316: {  	(v2sf) =	vpush v0, $0x0;
	_ =	sdelay $0xd  }
0x317: {  	s2 =	sadd.s32 $0xFFFFFFFF, s2  }
0x318: {  	p1 =	sne.s32 s2, $0x0;
	s0 =	spop (v2sf)  }
.Ltmp27:
0x319: {  	p0 =	sgt.u32 s0, $0x270FF;
	(pc) =	sbr.rel @!p1 .LBB2_34-.Ltmp27, $4  }
0x31a: {  	s4 =	simm.s32 $0x3678;
	s5 =	sand.u32 @!p0 $0x3FFF8, s0  }
0x31b: {  	s6 =	simm.s32 $0x0;
	s0 =	sand.u32 @!p0 $0x7, s0;
	s5 =	sadd.s32 @!p0 s1, s5  }
0x31c: {  	[hbm4b:s5+s0] =	stream.linear.scatter @!p0 [tilespmem:s4], [sflag:$0x5], $0x4, $0x38;
	[tilespmem:$0x1F0E8] =	vst v63  }
0x31d: {  	s6 =	simm.s32 @!p0 $0x10;
	s5 =	simm.s32 $0x3659  }
.LBB2_33:
0x31e: {  	v0 =	vld.msk [tilespmem:s5+$0x0], $0x1;
	s2 =	sadd.s32 $0xFFFFFFFF, s2;
	s3 =	sadd.s32 s3, s6  }
0x31f: {  	p0 =	sne.s32 s2, $0x0;
	_ =	sdelay $0x3  }
0x320: {  	(v2sf) =	vpush v0, $0x0;
	_ =	sdelay $0xe  }
.Ltmp28:
0x321: {  	s0 =	spop (v2sf);
	(pc) =	sbr.rel @p0 .LBB2_33-.Ltmp28, $4  }
0x322: {  	s6 =	simm.s32 $0x0;
	p1 =	sgt.u32 s0, $0x270FF  }
0x323: {  	s4 =	sadd.s32 $0x10, s4;
	s6 =	simm.s32 @!p1 $0x10;
	s7 =	sand.u32 @!p1 $0x3FFF8, s0  }
0x324: {  	s5 =	sadd.s32 $0x1, s5;
	s0 =	sand.u32 @!p1 $0x7, s0;
	s7 =	sadd.s32 @!p1 s1, s7  }
0x325: {  	[hbm4b:s7+s0] =	stream.linear.scatter @!p1 [tilespmem:s4], [sflag:$0x5], $0x4, $0x38;
	[tilespmem:$0x1F0E8] =	vst v63  }
.LBB2_34:
0x326: {  	s0 =	sadd.s32 s3, s6  }
0x327: {  	s3 =	sshrl.u32 s0, $0x2  }
.LBB2_35:
0x328: {  	s0 =	simm.s32 $0x5  }
0x329: {  	_ =	swait.ge [sflag:s0], s3  }
0x32a: {  	s1 =	ssub.s32 $0x0, s3;
	[sflag:s0] =	ssyncset.done $0x0  }
0x32b: {  	[sflag:s0] =	ssyncadd.s32 s1  }
0x32c: {  	[sflag:s0] =	ssyncpa.u1 $0x1  }
0x32d: {  	s30 =	simm.s32 $0x1;
	_ =	sfence  }
0x32e: {  	[sflag:s30] =	ssyncpa.u1 $0x1  }
0x32f: {  	_ =	strace $0x9000004A  }
0x330: {  	[bflag:$0x2] =	sbarrier.arrive $0xFFFF  }
0x331: {  	s31 =	rddreg [dreg:$0x1]  }
0x332: {  	s0 =	sadd.s32 $0x100000, s31  }
0x333: {  	[sflag:s0] =	ssyncadd.tile.s32 $0x1;
	_ =	shalt  }
.Lfunc_end2:
_tile_overlayer_lowered:
.L_overlay_start_2:
0x334: {  	(tag) =	ssettag $0x2  }
0x335: {  	s0 =	rddreg [dreg:$0x0];
	s2 =	stileid.u32  }
0x336: {  	s1 =	rddreg [dreg:$0x1];
	p0 =	sne.s32 s2, $0x0  }
0x337: {  	s3 =	rddreg [dreg:$0x2];
	[bflag:$0x3] =	sbarrier.arrive $0xFFFF;
	s2 =	simm.s32 @!p0 $0x1C01  }
0x338: {  	[timem:s3], [sflag:s2] =	dma.local @!p0 [hbm:s0], s1  }
0x339: {  	s0 =	simm.s32 @!p0 $0x1  }
0x33a: {  	_ =	swait.ge @!p0 [sflag:s0], s1  }
0x33b: {  	s1 =	ssub.s32 @!p0 $0x0, s1;
	[sflag:s0] =	ssyncset.done @!p0 $0x0  }
0x33c: {  	[sflag:s0] =	ssyncadd.s32 @!p0 s1  }
0x33d: {  	[bflag:$0x3] =	sbarrier.arrive $0xFFFF  }
0x33e: {  	_ =	shalt  }

// kernel: sparse-core-data-format-call.cloned.1.call-start
scs
called_computation.3_lowered:
.L_overlay_start_0:
0x0: {  	s1 =	sld [smem:$0x3FD9]  }
0x1: {  	s2 =	sld [smem:$0x3FFE];
	_ =	sdelay $0x1  }
0x2: {  	s3 =	srdreg.scid  }
0x3: {  	s0 =	sand.u32 $0x1, s3  }
0x4: {  	s17 =	sshll.u32 s0, $0xA;
	s1 =	sadd.s32 s2, s1  }
0x5: {  	s1 =	sadd.s32 s1, s17  }
0x6: {  	[smem:$0x3FBE] =	sst s1  }
0x7: {  	_ = 	snop  }
0x8: {  	(tm) =	ssettm $0x1  }
0x9: {  	s18 =	sld [smem:$0x3FFB];
	_ =	sdelay $0x3  }
0xa: {  	_ =	strace s18  }
0xb: {  	s1 =	sld [smem:$0x3FFC];
	_ =	sdelay $0x3  }
0xc: {  	_ =	strace s1  }
0xd: {  	s1 =	sld [smem:$0x3FFD];
	_ =	sdelay $0x3  }
0xe: {  	_ =	strace s1  }
0xf: {  	_ =	strace $0x8FFFFFFF  }
0x10: {  	s19 =	sld [smem:$0x3FDB];
	_ =	sdelay $0x1  }
0x11: {  	s20 =	simm.s32 $_scs_section_size  }
0x12: {  	s4 =	simm.s32 $_size__tile_overlayer_lowered;
	s5 =	simm.s32 $_tile_overlayer_lowered  }
0x13: {  	s23 =	simm.s32 $0x1BFF;
	s22 =	sshll.u32 s5, $0x1;
	s1 =	sadd.s32 s20, s19  }
0x14: {  	s6 =	simm.s32 $0x0;
	s21 =	sshll.u32 s4, $0x1;
	s4 =	sadd.s32 s22, s1  }
0x15: {  	[timem:s6], [sflag:s23] =	dma.local [hbm:s4], s21  }
0x16: {  	_ =	swait.ge [sflag:s23], s21  }
0x17: {  	s2 =	ssub.s32 $0x0, s21;
	[sflag:s23] =	ssyncset.done $0x0  }
0x18: {  	[sflag:s23] =	ssyncadd.s32 s2;
	_ =	sdelay $0x1  }
0x19: {  	s24 =	simm.s32 $0x1B8B  }
0x1a: {  	_ =	swait.ge [sflag:s24], $0x1  }
0x1b: {  	[sflag:s24] =	ssyncset.done $0x0  }
0x1c: {  	s26 =	simm.s32 $0x1B8E;
	s25 =	sld [smem:$0x3FFE];
	[sflag:s24] =	ssyncadd.s32 $0xFFFFFFFF  }
0x1d: {  	s27 =	simm.s32 $execute0_lowered;
	[smem:$0x3FD2] =	sst s26  }
0x1e: {  	s4 =	sshll.u32 s27, $0x1;
	_ =	strace $0x8000004C;
	[dreg:$0x1] =	wrdreg $0xFFFFFFFF  }
0x1f: {  	s28 =	simm.s32 $_size_execute0_lowered;
	s1 =	sadd.s32 s1, s4;
	[dreg:$0x0] =	wrdreg $0x0  }
0x20: {  	s4 =	sshll.u32 s28, $0x1;
	[dreg:$0x2] =	wrdreg s1  }
0x21: {  	[dreg:$0x3] =	wrdreg s4  }
0x22: {  	[dreg:$0x4] =	wrdreg $0xC0  }
0x23: {  	_ =	task [dreg:s6], $0x5FFFF  }
0x24: {  	[dreg:$0x1] =	wrdreg $0xFFFFFFFF  }
0x25: {  	[dreg:$0x0] =	wrdreg $0x60  }
0x26: {  	[dreg:$0x2] =	wrdreg s25  }
0x27: {  	[dreg:$0x3] =	wrdreg $0x9  }
0x28: {  	_ =	task.clear_ibuf [dreg:s6], $0x4FFFF;
	_ =	strace $0x9000004C  }
0x29: {  	s29 =	simm.s32 $0x9;
	_ =	strace $0x8000004E  }
0x2a: {  	_ =	swait.ge [sflag:s29], $0x1  }
0x2b: {  	[sflag:s29] =	ssyncadd.s32 $0xFFFFFFFF  }
0x2c: {  	_ =	strace $0x9000004E  }
0x2d: {  	_ =	sfence  }
0x2e: {  	s30 =	sld [smem:$0x0];
	_ =	sdelay $0x2  }
0x2f: {  	s31 =	sshll.u32 s3, $0xD;
	s3 =	sshrl.u32 s3, $0x2  }
0x30: {  	s2 =	sand.u32 $0x4000, s31;
	s1 =	sadd.s32 s3, s30  }
0x31: {  	s0 =	sor.u32 s2, s0;
	s1 =	sshll.u32 s1, $0x11  }
0x32: {  	s0 =	sor.u32 s1, s0  }
0x33: {  	s0 =	sadd.s32 $0x8F2B, s0  }
0x34: {  	[sflag:s0] =	ssyncadd.remote.s32 $0x1  }
0x35: {  	_ =	sfence.sel $0xFFFF  }
0x36: {  	[dreg:$0x0] =	wrdreg $0xFFFFFFFF;
	(pc) =	sbr.abs _section_cstart, $3  }
0x37: {  	[dreg:$0x1] =	wrdreg $0xFFFFFFFF  }
0x38: {  	_ =	task.clear_ibuf [dreg:s6], $0x2FFFF;
	_ =	strace $0x9FFFFFFF  }
0x39: {  	(tm) =	ssettm $0x7FFFFFFF  }
tec
execute0_lowered:
.L_overlay_start_1:
0x0: {  	(tag) =	ssettag $0x1  }
0x1: {  	s0 =	srdreg.scid  }
0x2: {  	s1 =	sshll.u32 s0, $0x4  }
0x3: {  	s4 =	rddreg [dreg:$0x0];
	s0 =	stileid.u32;
	s1 =	sand.u32 $0x10, s1  }
0x4: {  	s7 =	simm.s32 $0x1;
	s8 =	simm.s32 $0x2;
	s2 =	sor.u32 s0, s1  }
0x5: {  	s9 =	simm.s32 $0x0;
	s12 =	simm.s32 $0x0;
	s2 =	sshll.u32 s2, $0x1  }
0x6: {  	s11 =	simm.s32 $0x0;
	s3 =	sadd.s32 $0x174A00, s4;
	s6 =	ssub.s32 $0x4E2, s2  }
.Ltmp0:
0x7: {  	s4 =	sadd.s32 $0x15000, s4;
	s5 =	sand.u32 $0x3E, s6;
	(pc) =	sbr.rel .LBB1_1-.Ltmp0, $4  }
0x8: {  	s1 =	rddreg [dreg:$0x1];
	_ =	strace $0x8000004D;
	p0 =	sne.s32 s5, $0x0  }
0x9: {  	s6 =	sshrl.u32 s6, $0x6;
	s5 =	simm.s32 $0x1;
	s7 =	simm.s32 @!p0 $0x0  }
0xa: {  	s10 =	smov.u32 s2;
	[sflag:s5] =	ssyncpa.u1 $0x0;
	s6 =	sadd.s32 s7, s6  }
0xb: {  	[sflag:s8] =	ssyncpa.u1 $0x0;
	s8 =	simm.s32 $0x0;
	s7 =	sadd.s32 $0x1, s6  }
.LBB1_9:
0xc: {  	s14 =	sadd.s32 $0x40, s10  }
0xd: {  	p1 =	sgt.s32 s14, $0x4E1  }
0xe: {  	s14 =	smov.u32 @p1 s2;
	p1 =	sne.s32 s11, s7  }
.Ltmp1:
0xf: {  	p0 =	slt.u32 s11, $0x2;
	(pc) =	sbr.rel @!p1 .LBB1_10-.Ltmp1, $4  }
0x10: {  	s13 =	simm.s32 @!p0 $0x2  }
0x11: {  	s15 =	sadd.s32 $0x1, s11;
	_ =	swait.ge @!p0 [sflag:s13], $0x4000  }
0x12: {  	s12 =	smov.u32 s10;
	s9 =	sadd.s32 $0x4000, s9;
	[sflag:s13] =	ssyncset.done @!p0 $0x0  }
0x13: {  	s11 =	smov.u32 s15;
	s10 =	smov.u32 s14;
	[sflag:s13] =	ssyncadd.s32 @!p0 $0xFFFFC000  }
.LBB1_1:
0x14: {  	p0 =	sge.u32 s11, s6  }
0x15: {  	s13 =	sxor.u32 @!p0 $0xFFFFFFFF, s11  }
0x16: {  	s31 =	sadd.s32 $0xFFFFFFFF, s11;
	s14 =	sshll.u32 @!p0 s10, $0xA;
	s13 =	sshll.u32 @!p0 s13, $0xE  }
0x17: {  	s15 =	simm.s32 @!p0 $0x0;
	s14 =	sadd.s32 @!p0 s3, s14;
	s13 =	sand.u32 @!p0 $0x4000, s13  }
0x18: {  	[tilespmem:s13], [sflag:$0x1] =	stream.linear.gather @!p0 [hbm4b:s14+s15], $0x4000, $0x38;
	[tilespmem:$0x10000] =	vst v63  }
0x19: {  	p0 =	sge.u32 s31, s6  }
.Ltmp2:
0x1a: {  	_ = 	snop;
	(pc) =	sbr.rel @p0 .LBB1_9-.Ltmp2, $1  }
0x1b: {  	_ =	sdelay $0x3  }
0x1c: {  	s13 =	sshll.u32 s9, $0x2  }
0x1d: {  	_ =	swait.ge [sflag:s5], $0x4000;
	s14 =	sshll.u32 s11, $0xE;
	s18 =	simm.s32 $0x0  }
0x1e: {  	p1 =	por $0x1, $0x1;
	s13 =	sand.u32 $0x10000, s13;
	[sflag:s5] =	ssyncset.done $0x0  }
0x1f: {  	s15 =	sand.u32 $0x4000, s14;
	s13 =	sshrl.u32 s13, $0x2;
	[sflag:s5] =	ssyncadd.s32 $0xFFFFC000  }
0x20: {  	s14 =	sor.u32 $0x8000, s15;
	s16 =	sor.u32 $0x8000, s13;
	s17 =	sadd.s32 $0x8400, s13  }
.LBB1_3:
0x21: {  	s19 =	sshll.u32 s18, $0x2  }
0x22: {  	s19 =	sshrl.u32 s19, $0x2  }
0x23: {  	v0 =	vmov s19;
	_ =	sdelay $0x2  }
0x24: {  	p0 =	por p1, p1;
	p1 =	por $0x0, $0x0;
	s20 =	simm.s32 $0x0  }
0x25: {  	s21 =	smov.u32 s13;
	s22 =	simm.s32 $0x0;
	s19 =	smov.u32 s16  }
.LBB1_4:
0x26: {  	_ =	sdelay $0x3  }
0x27: {  	v2 =	vld.idx.msk [tilespmem:v0+s21+$0x10 ss:$0x1], $0xffff  }
0x28: {  	v3 =	vld.idx.msk [tilespmem:v0+s21+$0x270 ss:$0x1], $0xffff  }
0x29: {  	s23 =	sshll.u32 s22, $0xA;
	v5 =	vld.idx.msk [tilespmem:v0+s21+$0x20 ss:$0x1], $0xffff  }
0x2a: {  	v8 =	vld.idx.msk [tilespmem:v0+s21+$0x30 ss:$0x1], $0xffff;
	s23 =	sadd.s32 s18, s23  }
0x2b: {  	v9 =	vld.idx.msk [tilespmem:v0+s21+$0x40 ss:$0x1], $0xffff;
	v1 =	vmov s23  }
0x2c: {  	s30 =	simm.s32 $0x0;
	v10 =	vld.idx.msk [tilespmem:v0+s21+$0x50 ss:$0x1], $0xffff  }
0x2d: {  	v11 =	vld.idx.msk [tilespmem:v0+s21+$0x60 ss:$0x1], $0xffff;
	s24 =	sand.u32 $0x100, s30  }
0x2e: {  	v12 =	vld.idx.msk [tilespmem:v0+s21+$0x70 ss:$0x1], $0xffff;
	s23 =	sand.u32 $0x80, s30;
	s24 =	sadd.s32 s24, s15;
	[tilespmem:v0+s19+$0x470 ss:$0x1] =	vst.idx.msk $0xffff, v3  }
0x2f: {  	v7 =	vld.idx.msk [tilespmem:v0+s21+$0x210 ss:$0x1], $0xffff;
	s23 =	sadd.s32 s23, s24;
	s24 =	simm.s32 $0x1;
	[tilespmem:v0+s19+$0x10 ss:$0x1] =	vst.idx.msk $0xffff, v2  }
0x30: {  	s31 =	sshll.u32 s20, $0x2;
	s24 =	simm.s32 @!p1 $0x0;
	[tilespmem:v0+s19+$0x20 ss:$0x1] =	vst.idx.msk $0xffff, v5;
	v4 =	vld.idx.msk [tilespmem:v1+s23+$0x200 ss:$0x1], $0xffff  }
0x31: {  	v6 =	vld.idx.msk [tilespmem:v0+s21+$0x220 ss:$0x1], $0xffff;
	s24 =	sshll.u32 s24, $0x9;
	[tilespmem:v0+s19+$0x30 ss:$0x1] =	vst.idx.msk $0xffff, v8;
	s23 =	sand.u32 $0xFFFFFC00, s31  }
0x32: {  	v3 =	vld.idx.msk [tilespmem:v0+s21+$0x230 ss:$0x1], $0xffff;
	[tilespmem:v0+s19+$0x40 ss:$0x1] =	vst.idx.msk $0xffff, v9;
	s23 =	sor.u32 s24, s23  }
0x33: {  	[tilespmem:v0+s19+$0x50 ss:$0x1] =	vst.idx.msk $0xffff, v10;
	v5 =	vld.idx.msk [tilespmem:v0+s21+$0x250 ss:$0x1], $0xffff;
	s23 =	sshrl.u32 s23, $0x2  }
0x34: {  	[tilespmem:v0+s19+$0x60 ss:$0x1] =	vst.idx.msk $0xffff, v11;
	v2 =	vld.idx.msk [tilespmem:v0+s21+$0x260 ss:$0x1], $0xffff;
	s23 =	sadd.s32 s23, s17  }
0x35: {  	s27 =	simm.s32 $0x80;
	s26 =	simm.s32 $0x100;
	[tilespmem:v0+s23+$0x0 ss:$0x1] =	vst.idx.msk $0xffff, v4;
	v4 =	vld.idx.msk [tilespmem:v0+s21+$0x240 ss:$0x1], $0xffff  }
0x36: {  	s25 =	smov.u32 s19;
	s28 =	sand.u32 $0x100, s27;
	v8 =	vld.idx.msk [tilespmem:v0+s21+$0x0 ss:$0x1], $0xffff;
	[tilespmem:v0+s19+$0x70 ss:$0x1] =	vst.idx.msk $0xffff, v12;
	s24 =	sadd.s32 $0x80, s21  }
.LBB1_5:
0x37: {  	p2 =	sne.s32 s26, $0x180;
	v9 =	vld.idx.msk [tilespmem:v0+s24+$0x10 ss:$0x1], $0xffff;
	s27 =	sand.u32 $0x80, s27;
	s28 =	sadd.s32 s28, s15;
	[tilespmem:v0+s25+$0x410 ss:$0x1] =	vst.idx.msk $0xffff, v7  }
0x38: {  	s28 =	sadd.s32 s27, s28;
	v7 =	vld.idx.msk [tilespmem:v0+s24+$0x270 ss:$0x1], $0xffff;
	[tilespmem:v0+s25+$0x420 ss:$0x1] =	vst.idx.msk $0xffff, v6;
	s27 =	smov.u32 s26  }
0x39: {  	v6 =	vld.idx.msk [tilespmem:v1+s28+$0x200 ss:$0x1], $0xffff;
	[tilespmem:v0+s25+$0x430 ss:$0x1] =	vst.idx.msk $0xffff, v3  }
0x3a: {  	v3 =	vld.idx.msk [tilespmem:v0+s24+$0x20 ss:$0x1], $0xffff;
	[tilespmem:v0+s25+$0x440 ss:$0x1] =	vst.idx.msk $0xffff, v4  }
0x3b: {  	v4 =	vld.idx.msk [tilespmem:v0+s24+$0x30 ss:$0x1], $0xffff;
	[tilespmem:v0+s25+$0x450 ss:$0x1] =	vst.idx.msk $0xffff, v5  }
0x3c: {  	v5 =	vld.idx.msk [tilespmem:v0+s24+$0x40 ss:$0x1], $0xffff;
	[tilespmem:v0+s25+$0x0 ss:$0x1] =	vst.idx.msk $0xffff, v8  }
0x3d: {  	v8 =	vld.idx.msk [tilespmem:v0+s24+$0x50 ss:$0x1], $0xffff;
	[tilespmem:v0+s25+$0x460 ss:$0x1] =	vst.idx.msk $0xffff, v2;
	s25 =	sadd.s32 $0x800, s25  }
0x3e: {  	s23 =	sadd.s32 $0x800, s23;
	v2 =	vld.idx.msk [tilespmem:v0+s24+$0x60 ss:$0x1], $0xffff;
	[tilespmem:v0+s25+$0x470 ss:$0x1] =	vst.idx.msk $0xffff, v7  }
0x3f: {  	v10 =	vld.idx.msk [tilespmem:v0+s24+$0x70 ss:$0x1], $0xffff;
	[tilespmem:v0+s23+$0x0 ss:$0x1] =	vst.idx.msk $0xffff, v6  }
0x40: {  	[tilespmem:v0+s25+$0x10 ss:$0x1] =	vst.idx.msk $0xffff, v9;
	v7 =	vld.idx.msk [tilespmem:v0+s24+$0x210 ss:$0x1], $0xffff  }
0x41: {  	[tilespmem:v0+s25+$0x20 ss:$0x1] =	vst.idx.msk $0xffff, v3;
	v6 =	vld.idx.msk [tilespmem:v0+s24+$0x220 ss:$0x1], $0xffff  }
.Ltmp3:
0x42: {  	[tilespmem:v0+s25+$0x30 ss:$0x1] =	vst.idx.msk $0xffff, v4;
	v3 =	vld.idx.msk [tilespmem:v0+s24+$0x230 ss:$0x1], $0xffff;
	(pc) =	sbr.rel @p2 .LBB1_5-.Ltmp3, $4  }
0x43: {  	[tilespmem:v0+s25+$0x40 ss:$0x1] =	vst.idx.msk $0xffff, v5;
	v4 =	vld.idx.msk [tilespmem:v0+s24+$0x240 ss:$0x1], $0xffff  }
0x44: {  	[tilespmem:v0+s25+$0x50 ss:$0x1] =	vst.idx.msk $0xffff, v8;
	v5 =	vld.idx.msk [tilespmem:v0+s24+$0x250 ss:$0x1], $0xffff  }
0x45: {  	[tilespmem:v0+s25+$0x60 ss:$0x1] =	vst.idx.msk $0xffff, v2;
	v2 =	vld.idx.msk [tilespmem:v0+s24+$0x260 ss:$0x1], $0xffff  }
0x46: {  	s26 =	sadd.s32 $0x80, s26;
	s28 =	sand.u32 $0x100, s27;
	v8 =	vld.idx.msk [tilespmem:v0+s24+$0x0 ss:$0x1], $0xffff;
	[tilespmem:v0+s25+$0x70 ss:$0x1] =	vst.idx.msk $0xffff, v10;
	s24 =	sadd.s32 $0x80, s24  }
0x47: {  	_ =	sdelay $0x3  }
0x48: {  	[tilespmem:v0+s25+$0x410 ss:$0x1] =	vst.idx.msk $0xffff, v7  }
0x49: {  	[tilespmem:v0+s25+$0x420 ss:$0x1] =	vst.idx.msk $0xffff, v6  }
0x4a: {  	v56 =	vld.idx.msk [tilespmem:v0+s24+$0x270 ss:$0x1], $0xffff;
	[tilespmem:v0+s25+$0x430 ss:$0x1] =	vst.idx.msk $0xffff, v3  }
0x4b: {  	v3 =	vld.idx.msk [tilespmem:v0+s24+$0x10 ss:$0x1], $0xffff;
	[tilespmem:v0+s25+$0x440 ss:$0x1] =	vst.idx.msk $0xffff, v4  }
0x4c: {  	v57 =	vld.idx.msk [tilespmem:v0+s24+$0x20 ss:$0x1], $0xffff;
	[tilespmem:v0+s25+$0x450 ss:$0x1] =	vst.idx.msk $0xffff, v5  }
0x4d: {  	s26 =	sand.u32 $0x80, s27;
	s30 =	sadd.s32 s28, s15;
	v58 =	vld.idx.msk [tilespmem:v0+s24+$0x30 ss:$0x1], $0xffff;
	[tilespmem:v0+s25+$0x460 ss:$0x1] =	vst.idx.msk $0xffff, v2  }
0x4e: {  	s31 =	sadd.s32 $0x800, s25;
	v59 =	vld.idx.msk [tilespmem:v0+s24+$0x50 ss:$0x1], $0xffff;
	s26 =	sadd.s32 s26, s30;
	[tilespmem:v0+s25+$0x0 ss:$0x1] =	vst.idx.msk $0xffff, v8  }
0x4f: {  	v1 =	vld.idx.msk [tilespmem:v1+s26+$0x200 ss:$0x1], $0xffff;
	[tilespmem:v0+s31+$0x470 ss:$0x1] =	vst.idx.msk $0xffff, v56  }
0x50: {  	v60 =	vld.idx.msk [tilespmem:v0+s24+$0x210 ss:$0x1], $0xffff;
	[tilespmem:v0+s31+$0x10 ss:$0x1] =	vst.idx.msk $0xffff, v3  }
0x51: {  	v61 =	vld.idx.msk [tilespmem:v0+s24+$0x220 ss:$0x1], $0xffff;
	[tilespmem:v0+s31+$0x20 ss:$0x1] =	vst.idx.msk $0xffff, v57  }
0x52: {  	v2 =	vld.idx.msk [tilespmem:v0+s24+$0x40 ss:$0x1], $0xffff;
	[tilespmem:v0+s31+$0x30 ss:$0x1] =	vst.idx.msk $0xffff, v58  }
0x53: {  	s23 =	sadd.s32 $0x800, s23;
	v3 =	vld.idx.msk [tilespmem:v0+s24+$0x70 ss:$0x1], $0xffff;
	[tilespmem:v0+s31+$0x50 ss:$0x1] =	vst.idx.msk $0xffff, v59  }
0x54: {  	[tilespmem:v0+s23+$0x0 ss:$0x1] =	vst.idx.msk $0xffff, v1;
	v1 =	vld.idx.msk [tilespmem:v0+s24+$0x60 ss:$0x1], $0xffff  }
0x55: {  	v62 =	vld.idx.msk [tilespmem:v0+s24+$0x240 ss:$0x1], $0xffff;
	[tilespmem:v0+s31+$0x410 ss:$0x1] =	vst.idx.msk $0xffff, v60  }
0x56: {  	v63 =	vld.idx.msk [tilespmem:v0+s24+$0x260 ss:$0x1], $0xffff;
	[tilespmem:v0+s31+$0x420 ss:$0x1] =	vst.idx.msk $0xffff, v61  }
0x57: {  	[tilespmem:v0+s31+$0x40 ss:$0x1] =	vst.idx.msk $0xffff, v2;
	v2 =	vld.idx.msk [tilespmem:v0+s24+$0x230 ss:$0x1], $0xffff  }
0x58: {  	s22 =	sadd.s32 $0x1, s22;
	[tilespmem:v0+s31+$0x70 ss:$0x1] =	vst.idx.msk $0xffff, v3;
	v3 =	vld.idx.msk [tilespmem:v0+s24+$0x0 ss:$0x1], $0xffff  }
0x59: {  	p2 =	sne.s32 s22, $0x8;
	[tilespmem:v0+s31+$0x60 ss:$0x1] =	vst.idx.msk $0xffff, v1;
	v1 =	vld.idx.msk [tilespmem:v0+s24+$0x250 ss:$0x1], $0xffff  }
.Ltmp4:
0x5a: {  	[tilespmem:v0+s31+$0x440 ss:$0x1] =	vst.idx.msk $0xffff, v62;
	(pc) =	sbr.rel @p2 .LBB1_4-.Ltmp4, $4  }
0x5b: {  	[tilespmem:v0+s31+$0x460 ss:$0x1] =	vst.idx.msk $0xffff, v63  }
0x5c: {  	[tilespmem:v0+s31+$0x430 ss:$0x1] =	vst.idx.msk $0xffff, v2  }
0x5d: {  	s21 =	sadd.s32 $0x400, s21;
	[tilespmem:v0+s31+$0x0 ss:$0x1] =	vst.idx.msk $0xffff, v3  }
0x5e: {  	s20 =	sadd.s32 $0x80, s20;
	p1 =	por !p1, !p1;
	s19 =	sadd.s32 $0x80, s19;
	[tilespmem:v0+s31+$0x450 ss:$0x1] =	vst.idx.msk $0xffff, v1  }
.Ltmp5:
0x5f: {  	(pc) =	sbr.rel @p0 .LBB1_3-.Ltmp5, $2  }
0x60: {  	_ =	sdelay $0x2  }
0x61: {  	s18 =	simm.s32 $0x2000;
	p1 =	por $0x0, $0x0  }
.Ltmp6:
0x62: {  	(pc) =	sbr.rel .LBB1_9-.Ltmp6, $4  }
0x63: {  	_ = 	snop  }
0x64: {  	s12 =	sshll.u32 s12, $0xA  }
0x65: {  	s12 =	sadd.s32 s4, s12  }
0x66: {  	[hbm4b:s12+s8] =	stream.linear.scatter [tilespmem:s14], [sflag:$0x2], $0x4000, $0x38;
	[tilespmem:$0x10000] =	vst v63  }
.LBB1_10:
0x67: {  	_ =	sfence.sel $0x180000  }
0x68: {  	s2 =	simm.s32 $0x1;
	[bflag:$0x0] =	sbarrier.arrive $0xFFFF  }
0x69: {  	s31 =	simm.s32 $0x2;
	[sflag:s2] =	ssyncpa.u1 $0x1  }
0x6a: {  	[sflag:s31] =	ssyncpa.u1 $0x1  }
0x6b: {  	p0 =	sne.s32 s0, $0x0;
	_ =	strace $0x9000004D  }
0x6c: {  	s0 =	sadd.s32 @!p0 $0x100000, s1;
	[bflag:$0x2] =	sbarrier.arrive $0xFFFF  }
0x6d: {  	[sflag:s0] =	ssyncadd.tile.s32 @!p0 $0x1;
	_ =	shalt  }
.Lfunc_end1:
_tile_overlayer_lowered:
.L_overlay_start_2:
0x6e: {  	(tag) =	ssettag $0x2  }
0x6f: {  	s0 =	rddreg [dreg:$0x0];
	s2 =	stileid.u32  }
0x70: {  	s1 =	rddreg [dreg:$0x1];
	p0 =	sne.s32 s2, $0x0  }
0x71: {  	s3 =	rddreg [dreg:$0x2];
	[bflag:$0x3] =	sbarrier.arrive $0xFFFF;
	s2 =	simm.s32 @!p0 $0x1C01  }
0x72: {  	[timem:s3], [sflag:s2] =	dma.local @!p0 [hbm:s0], s1  }
0x73: {  	s0 =	simm.s32 @!p0 $0x1  }
0x74: {  	_ =	swait.ge @!p0 [sflag:s0], s1  }
0x75: {  	s1 =	ssub.s32 @!p0 $0x0, s1;
	[sflag:s0] =	ssyncset.done @!p0 $0x0  }
0x76: {  	[sflag:s0] =	ssyncadd.s32 @!p0 s1  }
0x77: {  	[bflag:$0x3] =	sbarrier.arrive $0xFFFF  }
0x78: {  	_ =	shalt  }

</sc_bundles>
